<compile_context>
chip_gen: v7x
topology: tpu7x:2x2x1
jax: 0.10.2.dev20260603
libtpu: 0.0.44.dev20260713+nightly
codegen_flags: <defaults>
</compile_context>

<pallas_src>
import numpy as np
import jax
import jax.numpy as jnp
from jax import lax
from jax.experimental import pallas as pl
from jax.experimental.pallas import tpu as pltpu
from jax.experimental.pallas import tpu_sc as plsc

_L = 16
_LOG2_T = 19
_T = 1 << _LOG2_T
_MASK = np.int32((1 << _LOG2_T) - 1)
_K1 = np.uint32(2654435761).astype(np.int32)
_K2 = np.uint32(805459861).astype(np.int32)

_NC = 2
_NS = 16
_NW = _NC * _NS
_LANES = 16

_n_min = np.float32(16.0)
_n_max = np.float32(512.0)
_b = np.float32(np.exp((np.log(_n_max) - np.log(_n_min)) / np.float32(_L - 1)))
_RES = [np.float32(np.floor(_n_min * _b ** np.float32(l))) for l in range(_L)]
_GS = [np.float32(1.0) / r for r in _RES]

_CHUNK = 1024
_H = 512


def _encoder_body(
    xt_hbm, tab_hbm, gs_hbm, out_hbm,
    xvA, xvB, wA, wB, idxA, idxB, rowsA, rowsB, outvA, outvB, gsv, stab,
    semA, semB, semXA, semXB, semO,
):
    cid = lax.axis_index("c")
    sid = lax.axis_index("s")
    wid = sid * _NC + cid
    n_points = out_hbm.shape[0] // (2 * _L)
    ppw = n_points // _NW
    nchunk = ppw // _CHUNK
    base = wid * ppw

    pltpu.sync_copy(gs_hbm, gsv)
    iota16 = lax.iota(jnp.int32, _LANES)

    def _hash_pass(gs, xv, off, idxr, wr):
        @pl.loop(0, _H // _LANES)
        def _p1(g):
            lo = g * _LANES
            o = off + lo
            x0 = xv[0, pl.ds(o, _LANES)]
            x1 = xv[1, pl.ds(o, _LANES)]
            x2 = xv[2, pl.ds(o, _LANES)]
            b0 = (x0 / gs).astype(jnp.int32)
            b1 = (x1 / gs).astype(jnp.int32)
            b2 = (x2 / gs).astype(jnp.int32)
            v0 = b0.astype(jnp.float32) * gs
            v1 = b1.astype(jnp.float32) * gs
            v2 = b2.astype(jnp.float32) * gs
            wr[pl.ds(lo, _LANES)] = (x0 - v0) / ((v0 + gs) - v0)
            wr[pl.ds(_H + lo, _LANES)] = (x1 - v1) / ((v1 + gs) - v1)
            wr[pl.ds(2 * _H + lo, _LANES)] = (x2 - v2) / ((v2 + gs) - v2)
            a1 = b1 * _K1
            a2 = b2 * _K2
            b0p = b0 + 1
            a1p = a1 + _K1
            a2p = a2 + _K2
            corners = (
                b0 ^ a1 ^ a2,
                b0 ^ a1 ^ a2p,
                b0 ^ a1p ^ a2,
                b0 ^ a1p ^ a2p,
                b0p ^ a1 ^ a2,
                b0p ^ a1 ^ a2p,
                b0p ^ a1p ^ a2,
                b0p ^ a1p ^ a2p,
            )
            for c in range(8):
                h0 = corners[c] & _MASK
                idxr[pl.ds(c * _H + lo, _LANES)] = h0
                idxr[pl.ds(8 * _H + c * _H + lo, _LANES)] = h0 + _T

    def _lerp_pass(oo, rowsr, wr, outv):
        @pl.loop(0, _H // _LANES)
        def _p2(g):
            lo = g * _LANES
            w0 = wr[pl.ds(lo, _LANES)]
            w1 = wr[pl.ds(_H + lo, _LANES)]
            w2 = wr[pl.ds(2 * _H + lo, _LANES)]
            m0 = 1.0 - w0
            m1 = 1.0 - w1
            m2 = 1.0 - w2
            for f in range(2):
                fo = f * (8 * _H) + lo
                e = [rowsr[pl.ds(c * _H + fo, _LANES)] for c in range(8)]
                c00 = e[0] * m0 + e[4] * w0
                c01 = e[1] * m0 + e[5] * w0
                c10 = e[2] * m0 + e[6] * w0
                c11 = e[3] * m0 + e[7] * w0
                c0 = c00 * m1 + c10 * w1
                c1 = c01 * m1 + c11 * w1
                cc = c0 * m2 + c1 * w2
                outv[pl.ds(f * _CHUNK + oo + lo, _LANES)] = cc

    sl = 2 * _T // _NS

    @pl.loop(0, _L)
    def _level(l):
        gs = lax.gather(
            gsv[...],
            (iota16 * 0 + l)[:, None],
            lax.GatherDimensionNumbers(
                offset_dims=(),
                collapsed_slice_dims=(0,),
                start_index_map=(0,),
            ),
            (1,),
            mode=lax.GatherScatterMode.PROMISE_IN_BOUNDS,
        )
        plsc.subcore_barrier()
        pltpu.sync_copy(
            tab_hbm.at[pl.ds(l * (2 * _T) + sid * sl, sl)],
            stab.at[pl.ds(sid * sl, sl)],
        )
        plsc.subcore_barrier()

        def _xload(ci, xv, sem):
            return pltpu.async_copy(
                xt_hbm.at[:, pl.ds(base + ci * _CHUNK, _CHUNK)], xv, sem
            )

        def _gather0():
            return pltpu.async_copy(stab.at[idxA], rowsA, semA)

        def _gather1():
            return pltpu.async_copy(stab.at[idxB], rowsB, semB)

        def _out_store(ci, outv):
            obase = 2 * l * n_points + base + ci * _CHUNK
            d0 = pltpu.async_copy(
                outv.at[pl.ds(0, _CHUNK)],
                out_hbm.at[pl.ds(obase, _CHUNK)],
                semO,
            )
            d1 = pltpu.async_copy(
                outv.at[pl.ds(_CHUNK, _CHUNK)],
                out_hbm.at[pl.ds(obase + n_points, _CHUNK)],
                semO,
            )
            return d0, d1

        _xload(0, xvA, semXA).wait()
        _hash_pass(gs, xvA, 0, idxA, wA)
        _gather0()

        @pl.loop(0, nchunk // 2)
        def _chunk(j):
            c0 = 2 * j
            cn = jnp.minimum(c0 + 2, nchunk - 1)
            dxB = _xload(c0 + 1, xvB, semXB)
            _hash_pass(gs, xvA, _H, idxB, wB)
            gB = _gather1()
            pltpu.make_async_copy(stab.at[idxA], rowsA, semA).wait()
            _lerp_pass(0, rowsA, wA, outvA)
            dxB.wait()
            _hash_pass(gs, xvB, 0, idxA, wA)
            _gather0()
            gB.wait()
            _lerp_pass(_H, rowsB, wB, outvA)
            oA = _out_store(c0, outvA)
            dxA = _xload(cn, xvA, semXA)
            _hash_pass(gs, xvB, _H, idxB, wB)
            gB2 = _gather1()
            pltpu.make_async_copy(stab.at[idxA], rowsA, semA).wait()
            _lerp_pass(0, rowsA, wA, outvB)
            dxA.wait()
            _hash_pass(gs, xvA, 0, idxA, wA)
            _gather0()
            gB2.wait()
            _lerp_pass(_H, rowsB, wB, outvB)
            oB = _out_store(c0 + 1, outvB)
            oA[0].wait()
            oA[1].wait()
            oB[0].wait()
            oB[1].wait()

        pltpu.make_async_copy(stab.at[idxA], rowsA, semA).wait()


def kernel(x, tables):
    n_points = x.shape[0]
    tab = tables.transpose(0, 2, 1).reshape(_L * 2 * _T)

    mesh = plsc.VectorSubcoreMesh(core_axis_name="c", subcore_axis_name="s")
    enc = pl.kernel(
        _encoder_body,
        out_type=jax.ShapeDtypeStruct((2 * _L * n_points,), jnp.float32),
        mesh=mesh,
        scratch_types=[
            pltpu.VMEM((3, _CHUNK), jnp.float32),
            pltpu.VMEM((3, _CHUNK), jnp.float32),
            pltpu.VMEM((3 * _H,), jnp.float32),
            pltpu.VMEM((3 * _H,), jnp.float32),
            pltpu.VMEM((16 * _H,), jnp.int32),
            pltpu.VMEM((16 * _H,), jnp.int32),
            pltpu.VMEM((16 * _H,), jnp.float32),
            pltpu.VMEM((16 * _H,), jnp.float32),
            pltpu.VMEM((2 * _CHUNK,), jnp.float32),
            pltpu.VMEM((2 * _CHUNK,), jnp.float32),
            pltpu.VMEM((_LANES,), jnp.float32),
            pltpu.VMEM_SHARED((2 * _T,), jnp.float32),
            pltpu.SemaphoreType.DMA,
            pltpu.SemaphoreType.DMA,
            pltpu.SemaphoreType.DMA,
            pltpu.SemaphoreType.DMA,
            pltpu.SemaphoreType.DMA,
        ],
    )
    out = enc(x.T, tab, jnp.asarray(_GS, dtype=jnp.float32))
    return out.reshape(2 * _L, n_points).T

# --- scband reference (transcript-rebuilt; emitter-appended) ---
"""Pipeline reference for scband-multiresolution-hash-encoder-12713103196377 (READ-ONLY COPY).

The authoritative reference and input builder live on the scoring server;
editing this copy changes nothing except your own understanding.
"""

import jax, jax.numpy as jnp
import numpy as np

L = 16
LOG2_T = 19
FD = 2
MASK = np.uint32((1 << LOG2_T) - 1)
BOX_MIN = jnp.zeros((3,), dtype=jnp.float32)
BOX_MAX = jnp.ones((3,), dtype=jnp.float32)
BOX_OFFSETS = jnp.array([[i, j, k] for i in (0, 1) for j in (0, 1) for k in (0, 1)], dtype=jnp.uint32)  # [8,3]

_n_min = np.float32(16.0)
_n_max = np.float32(512.0)
_b = np.float32(np.exp((np.log(_n_max) - np.log(_n_min)) / np.float32(L - 1)))
RES = [np.float32(np.floor(_n_min * _b ** np.float32(l))) for l in range(L)]


def _hash(coords):
    # coords: uint32[B,8,3]; torch runs this in int64 but the final & mask (< 2**19)
    # makes uint32 wraparound arithmetic bit-identical on the retained low bits.
    h = coords[..., 0] * jnp.uint32(1)
    h = h ^ (coords[..., 1] * jnp.uint32(2654435761))
    h = h ^ (coords[..., 2] * jnp.uint32(805459861))
    return (h & jnp.uint32(MASK)).astype(jnp.int32)


def setup_inputs(seed: int = 0) -> dict:
    key = jax.random.key(seed)
    x = jax.random.uniform(key, (524288, 3), dtype=jnp.float32)
    kt = jax.random.fold_in(key, 1)
    tables = jax.random.uniform(kt, (L, 2 ** LOG2_T, FD), dtype=jnp.float32, minval=-0.0001, maxval=0.0001)
    return {"x": x, "tables": tables}


def reference(x, tables):
    outs = []
    for l in range(L):
        res = jnp.float32(RES[l])
        grid_size = (BOX_MAX - BOX_MIN) / res  # [3]
        bl = jnp.floor((x - BOX_MIN) / grid_size).astype(jnp.int32)  # [B,3]
        vmin = bl.astype(jnp.float32) * grid_size + BOX_MIN
        vmax = vmin + grid_size
        vidx = bl[:, None, :].astype(jnp.uint32) + BOX_OFFSETS[None, :, :]  # [B,8,3]
        hidx = _hash(vidx)  # int32[B,8]
        emb = jnp.take(tables[l], hidx, axis=0)  # [B,8,F]
        w = (x - vmin) / (vmax - vmin)  # [B,3]
        w0 = w[:, 0:1]; w1 = w[:, 1:2]; w2 = w[:, 2:3]
        c00 = emb[:, 0] * (1 - w0) + emb[:, 4] * w0
        c01 = emb[:, 1] * (1 - w0) + emb[:, 5] * w0
        c10 = emb[:, 2] * (1 - w0) + emb[:, 6] * w0
        c11 = emb[:, 3] * (1 - w0) + emb[:, 7] * w0
        c0 = c00 * (1 - w1) + c10 * w1
        c1 = c01 * (1 - w1) + c11 * w1
        c = c0 * (1 - w2) + c1 * w2
        outs.append(c)
    return jnp.concatenate(outs, axis=-1)

if __name__ == "__main__":
    import jax
    _d = setup_inputs()
    print(jax.jit(kernel)(*tuple(_d.values())))

</pallas_src>

<mosaic_0001>
#map = affine_map<(d0, d1) -> (0, 0)>
#map1 = affine_map<(d0, d1) -> (0)>
module attributes {stable_mosaic.version = 14 : i64} {
  func.func @_encoder_body(%arg0: i32, %arg1: i32, %arg2: memref<3x524288xf32, #tpu.memory_space<hbm>>, %arg3: memref<16777216xf32, #tpu.memory_space<hbm>>, %arg4: memref<16xf32, #tpu.memory_space<hbm>>, %arg5: memref<16777216xf32, #tpu.memory_space<hbm>>, %arg6: memref<3x1024xf32, #tpu.memory_space<vmem>>, %arg7: memref<3x1024xf32, #tpu.memory_space<vmem>>, %arg8: memref<1536xf32, #tpu.memory_space<vmem>>, %arg9: memref<1536xf32, #tpu.memory_space<vmem>>, %arg10: memref<8192xi32, #tpu.memory_space<vmem>>, %arg11: memref<8192xi32, #tpu.memory_space<vmem>>, %arg12: memref<8192xf32, #tpu.memory_space<vmem>>, %arg13: memref<8192xf32, #tpu.memory_space<vmem>>, %arg14: memref<2048xf32, #tpu.memory_space<vmem>>, %arg15: memref<2048xf32, #tpu.memory_space<vmem>>, %arg16: memref<16xf32, #tpu.memory_space<vmem>>, %arg17: memref<1048576xf32, #tpu.memory_space<vmem_shared>>, %arg18: memref<!tpu.dma_semaphore, #tpu.memory_space<semaphore_mem>>, %arg19: memref<!tpu.dma_semaphore, #tpu.memory_space<semaphore_mem>>, %arg20: memref<!tpu.dma_semaphore, #tpu.memory_space<semaphore_mem>>, %arg21: memref<!tpu.dma_semaphore, #tpu.memory_space<semaphore_mem>>, %arg22: memref<!tpu.dma_semaphore, #tpu.memory_space<semaphore_mem>>) attributes {dimension_semantics = [#tpu.dimension_semantics<core_parallel>, #tpu.dimension_semantics<subcore_parallel>], iteration_bounds = array<i64: 2, 16>, scalar_prefetch = 0 : i64, scratch_operands = 17 : i64, tpu.core_type = #tpu.core_type<sc_vector_subcore>, window_params = [{transform_indices = #map}, {transform_indices = #map1}, {transform_indices = #map1}, {transform_indices = #map1}]} {
    %mul3A = arith.constant 2 : i32
    %mul3A_0 = arith.muli %arg1, %mul3A : i32
    %add3A = arith.addi %mul3A_0, %arg0 : i32
    %mul3A_1 = arith.constant 16384 : i32
    %mul3A_2 = arith.muli %add3A, %mul3A_1 : i32
    "tpu.region"() ({
      %run_scoped3A = tpu.sem_alloc : memref<!tpu.dma_semaphore, #tpu.memory_space<semaphore_mem>>
      tpu.enqueue_dma source(%arg4 : memref<16xf32, #tpu.memory_space<hbm>>) target(%arg16 : memref<16xf32, #tpu.memory_space<vmem>>) target_semaphore(%run_scoped3A : memref<!tpu.dma_semaphore, #tpu.memory_space<semaphore_mem>>)
      tpu.wait_dma2 semaphore(%run_scoped3A : memref<!tpu.dma_semaphore, #tpu.memory_space<semaphore_mem>>) src(%arg4 : memref<16xf32, #tpu.memory_space<hbm>>) dst(%arg16 : memref<16xf32, #tpu.memory_space<vmem>>)
      tpu.yield
    }) : () -> ()
    %iota3A = tpu.iota {dimensions = array<i32: 0>} : vector<16xi32>
    %scan3A = arith.constant 0 : i32
    %scan3A_3 = arith.constant 16 : i32
    %scan3A_4 = arith.addi %scan3A, %scan3A_3 : i32
    %scan3A_5 = arith.constant 1 : i32
    scf.for %scan3A_7 = %scan3A to %scan3A_4 step %scan3A_5  : i32 {
      %mul3A_8 = arith.constant 1 : i32
      %mul3A_9 = arith.muli %scan3A_7, %mul3A_8 : i32
      %add3A_10 = arith.constant 0 : i32
      %add3A_11 = arith.addi %add3A_10, %mul3A_9 : i32
      %get3A = arith.constant 0 : index
      %get3A_12 = tpu.vector_load %arg16[%get3A] {strides = array<i32>} : memref<16xf32, #tpu.memory_space<vmem>>, vector<16xf32>,
      %get3A_13 = vector.shape_cast %get3A_12 : vector<16xf32> to vector<16xf32>
      %mul3A_14 = arith.constant 0 : i32
      %mul3A_15 = vector.broadcast %mul3A_14 : i32 to vector<16xi32>
      %mul3A_16 = arith.muli %iota3A, %mul3A_15 : vector<16xi32>
      %add3A_17 = vector.broadcast %add3A_11 : i32 to vector<16xi32>
      %add3A_18 = arith.addi %mul3A_16, %add3A_17 : vector<16xi32>
      %broadcast_in_dim3A = vector.shape_cast %add3A_18 : vector<16xi32> to vector<16x1xi32>
      %gather3A = vector.shape_cast %broadcast_in_dim3A : vector<16x1xi32> to vector<16xi32>
      %gather3A_19 = tpu.dynamic_gather %get3A_13[%gather3A] in [0] : vector<16xf32>, vector<16xi32> -> vector<16xf32>
      %barrier3A = arith.constant 0 : index
      tpu.barrier barrier_id(%barrier3A)
      %mul3A_20 = arith.constant 1048576 : i32
      %mul3A_21 = arith.muli %add3A_11, %mul3A_20 : i32
      %mul3A_22 = arith.constant 65536 : i32
      %mul3A_23 = arith.muli %arg1, %mul3A_22 : i32
      %add3A_24 = arith.addi %mul3A_21, %mul3A_23 : i32
      %mul3A_25 = arith.constant 65536 : i32
      %mul3A_26 = arith.muli %arg1, %mul3A_25 : i32
      "tpu.region"() ({
        %run_scoped3A = tpu.sem_alloc : memref<!tpu.dma_semaphore, #tpu.memory_space<semaphore_mem>>
        %dma_start3A_50 = tpu.memref_slice %arg17[%mul3A_26] : memref<1048576xf32, #tpu.memory_space<vmem_shared>> -> memref<65536xf32, #tpu.memory_space<vmem_shared>>
        %dma_start3A_51 = tpu.memref_slice %arg3[%add3A_24] : memref<16777216xf32, #tpu.memory_space<hbm>> -> memref<65536xf32, #tpu.memory_space<hbm>>
        tpu.enqueue_dma source(%dma_start3A_51 : memref<65536xf32, #tpu.memory_space<hbm>>) target(%dma_start3A_50 : memref<65536xf32, #tpu.memory_space<vmem_shared>>) target_semaphore(%run_scoped3A : memref<!tpu.dma_semaphore, #tpu.memory_space<semaphore_mem>>)
        %dma_wait3A_52 = tpu.memref_slice %arg17[%mul3A_26] : memref<1048576xf32, #tpu.memory_space<vmem_shared>> -> memref<65536xf32, #tpu.memory_space<vmem_shared>>
        %dma_wait3A_53 = tpu.memref_slice %arg3[%add3A_24] : memref<16777216xf32, #tpu.memory_space<hbm>> -> memref<65536xf32, #tpu.memory_space<hbm>>
        tpu.wait_dma2 semaphore(%run_scoped3A : memref<!tpu.dma_semaphore, #tpu.memory_space<semaphore_mem>>) src(%dma_wait3A_53 : memref<65536xf32, #tpu.memory_space<hbm>>) dst(%dma_wait3A_52 : memref<65536xf32, #tpu.memory_space<vmem_shared>>)
        tpu.yield
      }) : () -> ()
      %barrier3A_27 = arith.constant 0 : index
      tpu.barrier barrier_id(%barrier3A_27)
      %add3A_28 = arith.constant 0 : i32
      %add3A_29 = arith.addi %mul3A_2, %add3A_28 : i32
      %dma_start3A = arith.constant 0 : i32
      %dma_start3A_30 = tpu.memref_slice %arg2[%dma_start3A, %add3A_29] : memref<3x524288xf32, #tpu.memory_space<hbm>> -> memref<3x1024xf32, #tpu.memory_space<hbm>>
      %dma_start3A_31 = arith.constant 0 : i32
      %dma_start3A_32 = tpu.memref_slice %arg2[%dma_start3A_31, %add3A_29] : memref<3x524288xf32, #tpu.memory_space<hbm>> -> memref<3x1024xf32, #tpu.memory_space<hbm>>
      tpu.enqueue_dma source(%dma_start3A_32 : memref<3x1024xf32, #tpu.memory_space<hbm>>) target(%arg6 : memref<3x1024xf32, #tpu.memory_space<vmem>>) target_semaphore(%arg20 : memref<!tpu.dma_semaphore, #tpu.memory_space<semaphore_mem>>)
      %dma_wait3A = arith.constant 0 : i32
      %dma_wait3A_33 = tpu.memref_slice %arg2[%dma_wait3A, %add3A_29] : memref<3x524288xf32, #tpu.memory_space<hbm>> -> memref<3x1024xf32, #tpu.memory_space<hbm>>
      %dma_wait3A_34 = arith.constant 0 : i32
      %dma_wait3A_35 = tpu.memref_slice %arg2[%dma_wait3A_34, %add3A_29] : memref<3x524288xf32, #tpu.memory_space<hbm>> -> memref<3x1024xf32, #tpu.memory_space<hbm>>
      tpu.wait_dma2 semaphore(%arg20 : memref<!tpu.dma_semaphore, #tpu.memory_space<semaphore_mem>>) src(%dma_wait3A_35 : memref<3x1024xf32, #tpu.memory_space<hbm>>) dst(%arg6 : memref<3x1024xf32, #tpu.memory_space<vmem>>)
      %scan3A_36 = arith.constant 0 : i32
      %scan3A_37 = arith.constant 32 : i32
      %scan3A_38 = arith.addi %scan3A_36, %scan3A_37 : i32
      %scan3A_39 = arith.constant 1 : i32
      scf.for %scan3A_50 = %scan3A_36 to %scan3A_38 step %scan3A_39  : i32 {
        %mul3A_51 = arith.constant 1 : i32
        %mul3A_52 = arith.muli %scan3A_50, %mul3A_51 : i32
        %add3A_53 = arith.constant 0 : i32
        %add3A_54 = arith.addi %add3A_53, %mul3A_52 : i32
        %mul3A_55 = arith.constant 16 : i32
        %mul3A_56 = arith.muli %add3A_54, %mul3A_55 : i32
        %add3A_57 = arith.constant 0 : i32
        %add3A_58 = arith.addi %add3A_57, %mul3A_56 : i32
        %get3A_59 = arith.constant 0 : i32
        %get3A_60 = arith.index_cast %get3A_59 : i32 to index
        %get3A_61 = arith.index_cast %add3A_58 : i32 to index
        %get3A_62 = tpu.vector_load %arg6[%get3A_60, %get3A_61] {strides = array<i32>} : memref<3x1024xf32, #tpu.memory_space<vmem>>, vector<1x16xf32>,
        %get3A_63 = vector.shape_cast %get3A_62 : vector<1x16xf32> to vector<16xf32>
        %get3A_64 = arith.constant 1 : i32
        %get3A_65 = arith.index_cast %get3A_64 : i32 to index
        %get3A_66 = arith.index_cast %add3A_58 : i32 to index
        %get3A_67 = tpu.vector_load %arg6[%get3A_65, %get3A_66] {strides = array<i32>} : memref<3x1024xf32, #tpu.memory_space<vmem>>, vector<1x16xf32>,
        %get3A_68 = vector.shape_cast %get3A_67 : vector<1x16xf32> to vector<16xf32>
        %get3A_69 = arith.constant 2 : i32
        %get3A_70 = arith.index_cast %get3A_69 : i32 to index
        %get3A_71 = arith.index_cast %add3A_58 : i32 to index
        %get3A_72 = tpu.vector_load %arg6[%get3A_70, %get3A_71] {strides = array<i32>} : memref<3x1024xf32, #tpu.memory_space<vmem>>, vector<1x16xf32>,
        %get3A_73 = vector.shape_cast %get3A_72 : vector<1x16xf32> to vector<16xf32>
        %div3A = arith.divf %get3A_63, %gather3A_19 : vector<16xf32>
        %convert_element_type3A = arith.fptosi %div3A : vector<16xf32> to vector<16xi32>
        %div3A_74 = arith.divf %get3A_68, %gather3A_19 : vector<16xf32>
        %convert_element_type3A_75 = arith.fptosi %div3A_74 : vector<16xf32> to vector<16xi32>
        %div3A_76 = arith.divf %get3A_73, %gather3A_19 : vector<16xf32>
        %convert_element_type3A_77 = arith.fptosi %div3A_76 : vector<16xf32> to vector<16xi32>
        %convert_element_type3A_78 = arith.sitofp %convert_element_type3A : vector<16xi32> to vector<16xf32>
        %mul3A_79 = arith.mulf %convert_element_type3A_78, %gather3A_19 : vector<16xf32>
        %convert_element_type3A_80 = arith.sitofp %convert_element_type3A_75 : vector<16xi32> to vector<16xf32>
        %mul3A_81 = arith.mulf %convert_element_type3A_80, %gather3A_19 : vector<16xf32>
        %convert_element_type3A_82 = arith.sitofp %convert_element_type3A_77 : vector<16xi32> to vector<16xf32>
        %mul3A_83 = arith.mulf %convert_element_type3A_82, %gather3A_19 : vector<16xf32>
        %sub3A = arith.subf %get3A_63, %mul3A_79 : vector<16xf32>
        %add3A_84 = arith.addf %mul3A_79, %gather3A_19 : vector<16xf32>
        %sub3A_85 = arith.subf %add3A_84, %mul3A_79 : vector<16xf32>
        %div3A_86 = arith.divf %sub3A, %sub3A_85 : vector<16xf32>
        %swap3A = arith.index_cast %mul3A_56 : i32 to index
        %swap3A_87 = tpu.vector_load %arg8[%swap3A] {strides = array<i32>} : memref<1536xf32, #tpu.memory_space<vmem>>, vector<16xf32>,
        %swap3A_88 = vector.shape_cast %swap3A_87 : vector<16xf32> to vector<16xf32>
        %swap3A_89 = vector.shape_cast %div3A_86 : vector<16xf32> to vector<16xf32>
        tpu.vector_store %arg8[%swap3A], %swap3A_89 {strides = array<i32>} : memref<1536xf32, #tpu.memory_space<vmem>>, vector<16xf32>,
        %sub3A_90 = arith.subf %get3A_68, %mul3A_81 : vector<16xf32>
        %add3A_91 = arith.addf %mul3A_81, %gather3A_19 : vector<16xf32>
        %sub3A_92 = arith.subf %add3A_91, %mul3A_81 : vector<16xf32>
        %div3A_93 = arith.divf %sub3A_90, %sub3A_92 : vector<16xf32>
        %add3A_94 = arith.constant 512 : i32
        %add3A_95 = arith.addi %add3A_94, %mul3A_56 : i32
        %swap3A_96 = arith.index_cast %add3A_95 : i32 to index
        %swap3A_97 = tpu.vector_load %arg8[%swap3A_96] {strides = array<i32>} : memref<1536xf32, #tpu.memory_space<vmem>>, vector<16xf32>,
        %swap3A_98 = vector.shape_cast %swap3A_97 : vector<16xf32> to vector<16xf32>
        %swap3A_99 = vector.shape_cast %div3A_93 : vector<16xf32> to vector<16xf32>
        tpu.vector_store %arg8[%swap3A_96], %swap3A_99 {strides = array<i32>} : memref<1536xf32, #tpu.memory_space<vmem>>, vector<16xf32>,
        %sub3A_100 = arith.subf %get3A_73, %mul3A_83 : vector<16xf32>
        %add3A_101 = arith.addf %mul3A_83, %gather3A_19 : vector<16xf32>
        %sub3A_102 = arith.subf %add3A_101, %mul3A_83 : vector<16xf32>
        %div3A_103 = arith.divf %sub3A_100, %sub3A_102 : vector<16xf32>
        %add3A_104 = arith.constant 1024 : i32
        %add3A_105 = arith.addi %add3A_104, %mul3A_56 : i32
        %swap3A_106 = arith.index_cast %add3A_105 : i32 to index
        %swap3A_107 = tpu.vector_load %arg8[%swap3A_106] {strides = array<i32>} : memref<1536xf32, #tpu.memory_space<vmem>>, vector<16xf32>,
        %swap3A_108 = vector.shape_cast %swap3A_107 : vector<16xf32> to vector<16xf32>
        %swap3A_109 = vector.shape_cast %div3A_103 : vector<16xf32> to vector<16xf32>
        tpu.vector_store %arg8[%swap3A_106], %swap3A_109 {strides = array<i32>} : memref<1536xf32, #tpu.memory_space<vmem>>, vector<16xf32>,
        %mul3A_110 = arith.constant -1640531535 : i32
        %mul3A_111 = vector.broadcast %mul3A_110 : i32 to vector<16xi32>
        %mul3A_112 = arith.muli %convert_element_type3A_75, %mul3A_111 : vector<16xi32>
        %mul3A_113 = arith.constant 805459861 : i32
        %mul3A_114 = vector.broadcast %mul3A_113 : i32 to vector<16xi32>
        %mul3A_115 = arith.muli %convert_element_type3A_77, %mul3A_114 : vector<16xi32>
        %add3A_116 = arith.constant 1 : i32
        %add3A_117 = vector.broadcast %add3A_116 : i32 to vector<16xi32>
        %add3A_118 = arith.addi %convert_element_type3A, %add3A_117 : vector<16xi32>
        %add3A_119 = arith.constant -1640531535 : i32
        %add3A_120 = vector.broadcast %add3A_119 : i32 to vector<16xi32>
        %add3A_121 = arith.addi %mul3A_112, %add3A_120 : vector<16xi32>
        %add3A_122 = arith.constant 805459861 : i32
        %add3A_123 = vector.broadcast %add3A_122 : i32 to vector<16xi32>
        %add3A_124 = arith.addi %mul3A_115, %add3A_123 : vector<16xi32>
        %xor3A = arith.xori %convert_element_type3A, %mul3A_112 : vector<16xi32>
        %xor3A_125 = arith.xori %xor3A, %mul3A_115 : vector<16xi32>
        %xor3A_126 = arith.xori %convert_element_type3A, %mul3A_112 : vector<16xi32>
        %xor3A_127 = arith.xori %xor3A_126, %add3A_124 : vector<16xi32>
        %xor3A_128 = arith.xori %convert_element_type3A, %add3A_121 : vector<16xi32>
        %xor3A_129 = arith.xori %xor3A_128, %mul3A_115 : vector<16xi32>
        %xor3A_130 = arith.xori %convert_element_type3A, %add3A_121 : vector<16xi32>
        %xor3A_131 = arith.xori %xor3A_130, %add3A_124 : vector<16xi32>
        %xor3A_132 = arith.xori %add3A_118, %mul3A_112 : vector<16xi32>
        %xor3A_133 = arith.xori %xor3A_132, %mul3A_115 : vector<16xi32>
        %xor3A_134 = arith.xori %add3A_118, %mul3A_112 : vector<16xi32>
        %xor3A_135 = arith.xori %xor3A_134, %add3A_124 : vector<16xi32>
        %xor3A_136 = arith.xori %add3A_118, %add3A_121 : vector<16xi32>
        %xor3A_137 = arith.xori %xor3A_136, %mul3A_115 : vector<16xi32>
        %xor3A_138 = arith.xori %add3A_118, %add3A_121 : vector<16xi32>
        %xor3A_139 = arith.xori %xor3A_138, %add3A_124 : vector<16xi32>
        %and3A = arith.constant 524287 : i32
        %and3A_140 = vector.broadcast %and3A : i32 to vector<16xi32>
        %and3A_141 = arith.andi %xor3A_125, %and3A_140 : vector<16xi32>
        %add3A_142 = arith.constant 0 : i32
        %add3A_143 = arith.addi %add3A_142, %mul3A_56 : i32
        %swap3A_144 = arith.index_cast %add3A_143 : i32 to index
        %swap3A_145 = tpu.vector_load %arg10[%swap3A_144] {strides = array<i32>} : memref<8192xi32, #tpu.memory_space<vmem>>, vector<16xi32>,
        %swap3A_146 = vector.shape_cast %swap3A_145 : vector<16xi32> to vector<16xi32>
        %swap3A_147 = vector.shape_cast %and3A_141 : vector<16xi32> to vector<16xi32>
        tpu.vector_store %arg10[%swap3A_144], %swap3A_147 {strides = array<i32>} : memref<8192xi32, #tpu.memory_space<vmem>>, vector<16xi32>,
        %add3A_148 = arith.constant 524288 : i32
        %add3A_149 = vector.broadcast %add3A_148 : i32 to vector<16xi32>
        %add3A_150 = arith.addi %and3A_141, %add3A_149 : vector<16xi32>
        %add3A_151 = arith.constant 4096 : i32
        %add3A_152 = arith.addi %add3A_151, %mul3A_56 : i32
        %swap3A_153 = arith.index_cast %add3A_152 : i32 to index
        %swap3A_154 = tpu.vector_load %arg10[%swap3A_153] {strides = array<i32>} : memref<8192xi32, #tpu.memory_space<vmem>>, vector<16xi32>,
        %swap3A_155 = vector.shape_cast %swap3A_154 : vector<16xi32> to vector<16xi32>
        %swap3A_156 = vector.shape_cast %add3A_150 : vector<16xi32> to vector<16xi32>
        tpu.vector_store %arg10[%swap3A_153], %swap3A_156 {strides = array<i32>} : memref<8192xi32, #tpu.memory_space<vmem>>, vector<16xi32>,
        %and3A_157 = arith.constant 524287 : i32
        %and3A_158 = vector.broadcast %and3A_157 : i32 to vector<16xi32>
        %and3A_159 = arith.andi %xor3A_127, %and3A_158 : vector<16xi32>
        %add3A_160 = arith.constant 512 : i32
        %add3A_161 = arith.addi %add3A_160, %mul3A_56 : i32
        %swap3A_162 = arith.index_cast %add3A_161 : i32 to index
        %swap3A_163 = tpu.vector_load %arg10[%swap3A_162] {strides = array<i32>} : memref<8192xi32, #tpu.memory_space<vmem>>, vector<16xi32>,
        %swap3A_164 = vector.shape_cast %swap3A_163 : vector<16xi32> to vector<16xi32>
        %swap3A_165 = vector.shape_cast %and3A_159 : vector<16xi32> to vector<16xi32>
        tpu.vector_store %arg10[%swap3A_162], %swap3A_165 {strides = array<i32>} : memref<8192xi32, #tpu.memory_space<vmem>>, vector<16xi32>,
        %add3A_166 = arith.constant 524288 : i32
        %add3A_167 = vector.broadcast %add3A_166 : i32 to vector<16xi32>
        %add3A_168 = arith.addi %and3A_159, %add3A_167 : vector<16xi32>
        %add3A_169 = arith.constant 4608 : i32
        %add3A_170 = arith.addi %add3A_169, %mul3A_56 : i32
        %swap3A_171 = arith.index_cast %add3A_170 : i32 to index
        %swap3A_172 = tpu.vector_load %arg10[%swap3A_171] {strides = array<i32>} : memref<8192xi32, #tpu.memory_space<vmem>>, vector<16xi32>,
        %swap3A_173 = vector.shape_cast %swap3A_172 : vector<16xi32> to vector<16xi32>
        %swap3A_174 = vector.shape_cast %add3A_168 : vector<16xi32> to vector<16xi32>
        tpu.vector_store %arg10[%swap3A_171], %swap3A_174 {strides = array<i32>} : memref<8192xi32, #tpu.memory_space<vmem>>, vector<16xi32>,
        %and3A_175 = arith.constant 524287 : i32
        %and3A_176 = vector.broadcast %and3A_175 : i32 to vector<16xi32>
        %and3A_177 = arith.andi %xor3A_129, %and3A_176 : vector<16xi32>
        %add3A_178 = arith.constant 1024 : i32
        %add3A_179 = arith.addi %add3A_178, %mul3A_56 : i32
        %swap3A_180 = arith.index_cast %add3A_179 : i32 to index
        %swap3A_181 = tpu.vector_load %arg10[%swap3A_180] {strides = array<i32>} : memref<8192xi32, #tpu.memory_space<vmem>>, vector<16xi32>,
        %swap3A_182 = vector.shape_cast %swap3A_181 : vector<16xi32> to vector<16xi32>
        %swap3A_183 = vector.shape_cast %and3A_177 : vector<16xi32> to vector<16xi32>
        tpu.vector_store %arg10[%swap3A_180], %swap3A_183 {strides = array<i32>} : memref<8192xi32, #tpu.memory_space<vmem>>, vector<16xi32>,
        %add3A_184 = arith.constant 524288 : i32
        %add3A_185 = vector.broadcast %add3A_184 : i32 to vector<16xi32>
        %add3A_186 = arith.addi %and3A_177, %add3A_185 : vector<16xi32>
        %add3A_187 = arith.constant 5120 : i32
        %add3A_188 = arith.addi %add3A_187, %mul3A_56 : i32
        %swap3A_189 = arith.index_cast %add3A_188 : i32 to index
        %swap3A_190 = tpu.vector_load %arg10[%swap3A_189] {strides = array<i32>} : memref<8192xi32, #tpu.memory_space<vmem>>, vector<16xi32>,
        %swap3A_191 = vector.shape_cast %swap3A_190 : vector<16xi32> to vector<16xi32>
        %swap3A_192 = vector.shape_cast %add3A_186 : vector<16xi32> to vector<16xi32>
        tpu.vector_store %arg10[%swap3A_189], %swap3A_192 {strides = array<i32>} : memref<8192xi32, #tpu.memory_space<vmem>>, vector<16xi32>,
        %and3A_193 = arith.constant 524287 : i32
        %and3A_194 = vector.broadcast %and3A_193 : i32 to vector<16xi32>
        %and3A_195 = arith.andi %xor3A_131, %and3A_194 : vector<16xi32>
        %add3A_196 = arith.constant 1536 : i32
        %add3A_197 = arith.addi %add3A_196, %mul3A_56 : i32
        %swap3A_198 = arith.index_cast %add3A_197 : i32 to index
        %swap3A_199 = tpu.vector_load %arg10[%swap3A_198] {strides = array<i32>} : memref<8192xi32, #tpu.memory_space<vmem>>, vector<16xi32>,
        %swap3A_200 = vector.shape_cast %swap3A_199 : vector<16xi32> to vector<16xi32>
        %swap3A_201 = vector.shape_cast %and3A_195 : vector<16xi32> to vector<16xi32>
        tpu.vector_store %arg10[%swap3A_198], %swap3A_201 {strides = array<i32>} : memref<8192xi32, #tpu.memory_space<vmem>>, vector<16xi32>,
        %add3A_202 = arith.constant 524288 : i32
        %add3A_203 = vector.broadcast %add3A_202 : i32 to vector<16xi32>
        %add3A_204 = arith.addi %and3A_195, %add3A_203 : vector<16xi32>
        %add3A_205 = arith.constant 5632 : i32
        %add3A_206 = arith.addi %add3A_205, %mul3A_56 : i32
        %swap3A_207 = arith.index_cast %add3A_206 : i32 to index
        %swap3A_208 = tpu.vector_load %arg10[%swap3A_207] {strides = array<i32>} : memref<8192xi32, #tpu.memory_space<vmem>>, vector<16xi32>,
        %swap3A_209 = vector.shape_cast %swap3A_208 : vector<16xi32> to vector<16xi32>
        %swap3A_210 = vector.shape_cast %add3A_204 : vector<16xi32> to vector<16xi32>
        tpu.vector_store %arg10[%swap3A_207], %swap3A_210 {strides = array<i32>} : memref<8192xi32, #tpu.memory_space<vmem>>, vector<16xi32>,
        %and3A_211 = arith.constant 524287 : i32
        %and3A_212 = vector.broadcast %and3A_211 : i32 to vector<16xi32>
        %and3A_213 = arith.andi %xor3A_133, %and3A_212 : vector<16xi32>
        %add3A_214 = arith.constant 2048 : i32
        %add3A_215 = arith.addi %add3A_214, %mul3A_56 : i32
        %swap3A_216 = arith.index_cast %add3A_215 : i32 to index
        %swap3A_217 = tpu.vector_load %arg10[%swap3A_216] {strides = array<i32>} : memref<8192xi32, #tpu.memory_space<vmem>>, vector<16xi32>,
        %swap3A_218 = vector.shape_cast %swap3A_217 : vector<16xi32> to vector<16xi32>
        %swap3A_219 = vector.shape_cast %and3A_213 : vector<16xi32> to vector<16xi32>
        tpu.vector_store %arg10[%swap3A_216], %swap3A_219 {strides = array<i32>} : memref<8192xi32, #tpu.memory_space<vmem>>, vector<16xi32>,
        %add3A_220 = arith.constant 524288 : i32
        %add3A_221 = vector.broadcast %add3A_220 : i32 to vector<16xi32>
        %add3A_222 = arith.addi %and3A_213, %add3A_221 : vector<16xi32>
        %add3A_223 = arith.constant 6144 : i32
        %add3A_224 = arith.addi %add3A_223, %mul3A_56 : i32
        %swap3A_225 = arith.index_cast %add3A_224 : i32 to index
        %swap3A_226 = tpu.vector_load %arg10[%swap3A_225] {strides = array<i32>} : memref<8192xi32, #tpu.memory_space<vmem>>, vector<16xi32>,
        %swap3A_227 = vector.shape_cast %swap3A_226 : vector<16xi32> to vector<16xi32>
        %swap3A_228 = vector.shape_cast %add3A_222 : vector<16xi32> to vector<16xi32>
        tpu.vector_store %arg10[%swap3A_225], %swap3A_228 {strides = array<i32>} : memref<8192xi32, #tpu.memory_space<vmem>>, vector<16xi32>,
        %and3A_229 = arith.constant 524287 : i32
        %and3A_230 = vector.broadcast %and3A_229 : i32 to vector<16xi32>
        %and3A_231 = arith.andi %xor3A_135, %and3A_230 : vector<16xi32>
        %add3A_232 = arith.constant 2560 : i32
        %add3A_233 = arith.addi %add3A_232, %mul3A_56 : i32
        %swap3A_234 = arith.index_cast %add3A_233 : i32 to index
        %swap3A_235 = tpu.vector_load %arg10[%swap3A_234] {strides = array<i32>} : memref<8192xi32, #tpu.memory_space<vmem>>, vector<16xi32>,
        %swap3A_236 = vector.shape_cast %swap3A_235 : vector<16xi32> to vector<16xi32>
        %swap3A_237 = vector.shape_cast %and3A_231 : vector<16xi32> to vector<16xi32>
        tpu.vector_store %arg10[%swap3A_234], %swap3A_237 {strides = array<i32>} : memref<8192xi32, #tpu.memory_space<vmem>>, vector<16xi32>,
        %add3A_238 = arith.constant 524288 : i32
        %add3A_239 = vector.broadcast %add3A_238 : i32 to vector<16xi32>
        %add3A_240 = arith.addi %and3A_231, %add3A_239 : vector<16xi32>
        %add3A_241 = arith.constant 6656 : i32
        %add3A_242 = arith.addi %add3A_241, %mul3A_56 : i32
        %swap3A_243 = arith.index_cast %add3A_242 : i32 to index
        %swap3A_244 = tpu.vector_load %arg10[%swap3A_243] {strides = array<i32>} : memref<8192xi32, #tpu.memory_space<vmem>>, vector<16xi32>,
        %swap3A_245 = vector.shape_cast %swap3A_244 : vector<16xi32> to vector<16xi32>
        %swap3A_246 = vector.shape_cast %add3A_240 : vector<16xi32> to vector<16xi32>
        tpu.vector_store %arg10[%swap3A_243], %swap3A_246 {strides = array<i32>} : memref<8192xi32, #tpu.memory_space<vmem>>, vector<16xi32>,
        %and3A_247 = arith.constant 524287 : i32
        %and3A_248 = vector.broadcast %and3A_247 : i32 to vector<16xi32>
        %and3A_249 = arith.andi %xor3A_137, %and3A_248 : vector<16xi32>
        %add3A_250 = arith.constant 3072 : i32
        %add3A_251 = arith.addi %add3A_250, %mul3A_56 : i32
        %swap3A_252 = arith.index_cast %add3A_251 : i32 to index
        %swap3A_253 = tpu.vector_load %arg10[%swap3A_252] {strides = array<i32>} : memref<8192xi32, #tpu.memory_space<vmem>>, vector<16xi32>,
        %swap3A_254 = vector.shape_cast %swap3A_253 : vector<16xi32> to vector<16xi32>
        %swap3A_255 = vector.shape_cast %and3A_249 : vector<16xi32> to vector<16xi32>
        tpu.vector_store %arg10[%swap3A_252], %swap3A_255 {strides = array<i32>} : memref<8192xi32, #tpu.memory_space<vmem>>, vector<16xi32>,
        %add3A_256 = arith.constant 524288 : i32
        %add3A_257 = vector.broadcast %add3A_256 : i32 to vector<16xi32>
        %add3A_258 = arith.addi %and3A_249, %add3A_257 : vector<16xi32>
        %add3A_259 = arith.constant 7168 : i32
        %add3A_260 = arith.addi %add3A_259, %mul3A_56 : i32
        %swap3A_261 = arith.index_cast %add3A_260 : i32 to index
        %swap3A_262 = tpu.vector_load %arg10[%swap3A_261] {strides = array<i32>} : memref<8192xi32, #tpu.memory_space<vmem>>, vector<16xi32>,
        %swap3A_263 = vector.shape_cast %swap3A_262 : vector<16xi32> to vector<16xi32>
        %swap3A_264 = vector.shape_cast %add3A_258 : vector<16xi32> to vector<16xi32>
        tpu.vector_store %arg10[%swap3A_261], %swap3A_264 {strides = array<i32>} : memref<8192xi32, #tpu.memory_space<vmem>>, vector<16xi32>,
        %and3A_265 = arith.constant 524287 : i32
        %and3A_266 = vector.broadcast %and3A_265 : i32 to vector<16xi32>
        %and3A_267 = arith.andi %xor3A_139, %and3A_266 : vector<16xi32>
        %add3A_268 = arith.constant 3584 : i32
        %add3A_269 = arith.addi %add3A_268, %mul3A_56 : i32
        %swap3A_270 = arith.index_cast %add3A_269 : i32 to index
        %swap3A_271 = tpu.vector_load %arg10[%swap3A_270] {strides = array<i32>} : memref<8192xi32, #tpu.memory_space<vmem>>, vector<16xi32>,
        %swap3A_272 = vector.shape_cast %swap3A_271 : vector<16xi32> to vector<16xi32>
        %swap3A_273 = vector.shape_cast %and3A_267 : vector<16xi32> to vector<16xi32>
        tpu.vector_store %arg10[%swap3A_270], %swap3A_273 {strides = array<i32>} : memref<8192xi32, #tpu.memory_space<vmem>>, vector<16xi32>,
        %add3A_274 = arith.constant 524288 : i32
        %add3A_275 = vector.broadcast %add3A_274 : i32 to vector<16xi32>
        %add3A_276 = arith.addi %and3A_267, %add3A_275 : vector<16xi32>
        %add3A_277 = arith.constant 7680 : i32
        %add3A_278 = arith.addi %add3A_277, %mul3A_56 : i32
        %swap3A_279 = arith.index_cast %add3A_278 : i32 to index
        %swap3A_280 = tpu.vector_load %arg10[%swap3A_279] {strides = array<i32>} : memref<8192xi32, #tpu.memory_space<vmem>>, vector<16xi32>,
        %swap3A_281 = vector.shape_cast %swap3A_280 : vector<16xi32> to vector<16xi32>
        %swap3A_282 = vector.shape_cast %add3A_276 : vector<16xi32> to vector<16xi32>
        tpu.vector_store %arg10[%swap3A_279], %swap3A_282 {strides = array<i32>} : memref<8192xi32, #tpu.memory_space<vmem>>, vector<16xi32>,
      }
      %scan3A_40 = arith.constant 32 : i32
      %dma_start3A_41 = arith.constant 0 : i32
      %dma_start3A_42 = tpu.memref_slice %arg17[%dma_start3A_41] : memref<1048576xf32, #tpu.memory_space<vmem_shared>> -> memref<1048576xf32, #tpu.memory_space<vmem_shared>>
      tpu.enqueue_indirect_dma source(%dma_start3A_42 : memref<1048576xf32, #tpu.memory_space<vmem_shared>>) target(%arg12 : memref<8192xf32, #tpu.memory_space<vmem>>) offsets(%arg10 : memref<8192xi32, #tpu.memory_space<vmem>>) semaphore(%arg18 : memref<!tpu.dma_semaphore, #tpu.memory_space<semaphore_mem>>)
      %scan3A_43 = arith.constant 0 : i32
      %scan3A_44 = arith.constant 8 : i32
      %scan3A_45 = arith.addi %scan3A_43, %scan3A_44 : i32
      %scan3A_46 = arith.constant 1 : i32
      scf.for %scan3A_50 = %scan3A_43 to %scan3A_45 step %scan3A_46  : i32 {
        %mul3A_51 = arith.constant 1 : i32
        %mul3A_52 = arith.muli %scan3A_50, %mul3A_51 : i32
        %add3A_53 = arith.constant 0 : i32
        %add3A_54 = arith.addi %add3A_53, %mul3A_52 : i32
        %mul3A_55 = arith.constant 2 : i32
        %mul3A_56 = arith.muli %mul3A_55, %add3A_54 : i32
        %add3A_57 = arith.constant 2 : i32
        %add3A_58 = arith.addi %mul3A_56, %add3A_57 : i32
        %min3A = arith.constant 15 : i32
        %min3A_59 = arith.minsi %add3A_58, %min3A : i32
        %add3A_60 = arith.constant 1 : i32
        %add3A_61 = arith.addi %mul3A_56, %add3A_60 : i32
        %mul3A_62 = arith.constant 1024 : i32
        %mul3A_63 = arith.muli %add3A_61, %mul3A_62 : i32
        %add3A_64 = arith.addi %mul3A_2, %mul3A_63 : i32
        %dma_start3A_65 = arith.constant 0 : i32
        %dma_start3A_66 = tpu.memref_slice %arg2[%dma_start3A_65, %add3A_64] : memref<3x524288xf32, #tpu.memory_space<hbm>> -> memref<3x1024xf32, #tpu.memory_space<hbm>>
        %dma_start3A_67 = arith.constant 0 : i32
        %dma_start3A_68 = tpu.memref_slice %arg2[%dma_start3A_67, %add3A_64] : memref<3x524288xf32, #tpu.memory_space<hbm>> -> memref<3x1024xf32, #tpu.memory_space<hbm>>
        tpu.enqueue_dma source(%dma_start3A_68 : memref<3x1024xf32, #tpu.memory_space<hbm>>) target(%arg7 : memref<3x1024xf32, #tpu.memory_space<vmem>>) target_semaphore(%arg21 : memref<!tpu.dma_semaphore, #tpu.memory_space<semaphore_mem>>)
        %scan3A_69 = arith.constant 0 : i32
        %scan3A_70 = arith.constant 32 : i32
        %scan3A_71 = arith.addi %scan3A_69, %scan3A_70 : i32
        %scan3A_72 = arith.constant 1 : i32
        scf.for %scan3A_210 = %scan3A_69 to %scan3A_71 step %scan3A_72  : i32 {
          %mul3A_211 = arith.constant 1 : i32
          %mul3A_212 = arith.muli %scan3A_210, %mul3A_211 : i32
          %add3A_213 = arith.constant 0 : i32
          %add3A_214 = arith.addi %add3A_213, %mul3A_212 : i32
          %mul3A_215 = arith.constant 16 : i32
          %mul3A_216 = arith.muli %add3A_214, %mul3A_215 : i32
          %add3A_217 = arith.constant 512 : i32
          %add3A_218 = arith.addi %add3A_217, %mul3A_216 : i32
          %get3A_219 = arith.constant 0 : i32
          %get3A_220 = arith.index_cast %get3A_219 : i32 to index
          %get3A_221 = arith.index_cast %add3A_218 : i32 to index
          %get3A_222 = tpu.vector_load %arg6[%get3A_220, %get3A_221] {strides = array<i32>} : memref<3x1024xf32, #tpu.memory_space<vmem>>, vector<1x16xf32>,
          %get3A_223 = vector.shape_cast %get3A_222 : vector<1x16xf32> to vector<16xf32>
          %get3A_224 = arith.constant 1 : i32
          %get3A_225 = arith.index_cast %get3A_224 : i32 to index
          %get3A_226 = arith.index_cast %add3A_218 : i32 to index
          %get3A_227 = tpu.vector_load %arg6[%get3A_225, %get3A_226] {strides = array<i32>} : memref<3x1024xf32, #tpu.memory_space<vmem>>, vector<1x16xf32>,
          %get3A_228 = vector.shape_cast %get3A_227 : vector<1x16xf32> to vector<16xf32>
          %get3A_229 = arith.constant 2 : i32
          %get3A_230 = arith.index_cast %get3A_229 : i32 to index
          %get3A_231 = arith.index_cast %add3A_218 : i32 to index
          %get3A_232 = tpu.vector_load %arg6[%get3A_230, %get3A_231] {strides = array<i32>} : memref<3x1024xf32, #tpu.memory_space<vmem>>, vector<1x16xf32>,
          %get3A_233 = vector.shape_cast %get3A_232 : vector<1x16xf32> to vector<16xf32>
          %div3A = arith.divf %get3A_223, %gather3A_19 : vector<16xf32>
          %convert_element_type3A = arith.fptosi %div3A : vector<16xf32> to vector<16xi32>
          %div3A_234 = arith.divf %get3A_228, %gather3A_19 : vector<16xf32>
          %convert_element_type3A_235 = arith.fptosi %div3A_234 : vector<16xf32> to vector<16xi32>
          %div3A_236 = arith.divf %get3A_233, %gather3A_19 : vector<16xf32>
          %convert_element_type3A_237 = arith.fptosi %div3A_236 : vector<16xf32> to vector<16xi32>
          %convert_element_type3A_238 = arith.sitofp %convert_element_type3A : vector<16xi32> to vector<16xf32>
          %mul3A_239 = arith.mulf %convert_element_type3A_238, %gather3A_19 : vector<16xf32>
          %convert_element_type3A_240 = arith.sitofp %convert_element_type3A_235 : vector<16xi32> to vector<16xf32>
          %mul3A_241 = arith.mulf %convert_element_type3A_240, %gather3A_19 : vector<16xf32>
          %convert_element_type3A_242 = arith.sitofp %convert_element_type3A_237 : vector<16xi32> to vector<16xf32>
          %mul3A_243 = arith.mulf %convert_element_type3A_242, %gather3A_19 : vector<16xf32>
          %sub3A = arith.subf %get3A_223, %mul3A_239 : vector<16xf32>
          %add3A_244 = arith.addf %mul3A_239, %gather3A_19 : vector<16xf32>
          %sub3A_245 = arith.subf %add3A_244, %mul3A_239 : vector<16xf32>
          %div3A_246 = arith.divf %sub3A, %sub3A_245 : vector<16xf32>
          %swap3A = arith.index_cast %mul3A_216 : i32 to index
          %swap3A_247 = tpu.vector_load %arg9[%swap3A] {strides = array<i32>} : memref<1536xf32, #tpu.memory_space<vmem>>, vector<16xf32>,
          %swap3A_248 = vector.shape_cast %swap3A_247 : vector<16xf32> to vector<16xf32>
          %swap3A_249 = vector.shape_cast %div3A_246 : vector<16xf32> to vector<16xf32>
          tpu.vector_store %arg9[%swap3A], %swap3A_249 {strides = array<i32>} : memref<1536xf32, #tpu.memory_space<vmem>>, vector<16xf32>,
          %sub3A_250 = arith.subf %get3A_228, %mul3A_241 : vector<16xf32>
          %add3A_251 = arith.addf %mul3A_241, %gather3A_19 : vector<16xf32>
          %sub3A_252 = arith.subf %add3A_251, %mul3A_241 : vector<16xf32>
          %div3A_253 = arith.divf %sub3A_250, %sub3A_252 : vector<16xf32>
          %add3A_254 = arith.constant 512 : i32
          %add3A_255 = arith.addi %add3A_254, %mul3A_216 : i32
          %swap3A_256 = arith.index_cast %add3A_255 : i32 to index
          %swap3A_257 = tpu.vector_load %arg9[%swap3A_256] {strides = array<i32>} : memref<1536xf32, #tpu.memory_space<vmem>>, vector<16xf32>,
          %swap3A_258 = vector.shape_cast %swap3A_257 : vector<16xf32> to vector<16xf32>
          %swap3A_259 = vector.shape_cast %div3A_253 : vector<16xf32> to vector<16xf32>
          tpu.vector_store %arg9[%swap3A_256], %swap3A_259 {strides = array<i32>} : memref<1536xf32, #tpu.memory_space<vmem>>, vector<16xf32>,
          %sub3A_260 = arith.subf %get3A_233, %mul3A_243 : vector<16xf32>
          %add3A_261 = arith.addf %mul3A_243, %gather3A_19 : vector<16xf32>
          %sub3A_262 = arith.subf %add3A_261, %mul3A_243 : vector<16xf32>
          %div3A_263 = arith.divf %sub3A_260, %sub3A_262 : vector<16xf32>
          %add3A_264 = arith.constant 1024 : i32
          %add3A_265 = arith.addi %add3A_264, %mul3A_216 : i32
          %swap3A_266 = arith.index_cast %add3A_265 : i32 to index
          %swap3A_267 = tpu.vector_load %arg9[%swap3A_266] {strides = array<i32>} : memref<1536xf32, #tpu.memory_space<vmem>>, vector<16xf32>,
          %swap3A_268 = vector.shape_cast %swap3A_267 : vector<16xf32> to vector<16xf32>
          %swap3A_269 = vector.shape_cast %div3A_263 : vector<16xf32> to vector<16xf32>
          tpu.vector_store %arg9[%swap3A_266], %swap3A_269 {strides = array<i32>} : memref<1536xf32, #tpu.memory_space<vmem>>, vector<16xf32>,
          %mul3A_270 = arith.constant -1640531535 : i32
          %mul3A_271 = vector.broadcast %mul3A_270 : i32 to vector<16xi32>
          %mul3A_272 = arith.muli %convert_element_type3A_235, %mul3A_271 : vector<16xi32>
          %mul3A_273 = arith.constant 805459861 : i32
          %mul3A_274 = vector.broadcast %mul3A_273 : i32 to vector<16xi32>
          %mul3A_275 = arith.muli %convert_element_type3A_237, %mul3A_274 : vector<16xi32>
          %add3A_276 = arith.constant 1 : i32
          %add3A_277 = vector.broadcast %add3A_276 : i32 to vector<16xi32>
          %add3A_278 = arith.addi %convert_element_type3A, %add3A_277 : vector<16xi32>
          %add3A_279 = arith.constant -1640531535 : i32
          %add3A_280 = vector.broadcast %add3A_279 : i32 to vector<16xi32>
          %add3A_281 = arith.addi %mul3A_272, %add3A_280 : vector<16xi32>
          %add3A_282 = arith.constant 805459861 : i32
          %add3A_283 = vector.broadcast %add3A_282 : i32 to vector<16xi32>
          %add3A_284 = arith.addi %mul3A_275, %add3A_283 : vector<16xi32>
          %xor3A = arith.xori %convert_element_type3A, %mul3A_272 : vector<16xi32>
          %xor3A_285 = arith.xori %xor3A, %mul3A_275 : vector<16xi32>
          %xor3A_286 = arith.xori %convert_element_type3A, %mul3A_272 : vector<16xi32>
          %xor3A_287 = arith.xori %xor3A_286, %add3A_284 : vector<16xi32>
          %xor3A_288 = arith.xori %convert_element_type3A, %add3A_281 : vector<16xi32>
          %xor3A_289 = arith.xori %xor3A_288, %mul3A_275 : vector<16xi32>
          %xor3A_290 = arith.xori %convert_element_type3A, %add3A_281 : vector<16xi32>
          %xor3A_291 = arith.xori %xor3A_290, %add3A_284 : vector<16xi32>
          %xor3A_292 = arith.xori %add3A_278, %mul3A_272 : vector<16xi32>
          %xor3A_293 = arith.xori %xor3A_292, %mul3A_275 : vector<16xi32>
          %xor3A_294 = arith.xori %add3A_278, %mul3A_272 : vector<16xi32>
          %xor3A_295 = arith.xori %xor3A_294, %add3A_284 : vector<16xi32>
          %xor3A_296 = arith.xori %add3A_278, %add3A_281 : vector<16xi32>
          %xor3A_297 = arith.xori %xor3A_296, %mul3A_275 : vector<16xi32>
          %xor3A_298 = arith.xori %add3A_278, %add3A_281 : vector<16xi32>
          %xor3A_299 = arith.xori %xor3A_298, %add3A_284 : vector<16xi32>
          %and3A = arith.constant 524287 : i32
          %and3A_300 = vector.broadcast %and3A : i32 to vector<16xi32>
          %and3A_301 = arith.andi %xor3A_285, %and3A_300 : vector<16xi32>
          %add3A_302 = arith.constant 0 : i32
          %add3A_303 = arith.addi %add3A_302, %mul3A_216 : i32
          %swap3A_304 = arith.index_cast %add3A_303 : i32 to index
          %swap3A_305 = tpu.vector_load %arg11[%swap3A_304] {strides = array<i32>} : memref<8192xi32, #tpu.memory_space<vmem>>, vector<16xi32>,
          %swap3A_306 = vector.shape_cast %swap3A_305 : vector<16xi32> to vector<16xi32>
          %swap3A_307 = vector.shape_cast %and3A_301 : vector<16xi32> to vector<16xi32>
          tpu.vector_store %arg11[%swap3A_304], %swap3A_307 {strides = array<i32>} : memref<8192xi32, #tpu.memory_space<vmem>>, vector<16xi32>,
          %add3A_308 = arith.constant 524288 : i32
          %add3A_309 = vector.broadcast %add3A_308 : i32 to vector<16xi32>
          %add3A_310 = arith.addi %and3A_301, %add3A_309 : vector<16xi32>
          %add3A_311 = arith.constant 4096 : i32
          %add3A_312 = arith.addi %add3A_311, %mul3A_216 : i32
          %swap3A_313 = arith.index_cast %add3A_312 : i32 to index
          %swap3A_314 = tpu.vector_load %arg11[%swap3A_313] {strides = array<i32>} : memref<8192xi32, #tpu.memory_space<vmem>>, vector<16xi32>,
          %swap3A_315 = vector.shape_cast %swap3A_314 : vector<16xi32> to vector<16xi32>
          %swap3A_316 = vector.shape_cast %add3A_310 : vector<16xi32> to vector<16xi32>
          tpu.vector_store %arg11[%swap3A_313], %swap3A_316 {strides = array<i32>} : memref<8192xi32, #tpu.memory_space<vmem>>, vector<16xi32>,
          %and3A_317 = arith.constant 524287 : i32
          %and3A_318 = vector.broadcast %and3A_317 : i32 to vector<16xi32>
          %and3A_319 = arith.andi %xor3A_287, %and3A_318 : vector<16xi32>
          %add3A_320 = arith.constant 512 : i32
          %add3A_321 = arith.addi %add3A_320, %mul3A_216 : i32
          %swap3A_322 = arith.index_cast %add3A_321 : i32 to index
          %swap3A_323 = tpu.vector_load %arg11[%swap3A_322] {strides = array<i32>} : memref<8192xi32, #tpu.memory_space<vmem>>, vector<16xi32>,
          %swap3A_324 = vector.shape_cast %swap3A_323 : vector<16xi32> to vector<16xi32>
          %swap3A_325 = vector.shape_cast %and3A_319 : vector<16xi32> to vector<16xi32>
          tpu.vector_store %arg11[%swap3A_322], %swap3A_325 {strides = array<i32>} : memref<8192xi32, #tpu.memory_space<vmem>>, vector<16xi32>,
          %add3A_326 = arith.constant 524288 : i32
          %add3A_327 = vector.broadcast %add3A_326 : i32 to vector<16xi32>
          %add3A_328 = arith.addi %and3A_319, %add3A_327 : vector<16xi32>
          %add3A_329 = arith.constant 4608 : i32
          %add3A_330 = arith.addi %add3A_329, %mul3A_216 : i32
          %swap3A_331 = arith.index_cast %add3A_330 : i32 to index
          %swap3A_332 = tpu.vector_load %arg11[%swap3A_331] {strides = array<i32>} : memref<8192xi32, #tpu.memory_space<vmem>>, vector<16xi32>,
          %swap3A_333 = vector.shape_cast %swap3A_332 : vector<16xi32> to vector<16xi32>
          %swap3A_334 = vector.shape_cast %add3A_328 : vector<16xi32> to vector<16xi32>
          tpu.vector_store %arg11[%swap3A_331], %swap3A_334 {strides = array<i32>} : memref<8192xi32, #tpu.memory_space<vmem>>, vector<16xi32>,
          %and3A_335 = arith.constant 524287 : i32
          %and3A_336 = vector.broadcast %and3A_335 : i32 to vector<16xi32>
          %and3A_337 = arith.andi %xor3A_289, %and3A_336 : vector<16xi32>
          %add3A_338 = arith.constant 1024 : i32
          %add3A_339 = arith.addi %add3A_338, %mul3A_216 : i32
          %swap3A_340 = arith.index_cast %add3A_339 : i32 to index
          %swap3A_341 = tpu.vector_load %arg11[%swap3A_340] {strides = array<i32>} : memref<8192xi32, #tpu.memory_space<vmem>>, vector<16xi32>,
          %swap3A_342 = vector.shape_cast %swap3A_341 : vector<16xi32> to vector<16xi32>
          %swap3A_343 = vector.shape_cast %and3A_337 : vector<16xi32> to vector<16xi32>
          tpu.vector_store %arg11[%swap3A_340], %swap3A_343 {strides = array<i32>} : memref<8192xi32, #tpu.memory_space<vmem>>, vector<16xi32>,
          %add3A_344 = arith.constant 524288 : i32
          %add3A_345 = vector.broadcast %add3A_344 : i32 to vector<16xi32>
          %add3A_346 = arith.addi %and3A_337, %add3A_345 : vector<16xi32>
          %add3A_347 = arith.constant 5120 : i32
          %add3A_348 = arith.addi %add3A_347, %mul3A_216 : i32
          %swap3A_349 = arith.index_cast %add3A_348 : i32 to index
          %swap3A_350 = tpu.vector_load %arg11[%swap3A_349] {strides = array<i32>} : memref<8192xi32, #tpu.memory_space<vmem>>, vector<16xi32>,
          %swap3A_351 = vector.shape_cast %swap3A_350 : vector<16xi32> to vector<16xi32>
          %swap3A_352 = vector.shape_cast %add3A_346 : vector<16xi32> to vector<16xi32>
          tpu.vector_store %arg11[%swap3A_349], %swap3A_352 {strides = array<i32>} : memref<8192xi32, #tpu.memory_space<vmem>>, vector<16xi32>,
          %and3A_353 = arith.constant 524287 : i32
          %and3A_354 = vector.broadcast %and3A_353 : i32 to vector<16xi32>
          %and3A_355 = arith.andi %xor3A_291, %and3A_354 : vector<16xi32>
          %add3A_356 = arith.constant 1536 : i32
          %add3A_357 = arith.addi %add3A_356, %mul3A_216 : i32
          %swap3A_358 = arith.index_cast %add3A_357 : i32 to index
          %swap3A_359 = tpu.vector_load %arg11[%swap3A_358] {strides = array<i32>} : memref<8192xi32, #tpu.memory_space<vmem>>, vector<16xi32>,
          %swap3A_360 = vector.shape_cast %swap3A_359 : vector<16xi32> to vector<16xi32>
          %swap3A_361 = vector.shape_cast %and3A_355 : vector<16xi32> to vector<16xi32>
          tpu.vector_store %arg11[%swap3A_358], %swap3A_361 {strides = array<i32>} : memref<8192xi32, #tpu.memory_space<vmem>>, vector<16xi32>,
          %add3A_362 = arith.constant 524288 : i32
          %add3A_363 = vector.broadcast %add3A_362 : i32 to vector<16xi32>
          %add3A_364 = arith.addi %and3A_355, %add3A_363 : vector<16xi32>
          %add3A_365 = arith.constant 5632 : i32
          %add3A_366 = arith.addi %add3A_365, %mul3A_216 : i32
          %swap3A_367 = arith.index_cast %add3A_366 : i32 to index
          %swap3A_368 = tpu.vector_load %arg11[%swap3A_367] {strides = array<i32>} : memref<8192xi32, #tpu.memory_space<vmem>>, vector<16xi32>,
          %swap3A_369 = vector.shape_cast %swap3A_368 : vector<16xi32> to vector<16xi32>
          %swap3A_370 = vector.shape_cast %add3A_364 : vector<16xi32> to vector<16xi32>
          tpu.vector_store %arg11[%swap3A_367], %swap3A_370 {strides = array<i32>} : memref<8192xi32, #tpu.memory_space<vmem>>, vector<16xi32>,
          %and3A_371 = arith.constant 524287 : i32
          %and3A_372 = vector.broadcast %and3A_371 : i32 to vector<16xi32>
          %and3A_373 = arith.andi %xor3A_293, %and3A_372 : vector<16xi32>
          %add3A_374 = arith.constant 2048 : i32
          %add3A_375 = arith.addi %add3A_374, %mul3A_216 : i32
          %swap3A_376 = arith.index_cast %add3A_375 : i32 to index
          %swap3A_377 = tpu.vector_load %arg11[%swap3A_376] {strides = array<i32>} : memref<8192xi32, #tpu.memory_space<vmem>>, vector<16xi32>,
          %swap3A_378 = vector.shape_cast %swap3A_377 : vector<16xi32> to vector<16xi32>
          %swap3A_379 = vector.shape_cast %and3A_373 : vector<16xi32> to vector<16xi32>
          tpu.vector_store %arg11[%swap3A_376], %swap3A_379 {strides = array<i32>} : memref<8192xi32, #tpu.memory_space<vmem>>, vector<16xi32>,
          %add3A_380 = arith.constant 524288 : i32
          %add3A_381 = vector.broadcast %add3A_380 : i32 to vector<16xi32>
          %add3A_382 = arith.addi %and3A_373, %add3A_381 : vector<16xi32>
          %add3A_383 = arith.constant 6144 : i32
          %add3A_384 = arith.addi %add3A_383, %mul3A_216 : i32
          %swap3A_385 = arith.index_cast %add3A_384 : i32 to index
          %swap3A_386 = tpu.vector_load %arg11[%swap3A_385] {strides = array<i32>} : memref<8192xi32, #tpu.memory_space<vmem>>, vector<16xi32>,
          %swap3A_387 = vector.shape_cast %swap3A_386 : vector<16xi32> to vector<16xi32>
          %swap3A_388 = vector.shape_cast %add3A_382 : vector<16xi32> to vector<16xi32>
          tpu.vector_store %arg11[%swap3A_385], %swap3A_388 {strides = array<i32>} : memref<8192xi32, #tpu.memory_space<vmem>>, vector<16xi32>,
          %and3A_389 = arith.constant 524287 : i32
          %and3A_390 = vector.broadcast %and3A_389 : i32 to vector<16xi32>
          %and3A_391 = arith.andi %xor3A_295, %and3A_390 : vector<16xi32>
          %add3A_392 = arith.constant 2560 : i32
          %add3A_393 = arith.addi %add3A_392, %mul3A_216 : i32
          %swap3A_394 = arith.index_cast %add3A_393 : i32 to index
          %swap3A_395 = tpu.vector_load %arg11[%swap3A_394] {strides = array<i32>} : memref<8192xi32, #tpu.memory_space<vmem>>, vector<16xi32>,
          %swap3A_396 = vector.shape_cast %swap3A_395 : vector<16xi32> to vector<16xi32>
          %swap3A_397 = vector.shape_cast %and3A_391 : vector<16xi32> to vector<16xi32>
          tpu.vector_store %arg11[%swap3A_394], %swap3A_397 {strides = array<i32>} : memref<8192xi32, #tpu.memory_space<vmem>>, vector<16xi32>,
          %add3A_398 = arith.constant 524288 : i32
          %add3A_399 = vector.broadcast %add3A_398 : i32 to vector<16xi32>
          %add3A_400 = arith.addi %and3A_391, %add3A_399 : vector<16xi32>
          %add3A_401 = arith.constant 6656 : i32
          %add3A_402 = arith.addi %add3A_401, %mul3A_216 : i32
          %swap3A_403 = arith.index_cast %add3A_402 : i32 to index
          %swap3A_404 = tpu.vector_load %arg11[%swap3A_403] {strides = array<i32>} : memref<8192xi32, #tpu.memory_space<vmem>>, vector<16xi32>,
          %swap3A_405 = vector.shape_cast %swap3A_404 : vector<16xi32> to vector<16xi32>
          %swap3A_406 = vector.shape_cast %add3A_400 : vector<16xi32> to vector<16xi32>
          tpu.vector_store %arg11[%swap3A_403], %swap3A_406 {strides = array<i32>} : memref<8192xi32, #tpu.memory_space<vmem>>, vector<16xi32>,
          %and3A_407 = arith.constant 524287 : i32
          %and3A_408 = vector.broadcast %and3A_407 : i32 to vector<16xi32>
          %and3A_409 = arith.andi %xor3A_297, %and3A_408 : vector<16xi32>
          %add3A_410 = arith.constant 3072 : i32
          %add3A_411 = arith.addi %add3A_410, %mul3A_216 : i32
          %swap3A_412 = arith.index_cast %add3A_411 : i32 to index
          %swap3A_413 = tpu.vector_load %arg11[%swap3A_412] {strides = array<i32>} : memref<8192xi32, #tpu.memory_space<vmem>>, vector<16xi32>,
          %swap3A_414 = vector.shape_cast %swap3A_413 : vector<16xi32> to vector<16xi32>
          %swap3A_415 = vector.shape_cast %and3A_409 : vector<16xi32> to vector<16xi32>
          tpu.vector_store %arg11[%swap3A_412], %swap3A_415 {strides = array<i32>} : memref<8192xi32, #tpu.memory_space<vmem>>, vector<16xi32>,
          %add3A_416 = arith.constant 524288 : i32
          %add3A_417 = vector.broadcast %add3A_416 : i32 to vector<16xi32>
          %add3A_418 = arith.addi %and3A_409, %add3A_417 : vector<16xi32>
          %add3A_419 = arith.constant 7168 : i32
          %add3A_420 = arith.addi %add3A_419, %mul3A_216 : i32
          %swap3A_421 = arith.index_cast %add3A_420 : i32 to index
          %swap3A_422 = tpu.vector_load %arg11[%swap3A_421] {strides = array<i32>} : memref<8192xi32, #tpu.memory_space<vmem>>, vector<16xi32>,
          %swap3A_423 = vector.shape_cast %swap3A_422 : vector<16xi32> to vector<16xi32>
          %swap3A_424 = vector.shape_cast %add3A_418 : vector<16xi32> to vector<16xi32>
          tpu.vector_store %arg11[%swap3A_421], %swap3A_424 {strides = array<i32>} : memref<8192xi32, #tpu.memory_space<vmem>>, vector<16xi32>,
          %and3A_425 = arith.constant 524287 : i32
          %and3A_426 = vector.broadcast %and3A_425 : i32 to vector<16xi32>
          %and3A_427 = arith.andi %xor3A_299, %and3A_426 : vector<16xi32>
          %add3A_428 = arith.constant 3584 : i32
          %add3A_429 = arith.addi %add3A_428, %mul3A_216 : i32
          %swap3A_430 = arith.index_cast %add3A_429 : i32 to index
          %swap3A_431 = tpu.vector_load %arg11[%swap3A_430] {strides = array<i32>} : memref<8192xi32, #tpu.memory_space<vmem>>, vector<16xi32>,
          %swap3A_432 = vector.shape_cast %swap3A_431 : vector<16xi32> to vector<16xi32>
          %swap3A_433 = vector.shape_cast %and3A_427 : vector<16xi32> to vector<16xi32>
          tpu.vector_store %arg11[%swap3A_430], %swap3A_433 {strides = array<i32>} : memref<8192xi32, #tpu.memory_space<vmem>>, vector<16xi32>,
          %add3A_434 = arith.constant 524288 : i32
          %add3A_435 = vector.broadcast %add3A_434 : i32 to vector<16xi32>
          %add3A_436 = arith.addi %and3A_427, %add3A_435 : vector<16xi32>
          %add3A_437 = arith.constant 7680 : i32
          %add3A_438 = arith.addi %add3A_437, %mul3A_216 : i32
          %swap3A_439 = arith.index_cast %add3A_438 : i32 to index
          %swap3A_440 = tpu.vector_load %arg11[%swap3A_439] {strides = array<i32>} : memref<8192xi32, #tpu.memory_space<vmem>>, vector<16xi32>,
          %swap3A_441 = vector.shape_cast %swap3A_440 : vector<16xi32> to vector<16xi32>
          %swap3A_442 = vector.shape_cast %add3A_436 : vector<16xi32> to vector<16xi32>
          tpu.vector_store %arg11[%swap3A_439], %swap3A_442 {strides = array<i32>} : memref<8192xi32, #tpu.memory_space<vmem>>, vector<16xi32>,
        }
        %scan3A_73 = arith.constant 32 : i32
        %dma_start3A_74 = arith.constant 0 : i32
        %dma_start3A_75 = tpu.memref_slice %arg17[%dma_start3A_74] : memref<1048576xf32, #tpu.memory_space<vmem_shared>> -> memref<1048576xf32, #tpu.memory_space<vmem_shared>>
        tpu.enqueue_indirect_dma source(%dma_start3A_75 : memref<1048576xf32, #tpu.memory_space<vmem_shared>>) target(%arg13 : memref<8192xf32, #tpu.memory_space<vmem>>) offsets(%arg11 : memref<8192xi32, #tpu.memory_space<vmem>>) semaphore(%arg19 : memref<!tpu.dma_semaphore, #tpu.memory_space<semaphore_mem>>)
        %dma_wait3A_76 = arith.constant 0 : i32
        %dma_wait3A_77 = tpu.memref_slice %arg17[%dma_wait3A_76] : memref<1048576xf32, #tpu.memory_space<vmem_shared>> -> memref<1048576xf32, #tpu.memory_space<vmem_shared>>
        tpu.wait_indirect_dma semaphore(%arg18 : memref<!tpu.dma_semaphore, #tpu.memory_space<semaphore_mem>>) src(%dma_wait3A_77 : memref<1048576xf32, #tpu.memory_space<vmem_shared>>) dst(%arg12 : memref<8192xf32, #tpu.memory_space<vmem>>)
        %scan3A_78 = arith.constant 0 : i32
        %scan3A_79 = arith.constant 32 : i32
        %scan3A_80 = arith.addi %scan3A_78, %scan3A_79 : i32
        %scan3A_81 = arith.constant 1 : i32
        scf.for %scan3A_210 = %scan3A_78 to %scan3A_80 step %scan3A_81  : i32 {
          %mul3A_211 = arith.constant 1 : i32
          %mul3A_212 = arith.muli %scan3A_210, %mul3A_211 : i32
          %add3A_213 = arith.constant 0 : i32
          %add3A_214 = arith.addi %add3A_213, %mul3A_212 : i32
          %mul3A_215 = arith.constant 16 : i32
          %mul3A_216 = arith.muli %add3A_214, %mul3A_215 : i32
          %get3A_217 = arith.index_cast %mul3A_216 : i32 to index
          %get3A_218 = tpu.vector_load %arg8[%get3A_217] {strides = array<i32>} : memref<1536xf32, #tpu.memory_space<vmem>>, vector<16xf32>,
          %get3A_219 = vector.shape_cast %get3A_218 : vector<16xf32> to vector<16xf32>
          %add3A_220 = arith.constant 512 : i32
          %add3A_221 = arith.addi %add3A_220, %mul3A_216 : i32
          %get3A_222 = arith.index_cast %add3A_221 : i32 to index
          %get3A_223 = tpu.vector_load %arg8[%get3A_222] {strides = array<i32>} : memref<1536xf32, #tpu.memory_space<vmem>>, vector<16xf32>,
          %get3A_224 = vector.shape_cast %get3A_223 : vector<16xf32> to vector<16xf32>
          %add3A_225 = arith.constant 1024 : i32
          %add3A_226 = arith.addi %add3A_225, %mul3A_216 : i32
          %get3A_227 = arith.index_cast %add3A_226 : i32 to index
          %get3A_228 = tpu.vector_load %arg8[%get3A_227] {strides = array<i32>} : memref<1536xf32, #tpu.memory_space<vmem>>, vector<16xf32>,
          %get3A_229 = vector.shape_cast %get3A_228 : vector<16xf32> to vector<16xf32>
          %sub3A = arith.constant 1.000000e+00 : f32
          %sub3A_230 = vector.broadcast %sub3A : f32 to vector<16xf32>
          %sub3A_231 = arith.subf %sub3A_230, %get3A_219 : vector<16xf32>
          %sub3A_232 = arith.constant 1.000000e+00 : f32
          %sub3A_233 = vector.broadcast %sub3A_232 : f32 to vector<16xf32>
          %sub3A_234 = arith.subf %sub3A_233, %get3A_224 : vector<16xf32>
          %sub3A_235 = arith.constant 1.000000e+00 : f32
          %sub3A_236 = vector.broadcast %sub3A_235 : f32 to vector<16xf32>
          %sub3A_237 = arith.subf %sub3A_236, %get3A_229 : vector<16xf32>
          %add3A_238 = arith.constant 0 : i32
          %add3A_239 = arith.addi %add3A_238, %mul3A_216 : i32
          %add3A_240 = arith.constant 0 : i32
          %add3A_241 = arith.addi %add3A_240, %add3A_239 : i32
          %get3A_242 = arith.index_cast %add3A_241 : i32 to index
          %get3A_243 = tpu.vector_load %arg12[%get3A_242] {strides = array<i32>} : memref<8192xf32, #tpu.memory_space<vmem>>, vector<16xf32>,
          %get3A_244 = vector.shape_cast %get3A_243 : vector<16xf32> to vector<16xf32>
          %add3A_245 = arith.constant 512 : i32
          %add3A_246 = arith.addi %add3A_245, %add3A_239 : i32
          %get3A_247 = arith.index_cast %add3A_246 : i32 to index
          %get3A_248 = tpu.vector_load %arg12[%get3A_247] {strides = array<i32>} : memref<8192xf32, #tpu.memory_space<vmem>>, vector<16xf32>,
          %get3A_249 = vector.shape_cast %get3A_248 : vector<16xf32> to vector<16xf32>
          %add3A_250 = arith.constant 1024 : i32
          %add3A_251 = arith.addi %add3A_250, %add3A_239 : i32
          %get3A_252 = arith.index_cast %add3A_251 : i32 to index
          %get3A_253 = tpu.vector_load %arg12[%get3A_252] {strides = array<i32>} : memref<8192xf32, #tpu.memory_space<vmem>>, vector<16xf32>,
          %get3A_254 = vector.shape_cast %get3A_253 : vector<16xf32> to vector<16xf32>
          %add3A_255 = arith.constant 1536 : i32
          %add3A_256 = arith.addi %add3A_255, %add3A_239 : i32
          %get3A_257 = arith.index_cast %add3A_256 : i32 to index
          %get3A_258 = tpu.vector_load %arg12[%get3A_257] {strides = array<i32>} : memref<8192xf32, #tpu.memory_space<vmem>>, vector<16xf32>,
          %get3A_259 = vector.shape_cast %get3A_258 : vector<16xf32> to vector<16xf32>
          %add3A_260 = arith.constant 2048 : i32
          %add3A_261 = arith.addi %add3A_260, %add3A_239 : i32
          %get3A_262 = arith.index_cast %add3A_261 : i32 to index
          %get3A_263 = tpu.vector_load %arg12[%get3A_262] {strides = array<i32>} : memref<8192xf32, #tpu.memory_space<vmem>>, vector<16xf32>,
          %get3A_264 = vector.shape_cast %get3A_263 : vector<16xf32> to vector<16xf32>
          %add3A_265 = arith.constant 2560 : i32
          %add3A_266 = arith.addi %add3A_265, %add3A_239 : i32
          %get3A_267 = arith.index_cast %add3A_266 : i32 to index
          %get3A_268 = tpu.vector_load %arg12[%get3A_267] {strides = array<i32>} : memref<8192xf32, #tpu.memory_space<vmem>>, vector<16xf32>,
          %get3A_269 = vector.shape_cast %get3A_268 : vector<16xf32> to vector<16xf32>
          %add3A_270 = arith.constant 3072 : i32
          %add3A_271 = arith.addi %add3A_270, %add3A_239 : i32
          %get3A_272 = arith.index_cast %add3A_271 : i32 to index
          %get3A_273 = tpu.vector_load %arg12[%get3A_272] {strides = array<i32>} : memref<8192xf32, #tpu.memory_space<vmem>>, vector<16xf32>,
          %get3A_274 = vector.shape_cast %get3A_273 : vector<16xf32> to vector<16xf32>
          %add3A_275 = arith.constant 3584 : i32
          %add3A_276 = arith.addi %add3A_275, %add3A_239 : i32
          %get3A_277 = arith.index_cast %add3A_276 : i32 to index
          %get3A_278 = tpu.vector_load %arg12[%get3A_277] {strides = array<i32>} : memref<8192xf32, #tpu.memory_space<vmem>>, vector<16xf32>,
          %get3A_279 = vector.shape_cast %get3A_278 : vector<16xf32> to vector<16xf32>
          %mul3A_280 = arith.mulf %get3A_244, %sub3A_231 : vector<16xf32>
          %mul3A_281 = arith.mulf %get3A_264, %get3A_219 : vector<16xf32>
          %add3A_282 = arith.addf %mul3A_280, %mul3A_281 : vector<16xf32>
          %mul3A_283 = arith.mulf %get3A_249, %sub3A_231 : vector<16xf32>
          %mul3A_284 = arith.mulf %get3A_269, %get3A_219 : vector<16xf32>
          %add3A_285 = arith.addf %mul3A_283, %mul3A_284 : vector<16xf32>
          %mul3A_286 = arith.mulf %get3A_254, %sub3A_231 : vector<16xf32>
          %mul3A_287 = arith.mulf %get3A_274, %get3A_219 : vector<16xf32>
          %add3A_288 = arith.addf %mul3A_286, %mul3A_287 : vector<16xf32>
          %mul3A_289 = arith.mulf %get3A_259, %sub3A_231 : vector<16xf32>
          %mul3A_290 = arith.mulf %get3A_279, %get3A_219 : vector<16xf32>
          %add3A_291 = arith.addf %mul3A_289, %mul3A_290 : vector<16xf32>
          %mul3A_292 = arith.mulf %add3A_282, %sub3A_234 : vector<16xf32>
          %mul3A_293 = arith.mulf %add3A_288, %get3A_224 : vector<16xf32>
          %add3A_294 = arith.addf %mul3A_292, %mul3A_293 : vector<16xf32>
          %mul3A_295 = arith.mulf %add3A_285, %sub3A_234 : vector<16xf32>
          %mul3A_296 = arith.mulf %add3A_291, %get3A_224 : vector<16xf32>
          %add3A_297 = arith.addf %mul3A_295, %mul3A_296 : vector<16xf32>
          %mul3A_298 = arith.mulf %add3A_294, %sub3A_237 : vector<16xf32>
          %mul3A_299 = arith.mulf %add3A_297, %get3A_229 : vector<16xf32>
          %add3A_300 = arith.addf %mul3A_298, %mul3A_299 : vector<16xf32>
          %add3A_301 = arith.constant 0 : i32
          %add3A_302 = arith.addi %add3A_301, %mul3A_216 : i32
          %swap3A = arith.index_cast %add3A_302 : i32 to index
          %swap3A_303 = tpu.vector_load %arg14[%swap3A] {strides = array<i32>} : memref<2048xf32, #tpu.memory_space<vmem>>, vector<16xf32>,
          %swap3A_304 = vector.shape_cast %swap3A_303 : vector<16xf32> to vector<16xf32>
          %swap3A_305 = vector.shape_cast %add3A_300 : vector<16xf32> to vector<16xf32>
          tpu.vector_store %arg14[%swap3A], %swap3A_305 {strides = array<i32>} : memref<2048xf32, #tpu.memory_space<vmem>>, vector<16xf32>,
          %add3A_306 = arith.constant 4096 : i32
          %add3A_307 = arith.addi %add3A_306, %mul3A_216 : i32
          %add3A_308 = arith.constant 0 : i32
          %add3A_309 = arith.addi %add3A_308, %add3A_307 : i32
          %get3A_310 = arith.index_cast %add3A_309 : i32 to index
          %get3A_311 = tpu.vector_load %arg12[%get3A_310] {strides = array<i32>} : memref<8192xf32, #tpu.memory_space<vmem>>, vector<16xf32>,
          %get3A_312 = vector.shape_cast %get3A_311 : vector<16xf32> to vector<16xf32>
          %add3A_313 = arith.constant 512 : i32
          %add3A_314 = arith.addi %add3A_313, %add3A_307 : i32
          %get3A_315 = arith.index_cast %add3A_314 : i32 to index
          %get3A_316 = tpu.vector_load %arg12[%get3A_315] {strides = array<i32>} : memref<8192xf32, #tpu.memory_space<vmem>>, vector<16xf32>,
          %get3A_317 = vector.shape_cast %get3A_316 : vector<16xf32> to vector<16xf32>
          %add3A_318 = arith.constant 1024 : i32
          %add3A_319 = arith.addi %add3A_318, %add3A_307 : i32
          %get3A_320 = arith.index_cast %add3A_319 : i32 to index
          %get3A_321 = tpu.vector_load %arg12[%get3A_320] {strides = array<i32>} : memref<8192xf32, #tpu.memory_space<vmem>>, vector<16xf32>,
          %get3A_322 = vector.shape_cast %get3A_321 : vector<16xf32> to vector<16xf32>
          %add3A_323 = arith.constant 1536 : i32
          %add3A_324 = arith.addi %add3A_323, %add3A_307 : i32
          %get3A_325 = arith.index_cast %add3A_324 : i32 to index
          %get3A_326 = tpu.vector_load %arg12[%get3A_325] {strides = array<i32>} : memref<8192xf32, #tpu.memory_space<vmem>>, vector<16xf32>,
          %get3A_327 = vector.shape_cast %get3A_326 : vector<16xf32> to vector<16xf32>
          %add3A_328 = arith.constant 2048 : i32
          %add3A_329 = arith.addi %add3A_328, %add3A_307 : i32
          %get3A_330 = arith.index_cast %add3A_329 : i32 to index
          %get3A_331 = tpu.vector_load %arg12[%get3A_330] {strides = array<i32>} : memref<8192xf32, #tpu.memory_space<vmem>>, vector<16xf32>,
          %get3A_332 = vector.shape_cast %get3A_331 : vector<16xf32> to vector<16xf32>
          %add3A_333 = arith.constant 2560 : i32
          %add3A_334 = arith.addi %add3A_333, %add3A_307 : i32
          %get3A_335 = arith.index_cast %add3A_334 : i32 to index
          %get3A_336 = tpu.vector_load %arg12[%get3A_335] {strides = array<i32>} : memref<8192xf32, #tpu.memory_space<vmem>>, vector<16xf32>,
          %get3A_337 = vector.shape_cast %get3A_336 : vector<16xf32> to vector<16xf32>
          %add3A_338 = arith.constant 3072 : i32
          %add3A_339 = arith.addi %add3A_338, %add3A_307 : i32
          %get3A_340 = arith.index_cast %add3A_339 : i32 to index
          %get3A_341 = tpu.vector_load %arg12[%get3A_340] {strides = array<i32>} : memref<8192xf32, #tpu.memory_space<vmem>>, vector<16xf32>,
          %get3A_342 = vector.shape_cast %get3A_341 : vector<16xf32> to vector<16xf32>
          %add3A_343 = arith.constant 3584 : i32
          %add3A_344 = arith.addi %add3A_343, %add3A_307 : i32
          %get3A_345 = arith.index_cast %add3A_344 : i32 to index
          %get3A_346 = tpu.vector_load %arg12[%get3A_345] {strides = array<i32>} : memref<8192xf32, #tpu.memory_space<vmem>>, vector<16xf32>,
          %get3A_347 = vector.shape_cast %get3A_346 : vector<16xf32> to vector<16xf32>
          %mul3A_348 = arith.mulf %get3A_312, %sub3A_231 : vector<16xf32>
          %mul3A_349 = arith.mulf %get3A_332, %get3A_219 : vector<16xf32>
          %add3A_350 = arith.addf %mul3A_348, %mul3A_349 : vector<16xf32>
          %mul3A_351 = arith.mulf %get3A_317, %sub3A_231 : vector<16xf32>
          %mul3A_352 = arith.mulf %get3A_337, %get3A_219 : vector<16xf32>
          %add3A_353 = arith.addf %mul3A_351, %mul3A_352 : vector<16xf32>
          %mul3A_354 = arith.mulf %get3A_322, %sub3A_231 : vector<16xf32>
          %mul3A_355 = arith.mulf %get3A_342, %get3A_219 : vector<16xf32>
          %add3A_356 = arith.addf %mul3A_354, %mul3A_355 : vector<16xf32>
          %mul3A_357 = arith.mulf %get3A_327, %sub3A_231 : vector<16xf32>
          %mul3A_358 = arith.mulf %get3A_347, %get3A_219 : vector<16xf32>
          %add3A_359 = arith.addf %mul3A_357, %mul3A_358 : vector<16xf32>
          %mul3A_360 = arith.mulf %add3A_350, %sub3A_234 : vector<16xf32>
          %mul3A_361 = arith.mulf %add3A_356, %get3A_224 : vector<16xf32>
          %add3A_362 = arith.addf %mul3A_360, %mul3A_361 : vector<16xf32>
          %mul3A_363 = arith.mulf %add3A_353, %sub3A_234 : vector<16xf32>
          %mul3A_364 = arith.mulf %add3A_359, %get3A_224 : vector<16xf32>
          %add3A_365 = arith.addf %mul3A_363, %mul3A_364 : vector<16xf32>
          %mul3A_366 = arith.mulf %add3A_362, %sub3A_237 : vector<16xf32>
          %mul3A_367 = arith.mulf %add3A_365, %get3A_229 : vector<16xf32>
          %add3A_368 = arith.addf %mul3A_366, %mul3A_367 : vector<16xf32>
          %add3A_369 = arith.constant 1024 : i32
          %add3A_370 = arith.addi %add3A_369, %mul3A_216 : i32
          %swap3A_371 = arith.index_cast %add3A_370 : i32 to index
          %swap3A_372 = tpu.vector_load %arg14[%swap3A_371] {strides = array<i32>} : memref<2048xf32, #tpu.memory_space<vmem>>, vector<16xf32>,
          %swap3A_373 = vector.shape_cast %swap3A_372 : vector<16xf32> to vector<16xf32>
          %swap3A_374 = vector.shape_cast %add3A_368 : vector<16xf32> to vector<16xf32>
          tpu.vector_store %arg14[%swap3A_371], %swap3A_374 {strides = array<i32>} : memref<2048xf32, #tpu.memory_space<vmem>>, vector<16xf32>,
        }
        %scan3A_82 = arith.constant 32 : i32
        %dma_wait3A_83 = arith.constant 0 : i32
        %dma_wait3A_84 = tpu.memref_slice %arg2[%dma_wait3A_83, %add3A_64] : memref<3x524288xf32, #tpu.memory_space<hbm>> -> memref<3x1024xf32, #tpu.memory_space<hbm>>
        %dma_wait3A_85 = arith.constant 0 : i32
        %dma_wait3A_86 = tpu.memref_slice %arg2[%dma_wait3A_85, %add3A_64] : memref<3x524288xf32, #tpu.memory_space<hbm>> -> memref<3x1024xf32, #tpu.memory_space<hbm>>
        tpu.wait_dma2 semaphore(%arg21 : memref<!tpu.dma_semaphore, #tpu.memory_space<semaphore_mem>>) src(%dma_wait3A_86 : memref<3x1024xf32, #tpu.memory_space<hbm>>) dst(%arg7 : memref<3x1024xf32, #tpu.memory_space<vmem>>)
        %scan3A_87 = arith.constant 0 : i32
        %scan3A_88 = arith.constant 32 : i32
        %scan3A_89 = arith.addi %scan3A_87, %scan3A_88 : i32
        %scan3A_90 = arith.constant 1 : i32
        scf.for %scan3A_210 = %scan3A_87 to %scan3A_89 step %scan3A_90  : i32 {
          %mul3A_211 = arith.constant 1 : i32
          %mul3A_212 = arith.muli %scan3A_210, %mul3A_211 : i32
          %add3A_213 = arith.constant 0 : i32
          %add3A_214 = arith.addi %add3A_213, %mul3A_212 : i32
          %mul3A_215 = arith.constant 16 : i32
          %mul3A_216 = arith.muli %add3A_214, %mul3A_215 : i32
          %add3A_217 = arith.constant 0 : i32
          %add3A_218 = arith.addi %add3A_217, %mul3A_216 : i32
          %get3A_219 = arith.constant 0 : i32
          %get3A_220 = arith.index_cast %get3A_219 : i32 to index
          %get3A_221 = arith.index_cast %add3A_218 : i32 to index
          %get3A_222 = tpu.vector_load %arg7[%get3A_220, %get3A_221] {strides = array<i32>} : memref<3x1024xf32, #tpu.memory_space<vmem>>, vector<1x16xf32>,
          %get3A_223 = vector.shape_cast %get3A_222 : vector<1x16xf32> to vector<16xf32>
          %get3A_224 = arith.constant 1 : i32
          %get3A_225 = arith.index_cast %get3A_224 : i32 to index
          %get3A_226 = arith.index_cast %add3A_218 : i32 to index
          %get3A_227 = tpu.vector_load %arg7[%get3A_225, %get3A_226] {strides = array<i32>} : memref<3x1024xf32, #tpu.memory_space<vmem>>, vector<1x16xf32>,
          %get3A_228 = vector.shape_cast %get3A_227 : vector<1x16xf32> to vector<16xf32>
          %get3A_229 = arith.constant 2 : i32
          %get3A_230 = arith.index_cast %get3A_229 : i32 to index
          %get3A_231 = arith.index_cast %add3A_218 : i32 to index
          %get3A_232 = tpu.vector_load %arg7[%get3A_230, %get3A_231] {strides = array<i32>} : memref<3x1024xf32, #tpu.memory_space<vmem>>, vector<1x16xf32>,
          %get3A_233 = vector.shape_cast %get3A_232 : vector<1x16xf32> to vector<16xf32>
          %div3A = arith.divf %get3A_223, %gather3A_19 : vector<16xf32>
          %convert_element_type3A = arith.fptosi %div3A : vector<16xf32> to vector<16xi32>
          %div3A_234 = arith.divf %get3A_228, %gather3A_19 : vector<16xf32>
          %convert_element_type3A_235 = arith.fptosi %div3A_234 : vector<16xf32> to vector<16xi32>
          %div3A_236 = arith.divf %get3A_233, %gather3A_19 : vector<16xf32>
          %convert_element_type3A_237 = arith.fptosi %div3A_236 : vector<16xf32> to vector<16xi32>
          %convert_element_type3A_238 = arith.sitofp %convert_element_type3A : vector<16xi32> to vector<16xf32>
          %mul3A_239 = arith.mulf %convert_element_type3A_238, %gather3A_19 : vector<16xf32>
          %convert_element_type3A_240 = arith.sitofp %convert_element_type3A_235 : vector<16xi32> to vector<16xf32>
          %mul3A_241 = arith.mulf %convert_element_type3A_240, %gather3A_19 : vector<16xf32>
          %convert_element_type3A_242 = arith.sitofp %convert_element_type3A_237 : vector<16xi32> to vector<16xf32>
          %mul3A_243 = arith.mulf %convert_element_type3A_242, %gather3A_19 : vector<16xf32>
          %sub3A = arith.subf %get3A_223, %mul3A_239 : vector<16xf32>
          %add3A_244 = arith.addf %mul3A_239, %gather3A_19 : vector<16xf32>
          %sub3A_245 = arith.subf %add3A_244, %mul3A_239 : vector<16xf32>
          %div3A_246 = arith.divf %sub3A, %sub3A_245 : vector<16xf32>
          %swap3A = arith.index_cast %mul3A_216 : i32 to index
          %swap3A_247 = tpu.vector_load %arg8[%swap3A] {strides = array<i32>} : memref<1536xf32, #tpu.memory_space<vmem>>, vector<16xf32>,
          %swap3A_248 = vector.shape_cast %swap3A_247 : vector<16xf32> to vector<16xf32>
          %swap3A_249 = vector.shape_cast %div3A_246 : vector<16xf32> to vector<16xf32>
          tpu.vector_store %arg8[%swap3A], %swap3A_249 {strides = array<i32>} : memref<1536xf32, #tpu.memory_space<vmem>>, vector<16xf32>,
          %sub3A_250 = arith.subf %get3A_228, %mul3A_241 : vector<16xf32>
          %add3A_251 = arith.addf %mul3A_241, %gather3A_19 : vector<16xf32>
          %sub3A_252 = arith.subf %add3A_251, %mul3A_241 : vector<16xf32>
          %div3A_253 = arith.divf %sub3A_250, %sub3A_252 : vector<16xf32>
          %add3A_254 = arith.constant 512 : i32
          %add3A_255 = arith.addi %add3A_254, %mul3A_216 : i32
          %swap3A_256 = arith.index_cast %add3A_255 : i32 to index
          %swap3A_257 = tpu.vector_load %arg8[%swap3A_256] {strides = array<i32>} : memref<1536xf32, #tpu.memory_space<vmem>>, vector<16xf32>,
          %swap3A_258 = vector.shape_cast %swap3A_257 : vector<16xf32> to vector<16xf32>
          %swap3A_259 = vector.shape_cast %div3A_253 : vector<16xf32> to vector<16xf32>
          tpu.vector_store %arg8[%swap3A_256], %swap3A_259 {strides = array<i32>} : memref<1536xf32, #tpu.memory_space<vmem>>, vector<16xf32>,
          %sub3A_260 = arith.subf %get3A_233, %mul3A_243 : vector<16xf32>
          %add3A_261 = arith.addf %mul3A_243, %gather3A_19 : vector<16xf32>
          %sub3A_262 = arith.subf %add3A_261, %mul3A_243 : vector<16xf32>
          %div3A_263 = arith.divf %sub3A_260, %sub3A_262 : vector<16xf32>
          %add3A_264 = arith.constant 1024 : i32
          %add3A_265 = arith.addi %add3A_264, %mul3A_216 : i32
          %swap3A_266 = arith.index_cast %add3A_265 : i32 to index
          %swap3A_267 = tpu.vector_load %arg8[%swap3A_266] {strides = array<i32>} : memref<1536xf32, #tpu.memory_space<vmem>>, vector<16xf32>,
          %swap3A_268 = vector.shape_cast %swap3A_267 : vector<16xf32> to vector<16xf32>
          %swap3A_269 = vector.shape_cast %div3A_263 : vector<16xf32> to vector<16xf32>
          tpu.vector_store %arg8[%swap3A_266], %swap3A_269 {strides = array<i32>} : memref<1536xf32, #tpu.memory_space<vmem>>, vector<16xf32>,
          %mul3A_270 = arith.constant -1640531535 : i32
          %mul3A_271 = vector.broadcast %mul3A_270 : i32 to vector<16xi32>
          %mul3A_272 = arith.muli %convert_element_type3A_235, %mul3A_271 : vector<16xi32>
          %mul3A_273 = arith.constant 805459861 : i32
          %mul3A_274 = vector.broadcast %mul3A_273 : i32 to vector<16xi32>
          %mul3A_275 = arith.muli %convert_element_type3A_237, %mul3A_274 : vector<16xi32>
          %add3A_276 = arith.constant 1 : i32
          %add3A_277 = vector.broadcast %add3A_276 : i32 to vector<16xi32>
          %add3A_278 = arith.addi %convert_element_type3A, %add3A_277 : vector<16xi32>
          %add3A_279 = arith.constant -1640531535 : i32
          %add3A_280 = vector.broadcast %add3A_279 : i32 to vector<16xi32>
          %add3A_281 = arith.addi %mul3A_272, %add3A_280 : vector<16xi32>
          %add3A_282 = arith.constant 805459861 : i32
          %add3A_283 = vector.broadcast %add3A_282 : i32 to vector<16xi32>
          %add3A_284 = arith.addi %mul3A_275, %add3A_283 : vector<16xi32>
          %xor3A = arith.xori %convert_element_type3A, %mul3A_272 : vector<16xi32>
          %xor3A_285 = arith.xori %xor3A, %mul3A_275 : vector<16xi32>
          %xor3A_286 = arith.xori %convert_element_type3A, %mul3A_272 : vector<16xi32>
          %xor3A_287 = arith.xori %xor3A_286, %add3A_284 : vector<16xi32>
          %xor3A_288 = arith.xori %convert_element_type3A, %add3A_281 : vector<16xi32>
          %xor3A_289 = arith.xori %xor3A_288, %mul3A_275 : vector<16xi32>
          %xor3A_290 = arith.xori %convert_element_type3A, %add3A_281 : vector<16xi32>
          %xor3A_291 = arith.xori %xor3A_290, %add3A_284 : vector<16xi32>
          %xor3A_292 = arith.xori %add3A_278, %mul3A_272 : vector<16xi32>
          %xor3A_293 = arith.xori %xor3A_292, %mul3A_275 : vector<16xi32>
          %xor3A_294 = arith.xori %add3A_278, %mul3A_272 : vector<16xi32>
          %xor3A_295 = arith.xori %xor3A_294, %add3A_284 : vector<16xi32>
          %xor3A_296 = arith.xori %add3A_278, %add3A_281 : vector<16xi32>
          %xor3A_297 = arith.xori %xor3A_296, %mul3A_275 : vector<16xi32>
          %xor3A_298 = arith.xori %add3A_278, %add3A_281 : vector<16xi32>
          %xor3A_299 = arith.xori %xor3A_298, %add3A_284 : vector<16xi32>
          %and3A = arith.constant 524287 : i32
          %and3A_300 = vector.broadcast %and3A : i32 to vector<16xi32>
          %and3A_301 = arith.andi %xor3A_285, %and3A_300 : vector<16xi32>
          %add3A_302 = arith.constant 0 : i32
          %add3A_303 = arith.addi %add3A_302, %mul3A_216 : i32
          %swap3A_304 = arith.index_cast %add3A_303 : i32 to index
          %swap3A_305 = tpu.vector_load %arg10[%swap3A_304] {strides = array<i32>} : memref<8192xi32, #tpu.memory_space<vmem>>, vector<16xi32>,
          %swap3A_306 = vector.shape_cast %swap3A_305 : vector<16xi32> to vector<16xi32>
          %swap3A_307 = vector.shape_cast %and3A_301 : vector<16xi32> to vector<16xi32>
          tpu.vector_store %arg10[%swap3A_304], %swap3A_307 {strides = array<i32>} : memref<8192xi32, #tpu.memory_space<vmem>>, vector<16xi32>,
          %add3A_308 = arith.constant 524288 : i32
          %add3A_309 = vector.broadcast %add3A_308 : i32 to vector<16xi32>
          %add3A_310 = arith.addi %and3A_301, %add3A_309 : vector<16xi32>
          %add3A_311 = arith.constant 4096 : i32
          %add3A_312 = arith.addi %add3A_311, %mul3A_216 : i32
          %swap3A_313 = arith.index_cast %add3A_312 : i32 to index
          %swap3A_314 = tpu.vector_load %arg10[%swap3A_313] {strides = array<i32>} : memref<8192xi32, #tpu.memory_space<vmem>>, vector<16xi32>,
          %swap3A_315 = vector.shape_cast %swap3A_314 : vector<16xi32> to vector<16xi32>
          %swap3A_316 = vector.shape_cast %add3A_310 : vector<16xi32> to vector<16xi32>
          tpu.vector_store %arg10[%swap3A_313], %swap3A_316 {strides = array<i32>} : memref<8192xi32, #tpu.memory_space<vmem>>, vector<16xi32>,
          %and3A_317 = arith.constant 524287 : i32
          %and3A_318 = vector.broadcast %and3A_317 : i32 to vector<16xi32>
          %and3A_319 = arith.andi %xor3A_287, %and3A_318 : vector<16xi32>
          %add3A_320 = arith.constant 512 : i32
          %add3A_321 = arith.addi %add3A_320, %mul3A_216 : i32
          %swap3A_322 = arith.index_cast %add3A_321 : i32 to index
          %swap3A_323 = tpu.vector_load %arg10[%swap3A_322] {strides = array<i32>} : memref<8192xi32, #tpu.memory_space<vmem>>, vector<16xi32>,
          %swap3A_324 = vector.shape_cast %swap3A_323 : vector<16xi32> to vector<16xi32>
          %swap3A_325 = vector.shape_cast %and3A_319 : vector<16xi32> to vector<16xi32>
          tpu.vector_store %arg10[%swap3A_322], %swap3A_325 {strides = array<i32>} : memref<8192xi32, #tpu.memory_space<vmem>>, vector<16xi32>,
          %add3A_326 = arith.constant 524288 : i32
          %add3A_327 = vector.broadcast %add3A_326 : i32 to vector<16xi32>
          %add3A_328 = arith.addi %and3A_319, %add3A_327 : vector<16xi32>
          %add3A_329 = arith.constant 4608 : i32
          %add3A_330 = arith.addi %add3A_329, %mul3A_216 : i32
          %swap3A_331 = arith.index_cast %add3A_330 : i32 to index
          %swap3A_332 = tpu.vector_load %arg10[%swap3A_331] {strides = array<i32>} : memref<8192xi32, #tpu.memory_space<vmem>>, vector<16xi32>,
          %swap3A_333 = vector.shape_cast %swap3A_332 : vector<16xi32> to vector<16xi32>
          %swap3A_334 = vector.shape_cast %add3A_328 : vector<16xi32> to vector<16xi32>
          tpu.vector_store %arg10[%swap3A_331], %swap3A_334 {strides = array<i32>} : memref<8192xi32, #tpu.memory_space<vmem>>, vector<16xi32>,
          %and3A_335 = arith.constant 524287 : i32
          %and3A_336 = vector.broadcast %and3A_335 : i32 to vector<16xi32>
          %and3A_337 = arith.andi %xor3A_289, %and3A_336 : vector<16xi32>
          %add3A_338 = arith.constant 1024 : i32
          %add3A_339 = arith.addi %add3A_338, %mul3A_216 : i32
          %swap3A_340 = arith.index_cast %add3A_339 : i32 to index
          %swap3A_341 = tpu.vector_load %arg10[%swap3A_340] {strides = array<i32>} : memref<8192xi32, #tpu.memory_space<vmem>>, vector<16xi32>,
          %swap3A_342 = vector.shape_cast %swap3A_341 : vector<16xi32> to vector<16xi32>
          %swap3A_343 = vector.shape_cast %and3A_337 : vector<16xi32> to vector<16xi32>
          tpu.vector_store %arg10[%swap3A_340], %swap3A_343 {strides = array<i32>} : memref<8192xi32, #tpu.memory_space<vmem>>, vector<16xi32>,
          %add3A_344 = arith.constant 524288 : i32
          %add3A_345 = vector.broadcast %add3A_344 : i32 to vector<16xi32>
          %add3A_346 = arith.addi %and3A_337, %add3A_345 : vector<16xi32>
          %add3A_347 = arith.constant 5120 : i32
          %add3A_348 = arith.addi %add3A_347, %mul3A_216 : i32
          %swap3A_349 = arith.index_cast %add3A_348 : i32 to index
          %swap3A_350 = tpu.vector_load %arg10[%swap3A_349] {strides = array<i32>} : memref<8192xi32, #tpu.memory_space<vmem>>, vector<16xi32>,
          %swap3A_351 = vector.shape_cast %swap3A_350 : vector<16xi32> to vector<16xi32>
          %swap3A_352 = vector.shape_cast %add3A_346 : vector<16xi32> to vector<16xi32>
          tpu.vector_store %arg10[%swap3A_349], %swap3A_352 {strides = array<i32>} : memref<8192xi32, #tpu.memory_space<vmem>>, vector<16xi32>,
          %and3A_353 = arith.constant 524287 : i32
          %and3A_354 = vector.broadcast %and3A_353 : i32 to vector<16xi32>
          %and3A_355 = arith.andi %xor3A_291, %and3A_354 : vector<16xi32>
          %add3A_356 = arith.constant 1536 : i32
          %add3A_357 = arith.addi %add3A_356, %mul3A_216 : i32
          %swap3A_358 = arith.index_cast %add3A_357 : i32 to index
          %swap3A_359 = tpu.vector_load %arg10[%swap3A_358] {strides = array<i32>} : memref<8192xi32, #tpu.memory_space<vmem>>, vector<16xi32>,
          %swap3A_360 = vector.shape_cast %swap3A_359 : vector<16xi32> to vector<16xi32>
          %swap3A_361 = vector.shape_cast %and3A_355 : vector<16xi32> to vector<16xi32>
          tpu.vector_store %arg10[%swap3A_358], %swap3A_361 {strides = array<i32>} : memref<8192xi32, #tpu.memory_space<vmem>>, vector<16xi32>,
          %add3A_362 = arith.constant 524288 : i32
          %add3A_363 = vector.broadcast %add3A_362 : i32 to vector<16xi32>
          %add3A_364 = arith.addi %and3A_355, %add3A_363 : vector<16xi32>
          %add3A_365 = arith.constant 5632 : i32
          %add3A_366 = arith.addi %add3A_365, %mul3A_216 : i32
          %swap3A_367 = arith.index_cast %add3A_366 : i32 to index
          %swap3A_368 = tpu.vector_load %arg10[%swap3A_367] {strides = array<i32>} : memref<8192xi32, #tpu.memory_space<vmem>>, vector<16xi32>,
          %swap3A_369 = vector.shape_cast %swap3A_368 : vector<16xi32> to vector<16xi32>
          %swap3A_370 = vector.shape_cast %add3A_364 : vector<16xi32> to vector<16xi32>
          tpu.vector_store %arg10[%swap3A_367], %swap3A_370 {strides = array<i32>} : memref<8192xi32, #tpu.memory_space<vmem>>, vector<16xi32>,
          %and3A_371 = arith.constant 524287 : i32
          %and3A_372 = vector.broadcast %and3A_371 : i32 to vector<16xi32>
          %and3A_373 = arith.andi %xor3A_293, %and3A_372 : vector<16xi32>
          %add3A_374 = arith.constant 2048 : i32
          %add3A_375 = arith.addi %add3A_374, %mul3A_216 : i32
          %swap3A_376 = arith.index_cast %add3A_375 : i32 to index
          %swap3A_377 = tpu.vector_load %arg10[%swap3A_376] {strides = array<i32>} : memref<8192xi32, #tpu.memory_space<vmem>>, vector<16xi32>,
          %swap3A_378 = vector.shape_cast %swap3A_377 : vector<16xi32> to vector<16xi32>
          %swap3A_379 = vector.shape_cast %and3A_373 : vector<16xi32> to vector<16xi32>
          tpu.vector_store %arg10[%swap3A_376], %swap3A_379 {strides = array<i32>} : memref<8192xi32, #tpu.memory_space<vmem>>, vector<16xi32>,
          %add3A_380 = arith.constant 524288 : i32
          %add3A_381 = vector.broadcast %add3A_380 : i32 to vector<16xi32>
          %add3A_382 = arith.addi %and3A_373, %add3A_381 : vector<16xi32>
          %add3A_383 = arith.constant 6144 : i32
          %add3A_384 = arith.addi %add3A_383, %mul3A_216 : i32
          %swap3A_385 = arith.index_cast %add3A_384 : i32 to index
          %swap3A_386 = tpu.vector_load %arg10[%swap3A_385] {strides = array<i32>} : memref<8192xi32, #tpu.memory_space<vmem>>, vector<16xi32>,
          %swap3A_387 = vector.shape_cast %swap3A_386 : vector<16xi32> to vector<16xi32>
          %swap3A_388 = vector.shape_cast %add3A_382 : vector<16xi32> to vector<16xi32>
          tpu.vector_store %arg10[%swap3A_385], %swap3A_388 {strides = array<i32>} : memref<8192xi32, #tpu.memory_space<vmem>>, vector<16xi32>,
          %and3A_389 = arith.constant 524287 : i32
          %and3A_390 = vector.broadcast %and3A_389 : i32 to vector<16xi32>
          %and3A_391 = arith.andi %xor3A_295, %and3A_390 : vector<16xi32>
          %add3A_392 = arith.constant 2560 : i32
          %add3A_393 = arith.addi %add3A_392, %mul3A_216 : i32
          %swap3A_394 = arith.index_cast %add3A_393 : i32 to index
          %swap3A_395 = tpu.vector_load %arg10[%swap3A_394] {strides = array<i32>} : memref<8192xi32, #tpu.memory_space<vmem>>, vector<16xi32>,
          %swap3A_396 = vector.shape_cast %swap3A_395 : vector<16xi32> to vector<16xi32>
          %swap3A_397 = vector.shape_cast %and3A_391 : vector<16xi32> to vector<16xi32>
          tpu.vector_store %arg10[%swap3A_394], %swap3A_397 {strides = array<i32>} : memref<8192xi32, #tpu.memory_space<vmem>>, vector<16xi32>,
          %add3A_398 = arith.constant 524288 : i32
          %add3A_399 = vector.broadcast %add3A_398 : i32 to vector<16xi32>
          %add3A_400 = arith.addi %and3A_391, %add3A_399 : vector<16xi32>
          %add3A_401 = arith.constant 6656 : i32
          %add3A_402 = arith.addi %add3A_401, %mul3A_216 : i32
          %swap3A_403 = arith.index_cast %add3A_402 : i32 to index
          %swap3A_404 = tpu.vector_load %arg10[%swap3A_403] {strides = array<i32>} : memref<8192xi32, #tpu.memory_space<vmem>>, vector<16xi32>,
          %swap3A_405 = vector.shape_cast %swap3A_404 : vector<16xi32> to vector<16xi32>
          %swap3A_406 = vector.shape_cast %add3A_400 : vector<16xi32> to vector<16xi32>
          tpu.vector_store %arg10[%swap3A_403], %swap3A_406 {strides = array<i32>} : memref<8192xi32, #tpu.memory_space<vmem>>, vector<16xi32>,
          %and3A_407 = arith.constant 524287 : i32
          %and3A_408 = vector.broadcast %and3A_407 : i32 to vector<16xi32>
          %and3A_409 = arith.andi %xor3A_297, %and3A_408 : vector<16xi32>
          %add3A_410 = arith.constant 3072 : i32
          %add3A_411 = arith.addi %add3A_410, %mul3A_216 : i32
          %swap3A_412 = arith.index_cast %add3A_411 : i32 to index
          %swap3A_413 = tpu.vector_load %arg10[%swap3A_412] {strides = array<i32>} : memref<8192xi32, #tpu.memory_space<vmem>>, vector<16xi32>,
          %swap3A_414 = vector.shape_cast %swap3A_413 : vector<16xi32> to vector<16xi32>
          %swap3A_415 = vector.shape_cast %and3A_409 : vector<16xi32> to vector<16xi32>
          tpu.vector_store %arg10[%swap3A_412], %swap3A_415 {strides = array<i32>} : memref<8192xi32, #tpu.memory_space<vmem>>, vector<16xi32>,
          %add3A_416 = arith.constant 524288 : i32
          %add3A_417 = vector.broadcast %add3A_416 : i32 to vector<16xi32>
          %add3A_418 = arith.addi %and3A_409, %add3A_417 : vector<16xi32>
          %add3A_419 = arith.constant 7168 : i32
          %add3A_420 = arith.addi %add3A_419, %mul3A_216 : i32
          %swap3A_421 = arith.index_cast %add3A_420 : i32 to index
          %swap3A_422 = tpu.vector_load %arg10[%swap3A_421] {strides = array<i32>} : memref<8192xi32, #tpu.memory_space<vmem>>, vector<16xi32>,
          %swap3A_423 = vector.shape_cast %swap3A_422 : vector<16xi32> to vector<16xi32>
          %swap3A_424 = vector.shape_cast %add3A_418 : vector<16xi32> to vector<16xi32>
          tpu.vector_store %arg10[%swap3A_421], %swap3A_424 {strides = array<i32>} : memref<8192xi32, #tpu.memory_space<vmem>>, vector<16xi32>,
          %and3A_425 = arith.constant 524287 : i32
          %and3A_426 = vector.broadcast %and3A_425 : i32 to vector<16xi32>
          %and3A_427 = arith.andi %xor3A_299, %and3A_426 : vector<16xi32>
          %add3A_428 = arith.constant 3584 : i32
          %add3A_429 = arith.addi %add3A_428, %mul3A_216 : i32
          %swap3A_430 = arith.index_cast %add3A_429 : i32 to index
          %swap3A_431 = tpu.vector_load %arg10[%swap3A_430] {strides = array<i32>} : memref<8192xi32, #tpu.memory_space<vmem>>, vector<16xi32>,
          %swap3A_432 = vector.shape_cast %swap3A_431 : vector<16xi32> to vector<16xi32>
          %swap3A_433 = vector.shape_cast %and3A_427 : vector<16xi32> to vector<16xi32>
          tpu.vector_store %arg10[%swap3A_430], %swap3A_433 {strides = array<i32>} : memref<8192xi32, #tpu.memory_space<vmem>>, vector<16xi32>,
          %add3A_434 = arith.constant 524288 : i32
          %add3A_435 = vector.broadcast %add3A_434 : i32 to vector<16xi32>
          %add3A_436 = arith.addi %and3A_427, %add3A_435 : vector<16xi32>
          %add3A_437 = arith.constant 7680 : i32
          %add3A_438 = arith.addi %add3A_437, %mul3A_216 : i32
          %swap3A_439 = arith.index_cast %add3A_438 : i32 to index
          %swap3A_440 = tpu.vector_load %arg10[%swap3A_439] {strides = array<i32>} : memref<8192xi32, #tpu.memory_space<vmem>>, vector<16xi32>,
          %swap3A_441 = vector.shape_cast %swap3A_440 : vector<16xi32> to vector<16xi32>
          %swap3A_442 = vector.shape_cast %add3A_436 : vector<16xi32> to vector<16xi32>
          tpu.vector_store %arg10[%swap3A_439], %swap3A_442 {strides = array<i32>} : memref<8192xi32, #tpu.memory_space<vmem>>, vector<16xi32>,
        }
        %scan3A_91 = arith.constant 32 : i32
        %dma_start3A_92 = arith.constant 0 : i32
        %dma_start3A_93 = tpu.memref_slice %arg17[%dma_start3A_92] : memref<1048576xf32, #tpu.memory_space<vmem_shared>> -> memref<1048576xf32, #tpu.memory_space<vmem_shared>>
        tpu.enqueue_indirect_dma source(%dma_start3A_93 : memref<1048576xf32, #tpu.memory_space<vmem_shared>>) target(%arg12 : memref<8192xf32, #tpu.memory_space<vmem>>) offsets(%arg10 : memref<8192xi32, #tpu.memory_space<vmem>>) semaphore(%arg18 : memref<!tpu.dma_semaphore, #tpu.memory_space<semaphore_mem>>)
        %dma_wait3A_94 = arith.constant 0 : i32
        %dma_wait3A_95 = tpu.memref_slice %arg17[%dma_wait3A_94] : memref<1048576xf32, #tpu.memory_space<vmem_shared>> -> memref<1048576xf32, #tpu.memory_space<vmem_shared>>
        tpu.wait_indirect_dma semaphore(%arg19 : memref<!tpu.dma_semaphore, #tpu.memory_space<semaphore_mem>>) src(%dma_wait3A_95 : memref<1048576xf32, #tpu.memory_space<vmem_shared>>) dst(%arg13 : memref<8192xf32, #tpu.memory_space<vmem>>)
        %scan3A_96 = arith.constant 0 : i32
        %scan3A_97 = arith.constant 32 : i32
        %scan3A_98 = arith.addi %scan3A_96, %scan3A_97 : i32
        %scan3A_99 = arith.constant 1 : i32
        scf.for %scan3A_210 = %scan3A_96 to %scan3A_98 step %scan3A_99  : i32 {
          %mul3A_211 = arith.constant 1 : i32
          %mul3A_212 = arith.muli %scan3A_210, %mul3A_211 : i32
          %add3A_213 = arith.constant 0 : i32
          %add3A_214 = arith.addi %add3A_213, %mul3A_212 : i32
          %mul3A_215 = arith.constant 16 : i32
          %mul3A_216 = arith.muli %add3A_214, %mul3A_215 : i32
          %get3A_217 = arith.index_cast %mul3A_216 : i32 to index
          %get3A_218 = tpu.vector_load %arg9[%get3A_217] {strides = array<i32>} : memref<1536xf32, #tpu.memory_space<vmem>>, vector<16xf32>,
          %get3A_219 = vector.shape_cast %get3A_218 : vector<16xf32> to vector<16xf32>
          %add3A_220 = arith.constant 512 : i32
          %add3A_221 = arith.addi %add3A_220, %mul3A_216 : i32
          %get3A_222 = arith.index_cast %add3A_221 : i32 to index
          %get3A_223 = tpu.vector_load %arg9[%get3A_222] {strides = array<i32>} : memref<1536xf32, #tpu.memory_space<vmem>>, vector<16xf32>,
          %get3A_224 = vector.shape_cast %get3A_223 : vector<16xf32> to vector<16xf32>
          %add3A_225 = arith.constant 1024 : i32
          %add3A_226 = arith.addi %add3A_225, %mul3A_216 : i32
          %get3A_227 = arith.index_cast %add3A_226 : i32 to index
          %get3A_228 = tpu.vector_load %arg9[%get3A_227] {strides = array<i32>} : memref<1536xf32, #tpu.memory_space<vmem>>, vector<16xf32>,
          %get3A_229 = vector.shape_cast %get3A_228 : vector<16xf32> to vector<16xf32>
          %sub3A = arith.constant 1.000000e+00 : f32
          %sub3A_230 = vector.broadcast %sub3A : f32 to vector<16xf32>
          %sub3A_231 = arith.subf %sub3A_230, %get3A_219 : vector<16xf32>
          %sub3A_232 = arith.constant 1.000000e+00 : f32
          %sub3A_233 = vector.broadcast %sub3A_232 : f32 to vector<16xf32>
          %sub3A_234 = arith.subf %sub3A_233, %get3A_224 : vector<16xf32>
          %sub3A_235 = arith.constant 1.000000e+00 : f32
          %sub3A_236 = vector.broadcast %sub3A_235 : f32 to vector<16xf32>
          %sub3A_237 = arith.subf %sub3A_236, %get3A_229 : vector<16xf32>
          %add3A_238 = arith.constant 0 : i32
          %add3A_239 = arith.addi %add3A_238, %mul3A_216 : i32
          %add3A_240 = arith.constant 0 : i32
          %add3A_241 = arith.addi %add3A_240, %add3A_239 : i32
          %get3A_242 = arith.index_cast %add3A_241 : i32 to index
          %get3A_243 = tpu.vector_load %arg13[%get3A_242] {strides = array<i32>} : memref<8192xf32, #tpu.memory_space<vmem>>, vector<16xf32>,
          %get3A_244 = vector.shape_cast %get3A_243 : vector<16xf32> to vector<16xf32>
          %add3A_245 = arith.constant 512 : i32
          %add3A_246 = arith.addi %add3A_245, %add3A_239 : i32
          %get3A_247 = arith.index_cast %add3A_246 : i32 to index
          %get3A_248 = tpu.vector_load %arg13[%get3A_247] {strides = array<i32>} : memref<8192xf32, #tpu.memory_space<vmem>>, vector<16xf32>,
          %get3A_249 = vector.shape_cast %get3A_248 : vector<16xf32> to vector<16xf32>
          %add3A_250 = arith.constant 1024 : i32
          %add3A_251 = arith.addi %add3A_250, %add3A_239 : i32
          %get3A_252 = arith.index_cast %add3A_251 : i32 to index
          %get3A_253 = tpu.vector_load %arg13[%get3A_252] {strides = array<i32>} : memref<8192xf32, #tpu.memory_space<vmem>>, vector<16xf32>,
          %get3A_254 = vector.shape_cast %get3A_253 : vector<16xf32> to vector<16xf32>
          %add3A_255 = arith.constant 1536 : i32
          %add3A_256 = arith.addi %add3A_255, %add3A_239 : i32
          %get3A_257 = arith.index_cast %add3A_256 : i32 to index
          %get3A_258 = tpu.vector_load %arg13[%get3A_257] {strides = array<i32>} : memref<8192xf32, #tpu.memory_space<vmem>>, vector<16xf32>,
          %get3A_259 = vector.shape_cast %get3A_258 : vector<16xf32> to vector<16xf32>
          %add3A_260 = arith.constant 2048 : i32
          %add3A_261 = arith.addi %add3A_260, %add3A_239 : i32
          %get3A_262 = arith.index_cast %add3A_261 : i32 to index
          %get3A_263 = tpu.vector_load %arg13[%get3A_262] {strides = array<i32>} : memref<8192xf32, #tpu.memory_space<vmem>>, vector<16xf32>,
          %get3A_264 = vector.shape_cast %get3A_263 : vector<16xf32> to vector<16xf32>
          %add3A_265 = arith.constant 2560 : i32
          %add3A_266 = arith.addi %add3A_265, %add3A_239 : i32
          %get3A_267 = arith.index_cast %add3A_266 : i32 to index
          %get3A_268 = tpu.vector_load %arg13[%get3A_267] {strides = array<i32>} : memref<8192xf32, #tpu.memory_space<vmem>>, vector<16xf32>,
          %get3A_269 = vector.shape_cast %get3A_268 : vector<16xf32> to vector<16xf32>
          %add3A_270 = arith.constant 3072 : i32
          %add3A_271 = arith.addi %add3A_270, %add3A_239 : i32
          %get3A_272 = arith.index_cast %add3A_271 : i32 to index
          %get3A_273 = tpu.vector_load %arg13[%get3A_272] {strides = array<i32>} : memref<8192xf32, #tpu.memory_space<vmem>>, vector<16xf32>,
          %get3A_274 = vector.shape_cast %get3A_273 : vector<16xf32> to vector<16xf32>
          %add3A_275 = arith.constant 3584 : i32
          %add3A_276 = arith.addi %add3A_275, %add3A_239 : i32
          %get3A_277 = arith.index_cast %add3A_276 : i32 to index
          %get3A_278 = tpu.vector_load %arg13[%get3A_277] {strides = array<i32>} : memref<8192xf32, #tpu.memory_space<vmem>>, vector<16xf32>,
          %get3A_279 = vector.shape_cast %get3A_278 : vector<16xf32> to vector<16xf32>
          %mul3A_280 = arith.mulf %get3A_244, %sub3A_231 : vector<16xf32>
          %mul3A_281 = arith.mulf %get3A_264, %get3A_219 : vector<16xf32>
          %add3A_282 = arith.addf %mul3A_280, %mul3A_281 : vector<16xf32>
          %mul3A_283 = arith.mulf %get3A_249, %sub3A_231 : vector<16xf32>
          %mul3A_284 = arith.mulf %get3A_269, %get3A_219 : vector<16xf32>
          %add3A_285 = arith.addf %mul3A_283, %mul3A_284 : vector<16xf32>
          %mul3A_286 = arith.mulf %get3A_254, %sub3A_231 : vector<16xf32>
          %mul3A_287 = arith.mulf %get3A_274, %get3A_219 : vector<16xf32>
          %add3A_288 = arith.addf %mul3A_286, %mul3A_287 : vector<16xf32>
          %mul3A_289 = arith.mulf %get3A_259, %sub3A_231 : vector<16xf32>
          %mul3A_290 = arith.mulf %get3A_279, %get3A_219 : vector<16xf32>
          %add3A_291 = arith.addf %mul3A_289, %mul3A_290 : vector<16xf32>
          %mul3A_292 = arith.mulf %add3A_282, %sub3A_234 : vector<16xf32>
          %mul3A_293 = arith.mulf %add3A_288, %get3A_224 : vector<16xf32>
          %add3A_294 = arith.addf %mul3A_292, %mul3A_293 : vector<16xf32>
          %mul3A_295 = arith.mulf %add3A_285, %sub3A_234 : vector<16xf32>
          %mul3A_296 = arith.mulf %add3A_291, %get3A_224 : vector<16xf32>
          %add3A_297 = arith.addf %mul3A_295, %mul3A_296 : vector<16xf32>
          %mul3A_298 = arith.mulf %add3A_294, %sub3A_237 : vector<16xf32>
          %mul3A_299 = arith.mulf %add3A_297, %get3A_229 : vector<16xf32>
          %add3A_300 = arith.addf %mul3A_298, %mul3A_299 : vector<16xf32>
          %add3A_301 = arith.constant 512 : i32
          %add3A_302 = arith.addi %add3A_301, %mul3A_216 : i32
          %swap3A = arith.index_cast %add3A_302 : i32 to index
          %swap3A_303 = tpu.vector_load %arg14[%swap3A] {strides = array<i32>} : memref<2048xf32, #tpu.memory_space<vmem>>, vector<16xf32>,
          %swap3A_304 = vector.shape_cast %swap3A_303 : vector<16xf32> to vector<16xf32>
          %swap3A_305 = vector.shape_cast %add3A_300 : vector<16xf32> to vector<16xf32>
          tpu.vector_store %arg14[%swap3A], %swap3A_305 {strides = array<i32>} : memref<2048xf32, #tpu.memory_space<vmem>>, vector<16xf32>,
          %add3A_306 = arith.constant 4096 : i32
          %add3A_307 = arith.addi %add3A_306, %mul3A_216 : i32
          %add3A_308 = arith.constant 0 : i32
          %add3A_309 = arith.addi %add3A_308, %add3A_307 : i32
          %get3A_310 = arith.index_cast %add3A_309 : i32 to index
          %get3A_311 = tpu.vector_load %arg13[%get3A_310] {strides = array<i32>} : memref<8192xf32, #tpu.memory_space<vmem>>, vector<16xf32>,
          %get3A_312 = vector.shape_cast %get3A_311 : vector<16xf32> to vector<16xf32>
          %add3A_313 = arith.constant 512 : i32
          %add3A_314 = arith.addi %add3A_313, %add3A_307 : i32
          %get3A_315 = arith.index_cast %add3A_314 : i32 to index
          %get3A_316 = tpu.vector_load %arg13[%get3A_315] {strides = array<i32>} : memref<8192xf32, #tpu.memory_space<vmem>>, vector<16xf32>,
          %get3A_317 = vector.shape_cast %get3A_316 : vector<16xf32> to vector<16xf32>
          %add3A_318 = arith.constant 1024 : i32
          %add3A_319 = arith.addi %add3A_318, %add3A_307 : i32
          %get3A_320 = arith.index_cast %add3A_319 : i32 to index
          %get3A_321 = tpu.vector_load %arg13[%get3A_320] {strides = array<i32>} : memref<8192xf32, #tpu.memory_space<vmem>>, vector<16xf32>,
          %get3A_322 = vector.shape_cast %get3A_321 : vector<16xf32> to vector<16xf32>
          %add3A_323 = arith.constant 1536 : i32
          %add3A_324 = arith.addi %add3A_323, %add3A_307 : i32
          %get3A_325 = arith.index_cast %add3A_324 : i32 to index
          %get3A_326 = tpu.vector_load %arg13[%get3A_325] {strides = array<i32>} : memref<8192xf32, #tpu.memory_space<vmem>>, vector<16xf32>,
          %get3A_327 = vector.shape_cast %get3A_326 : vector<16xf32> to vector<16xf32>
          %add3A_328 = arith.constant 2048 : i32
          %add3A_329 = arith.addi %add3A_328, %add3A_307 : i32
          %get3A_330 = arith.index_cast %add3A_329 : i32 to index
          %get3A_331 = tpu.vector_load %arg13[%get3A_330] {strides = array<i32>} : memref<8192xf32, #tpu.memory_space<vmem>>, vector<16xf32>,
          %get3A_332 = vector.shape_cast %get3A_331 : vector<16xf32> to vector<16xf32>
          %add3A_333 = arith.constant 2560 : i32
          %add3A_334 = arith.addi %add3A_333, %add3A_307 : i32
          %get3A_335 = arith.index_cast %add3A_334 : i32 to index
          %get3A_336 = tpu.vector_load %arg13[%get3A_335] {strides = array<i32>} : memref<8192xf32, #tpu.memory_space<vmem>>, vector<16xf32>,
          %get3A_337 = vector.shape_cast %get3A_336 : vector<16xf32> to vector<16xf32>
          %add3A_338 = arith.constant 3072 : i32
          %add3A_339 = arith.addi %add3A_338, %add3A_307 : i32
          %get3A_340 = arith.index_cast %add3A_339 : i32 to index
          %get3A_341 = tpu.vector_load %arg13[%get3A_340] {strides = array<i32>} : memref<8192xf32, #tpu.memory_space<vmem>>, vector<16xf32>,
          %get3A_342 = vector.shape_cast %get3A_341 : vector<16xf32> to vector<16xf32>
          %add3A_343 = arith.constant 3584 : i32
          %add3A_344 = arith.addi %add3A_343, %add3A_307 : i32
          %get3A_345 = arith.index_cast %add3A_344 : i32 to index
          %get3A_346 = tpu.vector_load %arg13[%get3A_345] {strides = array<i32>} : memref<8192xf32, #tpu.memory_space<vmem>>, vector<16xf32>,
          %get3A_347 = vector.shape_cast %get3A_346 : vector<16xf32> to vector<16xf32>
          %mul3A_348 = arith.mulf %get3A_312, %sub3A_231 : vector<16xf32>
          %mul3A_349 = arith.mulf %get3A_332, %get3A_219 : vector<16xf32>
          %add3A_350 = arith.addf %mul3A_348, %mul3A_349 : vector<16xf32>
          %mul3A_351 = arith.mulf %get3A_317, %sub3A_231 : vector<16xf32>
          %mul3A_352 = arith.mulf %get3A_337, %get3A_219 : vector<16xf32>
          %add3A_353 = arith.addf %mul3A_351, %mul3A_352 : vector<16xf32>
          %mul3A_354 = arith.mulf %get3A_322, %sub3A_231 : vector<16xf32>
          %mul3A_355 = arith.mulf %get3A_342, %get3A_219 : vector<16xf32>
          %add3A_356 = arith.addf %mul3A_354, %mul3A_355 : vector<16xf32>
          %mul3A_357 = arith.mulf %get3A_327, %sub3A_231 : vector<16xf32>
          %mul3A_358 = arith.mulf %get3A_347, %get3A_219 : vector<16xf32>
          %add3A_359 = arith.addf %mul3A_357, %mul3A_358 : vector<16xf32>
          %mul3A_360 = arith.mulf %add3A_350, %sub3A_234 : vector<16xf32>
          %mul3A_361 = arith.mulf %add3A_356, %get3A_224 : vector<16xf32>
          %add3A_362 = arith.addf %mul3A_360, %mul3A_361 : vector<16xf32>
          %mul3A_363 = arith.mulf %add3A_353, %sub3A_234 : vector<16xf32>
          %mul3A_364 = arith.mulf %add3A_359, %get3A_224 : vector<16xf32>
          %add3A_365 = arith.addf %mul3A_363, %mul3A_364 : vector<16xf32>
          %mul3A_366 = arith.mulf %add3A_362, %sub3A_237 : vector<16xf32>
          %mul3A_367 = arith.mulf %add3A_365, %get3A_229 : vector<16xf32>
          %add3A_368 = arith.addf %mul3A_366, %mul3A_367 : vector<16xf32>
          %add3A_369 = arith.constant 1536 : i32
          %add3A_370 = arith.addi %add3A_369, %mul3A_216 : i32
          %swap3A_371 = arith.index_cast %add3A_370 : i32 to index
          %swap3A_372 = tpu.vector_load %arg14[%swap3A_371] {strides = array<i32>} : memref<2048xf32, #tpu.memory_space<vmem>>, vector<16xf32>,
          %swap3A_373 = vector.shape_cast %swap3A_372 : vector<16xf32> to vector<16xf32>
          %swap3A_374 = vector.shape_cast %add3A_368 : vector<16xf32> to vector<16xf32>
          tpu.vector_store %arg14[%swap3A_371], %swap3A_374 {strides = array<i32>} : memref<2048xf32, #tpu.memory_space<vmem>>, vector<16xf32>,
        }
        %scan3A_100 = arith.constant 32 : i32
        %mul3A_101 = arith.constant 2 : i32
        %mul3A_102 = arith.muli %mul3A_101, %add3A_11 : i32
        %mul3A_103 = arith.constant 524288 : i32
        %mul3A_104 = arith.muli %mul3A_102, %mul3A_103 : i32
        %add3A_105 = arith.addi %mul3A_104, %mul3A_2 : i32
        %mul3A_106 = arith.constant 1024 : i32
        %mul3A_107 = arith.muli %mul3A_56, %mul3A_106 : i32
        %add3A_108 = arith.addi %add3A_105, %mul3A_107 : i32
        %dma_start3A_109 = arith.constant 0 : i32
        %dma_start3A_110 = tpu.memref_slice %arg14[%dma_start3A_109] : memref<2048xf32, #tpu.memory_space<vmem>> -> memref<1024xf32, #tpu.memory_space<vmem>>
        %dma_start3A_111 = tpu.memref_slice %arg5[%add3A_108] : memref<16777216xf32, #tpu.memory_space<hbm>> -> memref<1024xf32, #tpu.memory_space<hbm>>
        %dma_start3A_112 = tpu.memref_slice %arg5[%add3A_108] : memref<16777216xf32, #tpu.memory_space<hbm>> -> memref<1024xf32, #tpu.memory_space<hbm>>
        %dma_start3A_113 = arith.constant 0 : i32
        %dma_start3A_114 = tpu.memref_slice %arg14[%dma_start3A_113] : memref<2048xf32, #tpu.memory_space<vmem>> -> memref<1024xf32, #tpu.memory_space<vmem>>
        tpu.enqueue_dma source(%dma_start3A_114 : memref<1024xf32, #tpu.memory_space<vmem>>) target(%dma_start3A_112 : memref<1024xf32, #tpu.memory_space<hbm>>) target_semaphore(%arg22 : memref<!tpu.dma_semaphore, #tpu.memory_space<semaphore_mem>>)
        %add3A_115 = arith.constant 524288 : i32
        %add3A_116 = arith.addi %add3A_108, %add3A_115 : i32
        %dma_start3A_117 = arith.constant 1024 : i32
        %dma_start3A_118 = tpu.memref_slice %arg14[%dma_start3A_117] : memref<2048xf32, #tpu.memory_space<vmem>> -> memref<1024xf32, #tpu.memory_space<vmem>>
        %dma_start3A_119 = tpu.memref_slice %arg5[%add3A_116] : memref<16777216xf32, #tpu.memory_space<hbm>> -> memref<1024xf32, #tpu.memory_space<hbm>>
        %dma_start3A_120 = tpu.memref_slice %arg5[%add3A_116] : memref<16777216xf32, #tpu.memory_space<hbm>> -> memref<1024xf32, #tpu.memory_space<hbm>>
        %dma_start3A_121 = arith.constant 1024 : i32
        %dma_start3A_122 = tpu.memref_slice %arg14[%dma_start3A_121] : memref<2048xf32, #tpu.memory_space<vmem>> -> memref<1024xf32, #tpu.memory_space<vmem>>
        tpu.enqueue_dma source(%dma_start3A_122 : memref<1024xf32, #tpu.memory_space<vmem>>) target(%dma_start3A_120 : memref<1024xf32, #tpu.memory_space<hbm>>) target_semaphore(%arg22 : memref<!tpu.dma_semaphore, #tpu.memory_space<semaphore_mem>>)
        %mul3A_123 = arith.constant 1024 : i32
        %mul3A_124 = arith.muli %min3A_59, %mul3A_123 : i32
        %add3A_125 = arith.addi %mul3A_2, %mul3A_124 : i32
        %dma_start3A_126 = arith.constant 0 : i32
        %dma_start3A_127 = tpu.memref_slice %arg2[%dma_start3A_126, %add3A_125] : memref<3x524288xf32, #tpu.memory_space<hbm>> -> memref<3x1024xf32, #tpu.memory_space<hbm>>
        %dma_start3A_128 = arith.constant 0 : i32
        %dma_start3A_129 = tpu.memref_slice %arg2[%dma_start3A_128, %add3A_125] : memref<3x524288xf32, #tpu.memory_space<hbm>> -> memref<3x1024xf32, #tpu.memory_space<hbm>>
        tpu.enqueue_dma source(%dma_start3A_129 : memref<3x1024xf32, #tpu.memory_space<hbm>>) target(%arg6 : memref<3x1024xf32, #tpu.memory_space<vmem>>) target_semaphore(%arg20 : memref<!tpu.dma_semaphore, #tpu.memory_space<semaphore_mem>>)
        %scan3A_130 = arith.constant 0 : i32
        %scan3A_131 = arith.constant 32 : i32
        %scan3A_132 = arith.addi %scan3A_130, %scan3A_131 : i32
        %scan3A_133 = arith.constant 1 : i32
        scf.for %scan3A_210 = %scan3A_130 to %scan3A_132 step %scan3A_133  : i32 {
          %mul3A_211 = arith.constant 1 : i32
          %mul3A_212 = arith.muli %scan3A_210, %mul3A_211 : i32
          %add3A_213 = arith.constant 0 : i32
          %add3A_214 = arith.addi %add3A_213, %mul3A_212 : i32
          %mul3A_215 = arith.constant 16 : i32
          %mul3A_216 = arith.muli %add3A_214, %mul3A_215 : i32
          %add3A_217 = arith.constant 512 : i32
          %add3A_218 = arith.addi %add3A_217, %mul3A_216 : i32
          %get3A_219 = arith.constant 0 : i32
          %get3A_220 = arith.index_cast %get3A_219 : i32 to index
          %get3A_221 = arith.index_cast %add3A_218 : i32 to index
          %get3A_222 = tpu.vector_load %arg7[%get3A_220, %get3A_221] {strides = array<i32>} : memref<3x1024xf32, #tpu.memory_space<vmem>>, vector<1x16xf32>,
          %get3A_223 = vector.shape_cast %get3A_222 : vector<1x16xf32> to vector<16xf32>
          %get3A_224 = arith.constant 1 : i32
          %get3A_225 = arith.index_cast %get3A_224 : i32 to index
          %get3A_226 = arith.index_cast %add3A_218 : i32 to index
          %get3A_227 = tpu.vector_load %arg7[%get3A_225, %get3A_226] {strides = array<i32>} : memref<3x1024xf32, #tpu.memory_space<vmem>>, vector<1x16xf32>,
          %get3A_228 = vector.shape_cast %get3A_227 : vector<1x16xf32> to vector<16xf32>
          %get3A_229 = arith.constant 2 : i32
          %get3A_230 = arith.index_cast %get3A_229 : i32 to index
          %get3A_231 = arith.index_cast %add3A_218 : i32 to index
          %get3A_232 = tpu.vector_load %arg7[%get3A_230, %get3A_231] {strides = array<i32>} : memref<3x1024xf32, #tpu.memory_space<vmem>>, vector<1x16xf32>,
          %get3A_233 = vector.shape_cast %get3A_232 : vector<1x16xf32> to vector<16xf32>
          %div3A = arith.divf %get3A_223, %gather3A_19 : vector<16xf32>
          %convert_element_type3A = arith.fptosi %div3A : vector<16xf32> to vector<16xi32>
          %div3A_234 = arith.divf %get3A_228, %gather3A_19 : vector<16xf32>
          %convert_element_type3A_235 = arith.fptosi %div3A_234 : vector<16xf32> to vector<16xi32>
          %div3A_236 = arith.divf %get3A_233, %gather3A_19 : vector<16xf32>
          %convert_element_type3A_237 = arith.fptosi %div3A_236 : vector<16xf32> to vector<16xi32>
          %convert_element_type3A_238 = arith.sitofp %convert_element_type3A : vector<16xi32> to vector<16xf32>
          %mul3A_239 = arith.mulf %convert_element_type3A_238, %gather3A_19 : vector<16xf32>
          %convert_element_type3A_240 = arith.sitofp %convert_element_type3A_235 : vector<16xi32> to vector<16xf32>
          %mul3A_241 = arith.mulf %convert_element_type3A_240, %gather3A_19 : vector<16xf32>
          %convert_element_type3A_242 = arith.sitofp %convert_element_type3A_237 : vector<16xi32> to vector<16xf32>
          %mul3A_243 = arith.mulf %convert_element_type3A_242, %gather3A_19 : vector<16xf32>
          %sub3A = arith.subf %get3A_223, %mul3A_239 : vector<16xf32>
          %add3A_244 = arith.addf %mul3A_239, %gather3A_19 : vector<16xf32>
          %sub3A_245 = arith.subf %add3A_244, %mul3A_239 : vector<16xf32>
          %div3A_246 = arith.divf %sub3A, %sub3A_245 : vector<16xf32>
          %swap3A = arith.index_cast %mul3A_216 : i32 to index
          %swap3A_247 = tpu.vector_load %arg9[%swap3A] {strides = array<i32>} : memref<1536xf32, #tpu.memory_space<vmem>>, vector<16xf32>,
          %swap3A_248 = vector.shape_cast %swap3A_247 : vector<16xf32> to vector<16xf32>
          %swap3A_249 = vector.shape_cast %div3A_246 : vector<16xf32> to vector<16xf32>
          tpu.vector_store %arg9[%swap3A], %swap3A_249 {strides = array<i32>} : memref<1536xf32, #tpu.memory_space<vmem>>, vector<16xf32>,
          %sub3A_250 = arith.subf %get3A_228, %mul3A_241 : vector<16xf32>
          %add3A_251 = arith.addf %mul3A_241, %gather3A_19 : vector<16xf32>
          %sub3A_252 = arith.subf %add3A_251, %mul3A_241 : vector<16xf32>
          %div3A_253 = arith.divf %sub3A_250, %sub3A_252 : vector<16xf32>
          %add3A_254 = arith.constant 512 : i32
          %add3A_255 = arith.addi %add3A_254, %mul3A_216 : i32
          %swap3A_256 = arith.index_cast %add3A_255 : i32 to index
          %swap3A_257 = tpu.vector_load %arg9[%swap3A_256] {strides = array<i32>} : memref<1536xf32, #tpu.memory_space<vmem>>, vector<16xf32>,
          %swap3A_258 = vector.shape_cast %swap3A_257 : vector<16xf32> to vector<16xf32>
          %swap3A_259 = vector.shape_cast %div3A_253 : vector<16xf32> to vector<16xf32>
          tpu.vector_store %arg9[%swap3A_256], %swap3A_259 {strides = array<i32>} : memref<1536xf32, #tpu.memory_space<vmem>>, vector<16xf32>,
          %sub3A_260 = arith.subf %get3A_233, %mul3A_243 : vector<16xf32>
          %add3A_261 = arith.addf %mul3A_243, %gather3A_19 : vector<16xf32>
          %sub3A_262 = arith.subf %add3A_261, %mul3A_243 : vector<16xf32>
          %div3A_263 = arith.divf %sub3A_260, %sub3A_262 : vector<16xf32>
          %add3A_264 = arith.constant 1024 : i32
          %add3A_265 = arith.addi %add3A_264, %mul3A_216 : i32
          %swap3A_266 = arith.index_cast %add3A_265 : i32 to index
          %swap3A_267 = tpu.vector_load %arg9[%swap3A_266] {strides = array<i32>} : memref<1536xf32, #tpu.memory_space<vmem>>, vector<16xf32>,
          %swap3A_268 = vector.shape_cast %swap3A_267 : vector<16xf32> to vector<16xf32>
          %swap3A_269 = vector.shape_cast %div3A_263 : vector<16xf32> to vector<16xf32>
          tpu.vector_store %arg9[%swap3A_266], %swap3A_269 {strides = array<i32>} : memref<1536xf32, #tpu.memory_space<vmem>>, vector<16xf32>,
          %mul3A_270 = arith.constant -1640531535 : i32
          %mul3A_271 = vector.broadcast %mul3A_270 : i32 to vector<16xi32>
          %mul3A_272 = arith.muli %convert_element_type3A_235, %mul3A_271 : vector<16xi32>
          %mul3A_273 = arith.constant 805459861 : i32
          %mul3A_274 = vector.broadcast %mul3A_273 : i32 to vector<16xi32>
          %mul3A_275 = arith.muli %convert_element_type3A_237, %mul3A_274 : vector<16xi32>
          %add3A_276 = arith.constant 1 : i32
          %add3A_277 = vector.broadcast %add3A_276 : i32 to vector<16xi32>
          %add3A_278 = arith.addi %convert_element_type3A, %add3A_277 : vector<16xi32>
          %add3A_279 = arith.constant -1640531535 : i32
          %add3A_280 = vector.broadcast %add3A_279 : i32 to vector<16xi32>
          %add3A_281 = arith.addi %mul3A_272, %add3A_280 : vector<16xi32>
          %add3A_282 = arith.constant 805459861 : i32
          %add3A_283 = vector.broadcast %add3A_282 : i32 to vector<16xi32>
          %add3A_284 = arith.addi %mul3A_275, %add3A_283 : vector<16xi32>
          %xor3A = arith.xori %convert_element_type3A, %mul3A_272 : vector<16xi32>
          %xor3A_285 = arith.xori %xor3A, %mul3A_275 : vector<16xi32>
          %xor3A_286 = arith.xori %convert_element_type3A, %mul3A_272 : vector<16xi32>
          %xor3A_287 = arith.xori %xor3A_286, %add3A_284 : vector<16xi32>
          %xor3A_288 = arith.xori %convert_element_type3A, %add3A_281 : vector<16xi32>
          %xor3A_289 = arith.xori %xor3A_288, %mul3A_275 : vector<16xi32>
          %xor3A_290 = arith.xori %convert_element_type3A, %add3A_281 : vector<16xi32>
          %xor3A_291 = arith.xori %xor3A_290, %add3A_284 : vector<16xi32>
          %xor3A_292 = arith.xori %add3A_278, %mul3A_272 : vector<16xi32>
          %xor3A_293 = arith.xori %xor3A_292, %mul3A_275 : vector<16xi32>
          %xor3A_294 = arith.xori %add3A_278, %mul3A_272 : vector<16xi32>
          %xor3A_295 = arith.xori %xor3A_294, %add3A_284 : vector<16xi32>
          %xor3A_296 = arith.xori %add3A_278, %add3A_281 : vector<16xi32>
          %xor3A_297 = arith.xori %xor3A_296, %mul3A_275 : vector<16xi32>
          %xor3A_298 = arith.xori %add3A_278, %add3A_281 : vector<16xi32>
          %xor3A_299 = arith.xori %xor3A_298, %add3A_284 : vector<16xi32>
          %and3A = arith.constant 524287 : i32
          %and3A_300 = vector.broadcast %and3A : i32 to vector<16xi32>
          %and3A_301 = arith.andi %xor3A_285, %and3A_300 : vector<16xi32>
          %add3A_302 = arith.constant 0 : i32
          %add3A_303 = arith.addi %add3A_302, %mul3A_216 : i32
          %swap3A_304 = arith.index_cast %add3A_303 : i32 to index
          %swap3A_305 = tpu.vector_load %arg11[%swap3A_304] {strides = array<i32>} : memref<8192xi32, #tpu.memory_space<vmem>>, vector<16xi32>,
          %swap3A_306 = vector.shape_cast %swap3A_305 : vector<16xi32> to vector<16xi32>
          %swap3A_307 = vector.shape_cast %and3A_301 : vector<16xi32> to vector<16xi32>
          tpu.vector_store %arg11[%swap3A_304], %swap3A_307 {strides = array<i32>} : memref<8192xi32, #tpu.memory_space<vmem>>, vector<16xi32>,
          %add3A_308 = arith.constant 524288 : i32
          %add3A_309 = vector.broadcast %add3A_308 : i32 to vector<16xi32>
          %add3A_310 = arith.addi %and3A_301, %add3A_309 : vector<16xi32>
          %add3A_311 = arith.constant 4096 : i32
          %add3A_312 = arith.addi %add3A_311, %mul3A_216 : i32
          %swap3A_313 = arith.index_cast %add3A_312 : i32 to index
          %swap3A_314 = tpu.vector_load %arg11[%swap3A_313] {strides = array<i32>} : memref<8192xi32, #tpu.memory_space<vmem>>, vector<16xi32>,
          %swap3A_315 = vector.shape_cast %swap3A_314 : vector<16xi32> to vector<16xi32>
          %swap3A_316 = vector.shape_cast %add3A_310 : vector<16xi32> to vector<16xi32>
          tpu.vector_store %arg11[%swap3A_313], %swap3A_316 {strides = array<i32>} : memref<8192xi32, #tpu.memory_space<vmem>>, vector<16xi32>,
          %and3A_317 = arith.constant 524287 : i32
          %and3A_318 = vector.broadcast %and3A_317 : i32 to vector<16xi32>
          %and3A_319 = arith.andi %xor3A_287, %and3A_318 : vector<16xi32>
          %add3A_320 = arith.constant 512 : i32
          %add3A_321 = arith.addi %add3A_320, %mul3A_216 : i32
          %swap3A_322 = arith.index_cast %add3A_321 : i32 to index
          %swap3A_323 = tpu.vector_load %arg11[%swap3A_322] {strides = array<i32>} : memref<8192xi32, #tpu.memory_space<vmem>>, vector<16xi32>,
          %swap3A_324 = vector.shape_cast %swap3A_323 : vector<16xi32> to vector<16xi32>
          %swap3A_325 = vector.shape_cast %and3A_319 : vector<16xi32> to vector<16xi32>
          tpu.vector_store %arg11[%swap3A_322], %swap3A_325 {strides = array<i32>} : memref<8192xi32, #tpu.memory_space<vmem>>, vector<16xi32>,
          %add3A_326 = arith.constant 524288 : i32
          %add3A_327 = vector.broadcast %add3A_326 : i32 to vector<16xi32>
          %add3A_328 = arith.addi %and3A_319, %add3A_327 : vector<16xi32>
          %add3A_329 = arith.constant 4608 : i32
          %add3A_330 = arith.addi %add3A_329, %mul3A_216 : i32
          %swap3A_331 = arith.index_cast %add3A_330 : i32 to index
          %swap3A_332 = tpu.vector_load %arg11[%swap3A_331] {strides = array<i32>} : memref<8192xi32, #tpu.memory_space<vmem>>, vector<16xi32>,
          %swap3A_333 = vector.shape_cast %swap3A_332 : vector<16xi32> to vector<16xi32>
          %swap3A_334 = vector.shape_cast %add3A_328 : vector<16xi32> to vector<16xi32>
          tpu.vector_store %arg11[%swap3A_331], %swap3A_334 {strides = array<i32>} : memref<8192xi32, #tpu.memory_space<vmem>>, vector<16xi32>,
          %and3A_335 = arith.constant 524287 : i32
          %and3A_336 = vector.broadcast %and3A_335 : i32 to vector<16xi32>
          %and3A_337 = arith.andi %xor3A_289, %and3A_336 : vector<16xi32>
          %add3A_338 = arith.constant 1024 : i32
          %add3A_339 = arith.addi %add3A_338, %mul3A_216 : i32
          %swap3A_340 = arith.index_cast %add3A_339 : i32 to index
          %swap3A_341 = tpu.vector_load %arg11[%swap3A_340] {strides = array<i32>} : memref<8192xi32, #tpu.memory_space<vmem>>, vector<16xi32>,
          %swap3A_342 = vector.shape_cast %swap3A_341 : vector<16xi32> to vector<16xi32>
          %swap3A_343 = vector.shape_cast %and3A_337 : vector<16xi32> to vector<16xi32>
          tpu.vector_store %arg11[%swap3A_340], %swap3A_343 {strides = array<i32>} : memref<8192xi32, #tpu.memory_space<vmem>>, vector<16xi32>,
          %add3A_344 = arith.constant 524288 : i32
          %add3A_345 = vector.broadcast %add3A_344 : i32 to vector<16xi32>
          %add3A_346 = arith.addi %and3A_337, %add3A_345 : vector<16xi32>
          %add3A_347 = arith.constant 5120 : i32
          %add3A_348 = arith.addi %add3A_347, %mul3A_216 : i32
          %swap3A_349 = arith.index_cast %add3A_348 : i32 to index
          %swap3A_350 = tpu.vector_load %arg11[%swap3A_349] {strides = array<i32>} : memref<8192xi32, #tpu.memory_space<vmem>>, vector<16xi32>,
          %swap3A_351 = vector.shape_cast %swap3A_350 : vector<16xi32> to vector<16xi32>
          %swap3A_352 = vector.shape_cast %add3A_346 : vector<16xi32> to vector<16xi32>
          tpu.vector_store %arg11[%swap3A_349], %swap3A_352 {strides = array<i32>} : memref<8192xi32, #tpu.memory_space<vmem>>, vector<16xi32>,
          %and3A_353 = arith.constant 524287 : i32
          %and3A_354 = vector.broadcast %and3A_353 : i32 to vector<16xi32>
          %and3A_355 = arith.andi %xor3A_291, %and3A_354 : vector<16xi32>
          %add3A_356 = arith.constant 1536 : i32
          %add3A_357 = arith.addi %add3A_356, %mul3A_216 : i32
          %swap3A_358 = arith.index_cast %add3A_357 : i32 to index
          %swap3A_359 = tpu.vector_load %arg11[%swap3A_358] {strides = array<i32>} : memref<8192xi32, #tpu.memory_space<vmem>>, vector<16xi32>,
          %swap3A_360 = vector.shape_cast %swap3A_359 : vector<16xi32> to vector<16xi32>
          %swap3A_361 = vector.shape_cast %and3A_355 : vector<16xi32> to vector<16xi32>
          tpu.vector_store %arg11[%swap3A_358], %swap3A_361 {strides = array<i32>} : memref<8192xi32, #tpu.memory_space<vmem>>, vector<16xi32>,
          %add3A_362 = arith.constant 524288 : i32
          %add3A_363 = vector.broadcast %add3A_362 : i32 to vector<16xi32>
          %add3A_364 = arith.addi %and3A_355, %add3A_363 : vector<16xi32>
          %add3A_365 = arith.constant 5632 : i32
          %add3A_366 = arith.addi %add3A_365, %mul3A_216 : i32
          %swap3A_367 = arith.index_cast %add3A_366 : i32 to index
          %swap3A_368 = tpu.vector_load %arg11[%swap3A_367] {strides = array<i32>} : memref<8192xi32, #tpu.memory_space<vmem>>, vector<16xi32>,
          %swap3A_369 = vector.shape_cast %swap3A_368 : vector<16xi32> to vector<16xi32>
          %swap3A_370 = vector.shape_cast %add3A_364 : vector<16xi32> to vector<16xi32>
          tpu.vector_store %arg11[%swap3A_367], %swap3A_370 {strides = array<i32>} : memref<8192xi32, #tpu.memory_space<vmem>>, vector<16xi32>,
          %and3A_371 = arith.constant 524287 : i32
          %and3A_372 = vector.broadcast %and3A_371 : i32 to vector<16xi32>
          %and3A_373 = arith.andi %xor3A_293, %and3A_372 : vector<16xi32>
          %add3A_374 = arith.constant 2048 : i32
          %add3A_375 = arith.addi %add3A_374, %mul3A_216 : i32
          %swap3A_376 = arith.index_cast %add3A_375 : i32 to index
          %swap3A_377 = tpu.vector_load %arg11[%swap3A_376] {strides = array<i32>} : memref<8192xi32, #tpu.memory_space<vmem>>, vector<16xi32>,
          %swap3A_378 = vector.shape_cast %swap3A_377 : vector<16xi32> to vector<16xi32>
          %swap3A_379 = vector.shape_cast %and3A_373 : vector<16xi32> to vector<16xi32>
          tpu.vector_store %arg11[%swap3A_376], %swap3A_379 {strides = array<i32>} : memref<8192xi32, #tpu.memory_space<vmem>>, vector<16xi32>,
          %add3A_380 = arith.constant 524288 : i32
          %add3A_381 = vector.broadcast %add3A_380 : i32 to vector<16xi32>
          %add3A_382 = arith.addi %and3A_373, %add3A_381 : vector<16xi32>
          %add3A_383 = arith.constant 6144 : i32
          %add3A_384 = arith.addi %add3A_383, %mul3A_216 : i32
          %swap3A_385 = arith.index_cast %add3A_384 : i32 to index
          %swap3A_386 = tpu.vector_load %arg11[%swap3A_385] {strides = array<i32>} : memref<8192xi32, #tpu.memory_space<vmem>>, vector<16xi32>,
          %swap3A_387 = vector.shape_cast %swap3A_386 : vector<16xi32> to vector<16xi32>
          %swap3A_388 = vector.shape_cast %add3A_382 : vector<16xi32> to vector<16xi32>
          tpu.vector_store %arg11[%swap3A_385], %swap3A_388 {strides = array<i32>} : memref<8192xi32, #tpu.memory_space<vmem>>, vector<16xi32>,
          %and3A_389 = arith.constant 524287 : i32
          %and3A_390 = vector.broadcast %and3A_389 : i32 to vector<16xi32>
          %and3A_391 = arith.andi %xor3A_295, %and3A_390 : vector<16xi32>
          %add3A_392 = arith.constant 2560 : i32
          %add3A_393 = arith.addi %add3A_392, %mul3A_216 : i32
          %swap3A_394 = arith.index_cast %add3A_393 : i32 to index
          %swap3A_395 = tpu.vector_load %arg11[%swap3A_394] {strides = array<i32>} : memref<8192xi32, #tpu.memory_space<vmem>>, vector<16xi32>,
          %swap3A_396 = vector.shape_cast %swap3A_395 : vector<16xi32> to vector<16xi32>
          %swap3A_397 = vector.shape_cast %and3A_391 : vector<16xi32> to vector<16xi32>
          tpu.vector_store %arg11[%swap3A_394], %swap3A_397 {strides = array<i32>} : memref<8192xi32, #tpu.memory_space<vmem>>, vector<16xi32>,
          %add3A_398 = arith.constant 524288 : i32
          %add3A_399 = vector.broadcast %add3A_398 : i32 to vector<16xi32>
          %add3A_400 = arith.addi %and3A_391, %add3A_399 : vector<16xi32>
          %add3A_401 = arith.constant 6656 : i32
          %add3A_402 = arith.addi %add3A_401, %mul3A_216 : i32
          %swap3A_403 = arith.index_cast %add3A_402 : i32 to index
          %swap3A_404 = tpu.vector_load %arg11[%swap3A_403] {strides = array<i32>} : memref<8192xi32, #tpu.memory_space<vmem>>, vector<16xi32>,
          %swap3A_405 = vector.shape_cast %swap3A_404 : vector<16xi32> to vector<16xi32>
          %swap3A_406 = vector.shape_cast %add3A_400 : vector<16xi32> to vector<16xi32>
          tpu.vector_store %arg11[%swap3A_403], %swap3A_406 {strides = array<i32>} : memref<8192xi32, #tpu.memory_space<vmem>>, vector<16xi32>,
          %and3A_407 = arith.constant 524287 : i32
          %and3A_408 = vector.broadcast %and3A_407 : i32 to vector<16xi32>
          %and3A_409 = arith.andi %xor3A_297, %and3A_408 : vector<16xi32>
          %add3A_410 = arith.constant 3072 : i32
          %add3A_411 = arith.addi %add3A_410, %mul3A_216 : i32
          %swap3A_412 = arith.index_cast %add3A_411 : i32 to index
          %swap3A_413 = tpu.vector_load %arg11[%swap3A_412] {strides = array<i32>} : memref<8192xi32, #tpu.memory_space<vmem>>, vector<16xi32>,
          %swap3A_414 = vector.shape_cast %swap3A_413 : vector<16xi32> to vector<16xi32>
          %swap3A_415 = vector.shape_cast %and3A_409 : vector<16xi32> to vector<16xi32>
          tpu.vector_store %arg11[%swap3A_412], %swap3A_415 {strides = array<i32>} : memref<8192xi32, #tpu.memory_space<vmem>>, vector<16xi32>,
          %add3A_416 = arith.constant 524288 : i32
          %add3A_417 = vector.broadcast %add3A_416 : i32 to vector<16xi32>
          %add3A_418 = arith.addi %and3A_409, %add3A_417 : vector<16xi32>
          %add3A_419 = arith.constant 7168 : i32
          %add3A_420 = arith.addi %add3A_419, %mul3A_216 : i32
          %swap3A_421 = arith.index_cast %add3A_420 : i32 to index
          %swap3A_422 = tpu.vector_load %arg11[%swap3A_421] {strides = array<i32>} : memref<8192xi32, #tpu.memory_space<vmem>>, vector<16xi32>,
          %swap3A_423 = vector.shape_cast %swap3A_422 : vector<16xi32> to vector<16xi32>
          %swap3A_424 = vector.shape_cast %add3A_418 : vector<16xi32> to vector<16xi32>
          tpu.vector_store %arg11[%swap3A_421], %swap3A_424 {strides = array<i32>} : memref<8192xi32, #tpu.memory_space<vmem>>, vector<16xi32>,
          %and3A_425 = arith.constant 524287 : i32
          %and3A_426 = vector.broadcast %and3A_425 : i32 to vector<16xi32>
          %and3A_427 = arith.andi %xor3A_299, %and3A_426 : vector<16xi32>
          %add3A_428 = arith.constant 3584 : i32
          %add3A_429 = arith.addi %add3A_428, %mul3A_216 : i32
          %swap3A_430 = arith.index_cast %add3A_429 : i32 to index
          %swap3A_431 = tpu.vector_load %arg11[%swap3A_430] {strides = array<i32>} : memref<8192xi32, #tpu.memory_space<vmem>>, vector<16xi32>,
          %swap3A_432 = vector.shape_cast %swap3A_431 : vector<16xi32> to vector<16xi32>
          %swap3A_433 = vector.shape_cast %and3A_427 : vector<16xi32> to vector<16xi32>
          tpu.vector_store %arg11[%swap3A_430], %swap3A_433 {strides = array<i32>} : memref<8192xi32, #tpu.memory_space<vmem>>, vector<16xi32>,
          %add3A_434 = arith.constant 524288 : i32
          %add3A_435 = vector.broadcast %add3A_434 : i32 to vector<16xi32>
          %add3A_436 = arith.addi %and3A_427, %add3A_435 : vector<16xi32>
          %add3A_437 = arith.constant 7680 : i32
          %add3A_438 = arith.addi %add3A_437, %mul3A_216 : i32
          %swap3A_439 = arith.index_cast %add3A_438 : i32 to index
          %swap3A_440 = tpu.vector_load %arg11[%swap3A_439] {strides = array<i32>} : memref<8192xi32, #tpu.memory_space<vmem>>, vector<16xi32>,
          %swap3A_441 = vector.shape_cast %swap3A_440 : vector<16xi32> to vector<16xi32>
          %swap3A_442 = vector.shape_cast %add3A_436 : vector<16xi32> to vector<16xi32>
          tpu.vector_store %arg11[%swap3A_439], %swap3A_442 {strides = array<i32>} : memref<8192xi32, #tpu.memory_space<vmem>>, vector<16xi32>,
        }
        %scan3A_134 = arith.constant 32 : i32
        %dma_start3A_135 = arith.constant 0 : i32
        %dma_start3A_136 = tpu.memref_slice %arg17[%dma_start3A_135] : memref<1048576xf32, #tpu.memory_space<vmem_shared>> -> memref<1048576xf32, #tpu.memory_space<vmem_shared>>
        tpu.enqueue_indirect_dma source(%dma_start3A_136 : memref<1048576xf32, #tpu.memory_space<vmem_shared>>) target(%arg13 : memref<8192xf32, #tpu.memory_space<vmem>>) offsets(%arg11 : memref<8192xi32, #tpu.memory_space<vmem>>) semaphore(%arg19 : memref<!tpu.dma_semaphore, #tpu.memory_space<semaphore_mem>>)
        %dma_wait3A_137 = arith.constant 0 : i32
        %dma_wait3A_138 = tpu.memref_slice %arg17[%dma_wait3A_137] : memref<1048576xf32, #tpu.memory_space<vmem_shared>> -> memref<1048576xf32, #tpu.memory_space<vmem_shared>>
        tpu.wait_indirect_dma semaphore(%arg18 : memref<!tpu.dma_semaphore, #tpu.memory_space<semaphore_mem>>) src(%dma_wait3A_138 : memref<1048576xf32, #tpu.memory_space<vmem_shared>>) dst(%arg12 : memref<8192xf32, #tpu.memory_space<vmem>>)
        %scan3A_139 = arith.constant 0 : i32
        %scan3A_140 = arith.constant 32 : i32
        %scan3A_141 = arith.addi %scan3A_139, %scan3A_140 : i32
        %scan3A_142 = arith.constant 1 : i32
        scf.for %scan3A_210 = %scan3A_139 to %scan3A_141 step %scan3A_142  : i32 {
          %mul3A_211 = arith.constant 1 : i32
          %mul3A_212 = arith.muli %scan3A_210, %mul3A_211 : i32
          %add3A_213 = arith.constant 0 : i32
          %add3A_214 = arith.addi %add3A_213, %mul3A_212 : i32
          %mul3A_215 = arith.constant 16 : i32
          %mul3A_216 = arith.muli %add3A_214, %mul3A_215 : i32
          %get3A_217 = arith.index_cast %mul3A_216 : i32 to index
          %get3A_218 = tpu.vector_load %arg8[%get3A_217] {strides = array<i32>} : memref<1536xf32, #tpu.memory_space<vmem>>, vector<16xf32>,
          %get3A_219 = vector.shape_cast %get3A_218 : vector<16xf32> to vector<16xf32>
          %add3A_220 = arith.constant 512 : i32
          %add3A_221 = arith.addi %add3A_220, %mul3A_216 : i32
          %get3A_222 = arith.index_cast %add3A_221 : i32 to index
          %get3A_223 = tpu.vector_load %arg8[%get3A_222] {strides = array<i32>} : memref<1536xf32, #tpu.memory_space<vmem>>, vector<16xf32>,
          %get3A_224 = vector.shape_cast %get3A_223 : vector<16xf32> to vector<16xf32>
          %add3A_225 = arith.constant 1024 : i32
          %add3A_226 = arith.addi %add3A_225, %mul3A_216 : i32
          %get3A_227 = arith.index_cast %add3A_226 : i32 to index
          %get3A_228 = tpu.vector_load %arg8[%get3A_227] {strides = array<i32>} : memref<1536xf32, #tpu.memory_space<vmem>>, vector<16xf32>,
          %get3A_229 = vector.shape_cast %get3A_228 : vector<16xf32> to vector<16xf32>
          %sub3A = arith.constant 1.000000e+00 : f32
          %sub3A_230 = vector.broadcast %sub3A : f32 to vector<16xf32>
          %sub3A_231 = arith.subf %sub3A_230, %get3A_219 : vector<16xf32>
          %sub3A_232 = arith.constant 1.000000e+00 : f32
          %sub3A_233 = vector.broadcast %sub3A_232 : f32 to vector<16xf32>
          %sub3A_234 = arith.subf %sub3A_233, %get3A_224 : vector<16xf32>
          %sub3A_235 = arith.constant 1.000000e+00 : f32
          %sub3A_236 = vector.broadcast %sub3A_235 : f32 to vector<16xf32>
          %sub3A_237 = arith.subf %sub3A_236, %get3A_229 : vector<16xf32>
          %add3A_238 = arith.constant 0 : i32
          %add3A_239 = arith.addi %add3A_238, %mul3A_216 : i32
          %add3A_240 = arith.constant 0 : i32
          %add3A_241 = arith.addi %add3A_240, %add3A_239 : i32
          %get3A_242 = arith.index_cast %add3A_241 : i32 to index
          %get3A_243 = tpu.vector_load %arg12[%get3A_242] {strides = array<i32>} : memref<8192xf32, #tpu.memory_space<vmem>>, vector<16xf32>,
          %get3A_244 = vector.shape_cast %get3A_243 : vector<16xf32> to vector<16xf32>
          %add3A_245 = arith.constant 512 : i32
          %add3A_246 = arith.addi %add3A_245, %add3A_239 : i32
          %get3A_247 = arith.index_cast %add3A_246 : i32 to index
          %get3A_248 = tpu.vector_load %arg12[%get3A_247] {strides = array<i32>} : memref<8192xf32, #tpu.memory_space<vmem>>, vector<16xf32>,
          %get3A_249 = vector.shape_cast %get3A_248 : vector<16xf32> to vector<16xf32>
          %add3A_250 = arith.constant 1024 : i32
          %add3A_251 = arith.addi %add3A_250, %add3A_239 : i32
          %get3A_252 = arith.index_cast %add3A_251 : i32 to index
          %get3A_253 = tpu.vector_load %arg12[%get3A_252] {strides = array<i32>} : memref<8192xf32, #tpu.memory_space<vmem>>, vector<16xf32>,
          %get3A_254 = vector.shape_cast %get3A_253 : vector<16xf32> to vector<16xf32>
          %add3A_255 = arith.constant 1536 : i32
          %add3A_256 = arith.addi %add3A_255, %add3A_239 : i32
          %get3A_257 = arith.index_cast %add3A_256 : i32 to index
          %get3A_258 = tpu.vector_load %arg12[%get3A_257] {strides = array<i32>} : memref<8192xf32, #tpu.memory_space<vmem>>, vector<16xf32>,
          %get3A_259 = vector.shape_cast %get3A_258 : vector<16xf32> to vector<16xf32>
          %add3A_260 = arith.constant 2048 : i32
          %add3A_261 = arith.addi %add3A_260, %add3A_239 : i32
          %get3A_262 = arith.index_cast %add3A_261 : i32 to index
          %get3A_263 = tpu.vector_load %arg12[%get3A_262] {strides = array<i32>} : memref<8192xf32, #tpu.memory_space<vmem>>, vector<16xf32>,
          %get3A_264 = vector.shape_cast %get3A_263 : vector<16xf32> to vector<16xf32>
          %add3A_265 = arith.constant 2560 : i32
          %add3A_266 = arith.addi %add3A_265, %add3A_239 : i32
          %get3A_267 = arith.index_cast %add3A_266 : i32 to index
          %get3A_268 = tpu.vector_load %arg12[%get3A_267] {strides = array<i32>} : memref<8192xf32, #tpu.memory_space<vmem>>, vector<16xf32>,
          %get3A_269 = vector.shape_cast %get3A_268 : vector<16xf32> to vector<16xf32>
          %add3A_270 = arith.constant 3072 : i32
          %add3A_271 = arith.addi %add3A_270, %add3A_239 : i32
          %get3A_272 = arith.index_cast %add3A_271 : i32 to index
          %get3A_273 = tpu.vector_load %arg12[%get3A_272] {strides = array<i32>} : memref<8192xf32, #tpu.memory_space<vmem>>, vector<16xf32>,
          %get3A_274 = vector.shape_cast %get3A_273 : vector<16xf32> to vector<16xf32>
          %add3A_275 = arith.constant 3584 : i32
          %add3A_276 = arith.addi %add3A_275, %add3A_239 : i32
          %get3A_277 = arith.index_cast %add3A_276 : i32 to index
          %get3A_278 = tpu.vector_load %arg12[%get3A_277] {strides = array<i32>} : memref<8192xf32, #tpu.memory_space<vmem>>, vector<16xf32>,
          %get3A_279 = vector.shape_cast %get3A_278 : vector<16xf32> to vector<16xf32>
          %mul3A_280 = arith.mulf %get3A_244, %sub3A_231 : vector<16xf32>
          %mul3A_281 = arith.mulf %get3A_264, %get3A_219 : vector<16xf32>
          %add3A_282 = arith.addf %mul3A_280, %mul3A_281 : vector<16xf32>
          %mul3A_283 = arith.mulf %get3A_249, %sub3A_231 : vector<16xf32>
          %mul3A_284 = arith.mulf %get3A_269, %get3A_219 : vector<16xf32>
          %add3A_285 = arith.addf %mul3A_283, %mul3A_284 : vector<16xf32>
          %mul3A_286 = arith.mulf %get3A_254, %sub3A_231 : vector<16xf32>
          %mul3A_287 = arith.mulf %get3A_274, %get3A_219 : vector<16xf32>
          %add3A_288 = arith.addf %mul3A_286, %mul3A_287 : vector<16xf32>
          %mul3A_289 = arith.mulf %get3A_259, %sub3A_231 : vector<16xf32>
          %mul3A_290 = arith.mulf %get3A_279, %get3A_219 : vector<16xf32>
          %add3A_291 = arith.addf %mul3A_289, %mul3A_290 : vector<16xf32>
          %mul3A_292 = arith.mulf %add3A_282, %sub3A_234 : vector<16xf32>
          %mul3A_293 = arith.mulf %add3A_288, %get3A_224 : vector<16xf32>
          %add3A_294 = arith.addf %mul3A_292, %mul3A_293 : vector<16xf32>
          %mul3A_295 = arith.mulf %add3A_285, %sub3A_234 : vector<16xf32>
          %mul3A_296 = arith.mulf %add3A_291, %get3A_224 : vector<16xf32>
          %add3A_297 = arith.addf %mul3A_295, %mul3A_296 : vector<16xf32>
          %mul3A_298 = arith.mulf %add3A_294, %sub3A_237 : vector<16xf32>
          %mul3A_299 = arith.mulf %add3A_297, %get3A_229 : vector<16xf32>
          %add3A_300 = arith.addf %mul3A_298, %mul3A_299 : vector<16xf32>
          %add3A_301 = arith.constant 0 : i32
          %add3A_302 = arith.addi %add3A_301, %mul3A_216 : i32
          %swap3A = arith.index_cast %add3A_302 : i32 to index
          %swap3A_303 = tpu.vector_load %arg15[%swap3A] {strides = array<i32>} : memref<2048xf32, #tpu.memory_space<vmem>>, vector<16xf32>,
          %swap3A_304 = vector.shape_cast %swap3A_303 : vector<16xf32> to vector<16xf32>
          %swap3A_305 = vector.shape_cast %add3A_300 : vector<16xf32> to vector<16xf32>
          tpu.vector_store %arg15[%swap3A], %swap3A_305 {strides = array<i32>} : memref<2048xf32, #tpu.memory_space<vmem>>, vector<16xf32>,
          %add3A_306 = arith.constant 4096 : i32
          %add3A_307 = arith.addi %add3A_306, %mul3A_216 : i32
          %add3A_308 = arith.constant 0 : i32
          %add3A_309 = arith.addi %add3A_308, %add3A_307 : i32
          %get3A_310 = arith.index_cast %add3A_309 : i32 to index
          %get3A_311 = tpu.vector_load %arg12[%get3A_310] {strides = array<i32>} : memref<8192xf32, #tpu.memory_space<vmem>>, vector<16xf32>,
          %get3A_312 = vector.shape_cast %get3A_311 : vector<16xf32> to vector<16xf32>
          %add3A_313 = arith.constant 512 : i32
          %add3A_314 = arith.addi %add3A_313, %add3A_307 : i32
          %get3A_315 = arith.index_cast %add3A_314 : i32 to index
          %get3A_316 = tpu.vector_load %arg12[%get3A_315] {strides = array<i32>} : memref<8192xf32, #tpu.memory_space<vmem>>, vector<16xf32>,
          %get3A_317 = vector.shape_cast %get3A_316 : vector<16xf32> to vector<16xf32>
          %add3A_318 = arith.constant 1024 : i32
          %add3A_319 = arith.addi %add3A_318, %add3A_307 : i32
          %get3A_320 = arith.index_cast %add3A_319 : i32 to index
          %get3A_321 = tpu.vector_load %arg12[%get3A_320] {strides = array<i32>} : memref<8192xf32, #tpu.memory_space<vmem>>, vector<16xf32>,
          %get3A_322 = vector.shape_cast %get3A_321 : vector<16xf32> to vector<16xf32>
          %add3A_323 = arith.constant 1536 : i32
          %add3A_324 = arith.addi %add3A_323, %add3A_307 : i32
          %get3A_325 = arith.index_cast %add3A_324 : i32 to index
          %get3A_326 = tpu.vector_load %arg12[%get3A_325] {strides = array<i32>} : memref<8192xf32, #tpu.memory_space<vmem>>, vector<16xf32>,
          %get3A_327 = vector.shape_cast %get3A_326 : vector<16xf32> to vector<16xf32>
          %add3A_328 = arith.constant 2048 : i32
          %add3A_329 = arith.addi %add3A_328, %add3A_307 : i32
          %get3A_330 = arith.index_cast %add3A_329 : i32 to index
          %get3A_331 = tpu.vector_load %arg12[%get3A_330] {strides = array<i32>} : memref<8192xf32, #tpu.memory_space<vmem>>, vector<16xf32>,
          %get3A_332 = vector.shape_cast %get3A_331 : vector<16xf32> to vector<16xf32>
          %add3A_333 = arith.constant 2560 : i32
          %add3A_334 = arith.addi %add3A_333, %add3A_307 : i32
          %get3A_335 = arith.index_cast %add3A_334 : i32 to index
          %get3A_336 = tpu.vector_load %arg12[%get3A_335] {strides = array<i32>} : memref<8192xf32, #tpu.memory_space<vmem>>, vector<16xf32>,
          %get3A_337 = vector.shape_cast %get3A_336 : vector<16xf32> to vector<16xf32>
          %add3A_338 = arith.constant 3072 : i32
          %add3A_339 = arith.addi %add3A_338, %add3A_307 : i32
          %get3A_340 = arith.index_cast %add3A_339 : i32 to index
          %get3A_341 = tpu.vector_load %arg12[%get3A_340] {strides = array<i32>} : memref<8192xf32, #tpu.memory_space<vmem>>, vector<16xf32>,
          %get3A_342 = vector.shape_cast %get3A_341 : vector<16xf32> to vector<16xf32>
          %add3A_343 = arith.constant 3584 : i32
          %add3A_344 = arith.addi %add3A_343, %add3A_307 : i32
          %get3A_345 = arith.index_cast %add3A_344 : i32 to index
          %get3A_346 = tpu.vector_load %arg12[%get3A_345] {strides = array<i32>} : memref<8192xf32, #tpu.memory_space<vmem>>, vector<16xf32>,
          %get3A_347 = vector.shape_cast %get3A_346 : vector<16xf32> to vector<16xf32>
          %mul3A_348 = arith.mulf %get3A_312, %sub3A_231 : vector<16xf32>
          %mul3A_349 = arith.mulf %get3A_332, %get3A_219 : vector<16xf32>
          %add3A_350 = arith.addf %mul3A_348, %mul3A_349 : vector<16xf32>
          %mul3A_351 = arith.mulf %get3A_317, %sub3A_231 : vector<16xf32>
          %mul3A_352 = arith.mulf %get3A_337, %get3A_219 : vector<16xf32>
          %add3A_353 = arith.addf %mul3A_351, %mul3A_352 : vector<16xf32>
          %mul3A_354 = arith.mulf %get3A_322, %sub3A_231 : vector<16xf32>
          %mul3A_355 = arith.mulf %get3A_342, %get3A_219 : vector<16xf32>
          %add3A_356 = arith.addf %mul3A_354, %mul3A_355 : vector<16xf32>
          %mul3A_357 = arith.mulf %get3A_327, %sub3A_231 : vector<16xf32>
          %mul3A_358 = arith.mulf %get3A_347, %get3A_219 : vector<16xf32>
          %add3A_359 = arith.addf %mul3A_357, %mul3A_358 : vector<16xf32>
          %mul3A_360 = arith.mulf %add3A_350, %sub3A_234 : vector<16xf32>
          %mul3A_361 = arith.mulf %add3A_356, %get3A_224 : vector<16xf32>
          %add3A_362 = arith.addf %mul3A_360, %mul3A_361 : vector<16xf32>
          %mul3A_363 = arith.mulf %add3A_353, %sub3A_234 : vector<16xf32>
          %mul3A_364 = arith.mulf %add3A_359, %get3A_224 : vector<16xf32>
          %add3A_365 = arith.addf %mul3A_363, %mul3A_364 : vector<16xf32>
          %mul3A_366 = arith.mulf %add3A_362, %sub3A_237 : vector<16xf32>
          %mul3A_367 = arith.mulf %add3A_365, %get3A_229 : vector<16xf32>
          %add3A_368 = arith.addf %mul3A_366, %mul3A_367 : vector<16xf32>
          %add3A_369 = arith.constant 1024 : i32
          %add3A_370 = arith.addi %add3A_369, %mul3A_216 : i32
          %swap3A_371 = arith.index_cast %add3A_370 : i32 to index
          %swap3A_372 = tpu.vector_load %arg15[%swap3A_371] {strides = array<i32>} : memref<2048xf32, #tpu.memory_space<vmem>>, vector<16xf32>,
          %swap3A_373 = vector.shape_cast %swap3A_372 : vector<16xf32> to vector<16xf32>
          %swap3A_374 = vector.shape_cast %add3A_368 : vector<16xf32> to vector<16xf32>
          tpu.vector_store %arg15[%swap3A_371], %swap3A_374 {strides = array<i32>} : memref<2048xf32, #tpu.memory_space<vmem>>, vector<16xf32>,
        }
        %scan3A_143 = arith.constant 32 : i32
        %dma_wait3A_144 = arith.constant 0 : i32
        %dma_wait3A_145 = tpu.memref_slice %arg2[%dma_wait3A_144, %add3A_125] : memref<3x524288xf32, #tpu.memory_space<hbm>> -> memref<3x1024xf32, #tpu.memory_space<hbm>>
        %dma_wait3A_146 = arith.constant 0 : i32
        %dma_wait3A_147 = tpu.memref_slice %arg2[%dma_wait3A_146, %add3A_125] : memref<3x524288xf32, #tpu.memory_space<hbm>> -> memref<3x1024xf32, #tpu.memory_space<hbm>>
        tpu.wait_dma2 semaphore(%arg20 : memref<!tpu.dma_semaphore, #tpu.memory_space<semaphore_mem>>) src(%dma_wait3A_147 : memref<3x1024xf32, #tpu.memory_space<hbm>>) dst(%arg6 : memref<3x1024xf32, #tpu.memory_space<vmem>>)
        %scan3A_148 = arith.constant 0 : i32
        %scan3A_149 = arith.constant 32 : i32
        %scan3A_150 = arith.addi %scan3A_148, %scan3A_149 : i32
        %scan3A_151 = arith.constant 1 : i32
        scf.for %scan3A_210 = %scan3A_148 to %scan3A_150 step %scan3A_151  : i32 {
          %mul3A_211 = arith.constant 1 : i32
          %mul3A_212 = arith.muli %scan3A_210, %mul3A_211 : i32
          %add3A_213 = arith.constant 0 : i32
          %add3A_214 = arith.addi %add3A_213, %mul3A_212 : i32
          %mul3A_215 = arith.constant 16 : i32
          %mul3A_216 = arith.muli %add3A_214, %mul3A_215 : i32
          %add3A_217 = arith.constant 0 : i32
          %add3A_218 = arith.addi %add3A_217, %mul3A_216 : i32
          %get3A_219 = arith.constant 0 : i32
          %get3A_220 = arith.index_cast %get3A_219 : i32 to index
          %get3A_221 = arith.index_cast %add3A_218 : i32 to index
          %get3A_222 = tpu.vector_load %arg6[%get3A_220, %get3A_221] {strides = array<i32>} : memref<3x1024xf32, #tpu.memory_space<vmem>>, vector<1x16xf32>,
          %get3A_223 = vector.shape_cast %get3A_222 : vector<1x16xf32> to vector<16xf32>
          %get3A_224 = arith.constant 1 : i32
          %get3A_225 = arith.index_cast %get3A_224 : i32 to index
          %get3A_226 = arith.index_cast %add3A_218 : i32 to index
          %get3A_227 = tpu.vector_load %arg6[%get3A_225, %get3A_226] {strides = array<i32>} : memref<3x1024xf32, #tpu.memory_space<vmem>>, vector<1x16xf32>,
          %get3A_228 = vector.shape_cast %get3A_227 : vector<1x16xf32> to vector<16xf32>
          %get3A_229 = arith.constant 2 : i32
          %get3A_230 = arith.index_cast %get3A_229 : i32 to index
          %get3A_231 = arith.index_cast %add3A_218 : i32 to index
          %get3A_232 = tpu.vector_load %arg6[%get3A_230, %get3A_231] {strides = array<i32>} : memref<3x1024xf32, #tpu.memory_space<vmem>>, vector<1x16xf32>,
          %get3A_233 = vector.shape_cast %get3A_232 : vector<1x16xf32> to vector<16xf32>
          %div3A = arith.divf %get3A_223, %gather3A_19 : vector<16xf32>
          %convert_element_type3A = arith.fptosi %div3A : vector<16xf32> to vector<16xi32>
          %div3A_234 = arith.divf %get3A_228, %gather3A_19 : vector<16xf32>
          %convert_element_type3A_235 = arith.fptosi %div3A_234 : vector<16xf32> to vector<16xi32>
          %div3A_236 = arith.divf %get3A_233, %gather3A_19 : vector<16xf32>
          %convert_element_type3A_237 = arith.fptosi %div3A_236 : vector<16xf32> to vector<16xi32>
          %convert_element_type3A_238 = arith.sitofp %convert_element_type3A : vector<16xi32> to vector<16xf32>
          %mul3A_239 = arith.mulf %convert_element_type3A_238, %gather3A_19 : vector<16xf32>
          %convert_element_type3A_240 = arith.sitofp %convert_element_type3A_235 : vector<16xi32> to vector<16xf32>
          %mul3A_241 = arith.mulf %convert_element_type3A_240, %gather3A_19 : vector<16xf32>
          %convert_element_type3A_242 = arith.sitofp %convert_element_type3A_237 : vector<16xi32> to vector<16xf32>
          %mul3A_243 = arith.mulf %convert_element_type3A_242, %gather3A_19 : vector<16xf32>
          %sub3A = arith.subf %get3A_223, %mul3A_239 : vector<16xf32>
          %add3A_244 = arith.addf %mul3A_239, %gather3A_19 : vector<16xf32>
          %sub3A_245 = arith.subf %add3A_244, %mul3A_239 : vector<16xf32>
          %div3A_246 = arith.divf %sub3A, %sub3A_245 : vector<16xf32>
          %swap3A = arith.index_cast %mul3A_216 : i32 to index
          %swap3A_247 = tpu.vector_load %arg8[%swap3A] {strides = array<i32>} : memref<1536xf32, #tpu.memory_space<vmem>>, vector<16xf32>,
          %swap3A_248 = vector.shape_cast %swap3A_247 : vector<16xf32> to vector<16xf32>
          %swap3A_249 = vector.shape_cast %div3A_246 : vector<16xf32> to vector<16xf32>
          tpu.vector_store %arg8[%swap3A], %swap3A_249 {strides = array<i32>} : memref<1536xf32, #tpu.memory_space<vmem>>, vector<16xf32>,
          %sub3A_250 = arith.subf %get3A_228, %mul3A_241 : vector<16xf32>
          %add3A_251 = arith.addf %mul3A_241, %gather3A_19 : vector<16xf32>
          %sub3A_252 = arith.subf %add3A_251, %mul3A_241 : vector<16xf32>
          %div3A_253 = arith.divf %sub3A_250, %sub3A_252 : vector<16xf32>
          %add3A_254 = arith.constant 512 : i32
          %add3A_255 = arith.addi %add3A_254, %mul3A_216 : i32
          %swap3A_256 = arith.index_cast %add3A_255 : i32 to index
          %swap3A_257 = tpu.vector_load %arg8[%swap3A_256] {strides = array<i32>} : memref<1536xf32, #tpu.memory_space<vmem>>, vector<16xf32>,
          %swap3A_258 = vector.shape_cast %swap3A_257 : vector<16xf32> to vector<16xf32>
          %swap3A_259 = vector.shape_cast %div3A_253 : vector<16xf32> to vector<16xf32>
          tpu.vector_store %arg8[%swap3A_256], %swap3A_259 {strides = array<i32>} : memref<1536xf32, #tpu.memory_space<vmem>>, vector<16xf32>,
          %sub3A_260 = arith.subf %get3A_233, %mul3A_243 : vector<16xf32>
          %add3A_261 = arith.addf %mul3A_243, %gather3A_19 : vector<16xf32>
          %sub3A_262 = arith.subf %add3A_261, %mul3A_243 : vector<16xf32>
          %div3A_263 = arith.divf %sub3A_260, %sub3A_262 : vector<16xf32>
          %add3A_264 = arith.constant 1024 : i32
          %add3A_265 = arith.addi %add3A_264, %mul3A_216 : i32
          %swap3A_266 = arith.index_cast %add3A_265 : i32 to index
          %swap3A_267 = tpu.vector_load %arg8[%swap3A_266] {strides = array<i32>} : memref<1536xf32, #tpu.memory_space<vmem>>, vector<16xf32>,
          %swap3A_268 = vector.shape_cast %swap3A_267 : vector<16xf32> to vector<16xf32>
          %swap3A_269 = vector.shape_cast %div3A_263 : vector<16xf32> to vector<16xf32>
          tpu.vector_store %arg8[%swap3A_266], %swap3A_269 {strides = array<i32>} : memref<1536xf32, #tpu.memory_space<vmem>>, vector<16xf32>,
          %mul3A_270 = arith.constant -1640531535 : i32
          %mul3A_271 = vector.broadcast %mul3A_270 : i32 to vector<16xi32>
          %mul3A_272 = arith.muli %convert_element_type3A_235, %mul3A_271 : vector<16xi32>
          %mul3A_273 = arith.constant 805459861 : i32
          %mul3A_274 = vector.broadcast %mul3A_273 : i32 to vector<16xi32>
          %mul3A_275 = arith.muli %convert_element_type3A_237, %mul3A_274 : vector<16xi32>
          %add3A_276 = arith.constant 1 : i32
          %add3A_277 = vector.broadcast %add3A_276 : i32 to vector<16xi32>
          %add3A_278 = arith.addi %convert_element_type3A, %add3A_277 : vector<16xi32>
          %add3A_279 = arith.constant -1640531535 : i32
          %add3A_280 = vector.broadcast %add3A_279 : i32 to vector<16xi32>
          %add3A_281 = arith.addi %mul3A_272, %add3A_280 : vector<16xi32>
          %add3A_282 = arith.constant 805459861 : i32
          %add3A_283 = vector.broadcast %add3A_282 : i32 to vector<16xi32>
          %add3A_284 = arith.addi %mul3A_275, %add3A_283 : vector<16xi32>
          %xor3A = arith.xori %convert_element_type3A, %mul3A_272 : vector<16xi32>
          %xor3A_285 = arith.xori %xor3A, %mul3A_275 : vector<16xi32>
          %xor3A_286 = arith.xori %convert_element_type3A, %mul3A_272 : vector<16xi32>
          %xor3A_287 = arith.xori %xor3A_286, %add3A_284 : vector<16xi32>
          %xor3A_288 = arith.xori %convert_element_type3A, %add3A_281 : vector<16xi32>
          %xor3A_289 = arith.xori %xor3A_288, %mul3A_275 : vector<16xi32>
          %xor3A_290 = arith.xori %convert_element_type3A, %add3A_281 : vector<16xi32>
          %xor3A_291 = arith.xori %xor3A_290, %add3A_284 : vector<16xi32>
          %xor3A_292 = arith.xori %add3A_278, %mul3A_272 : vector<16xi32>
          %xor3A_293 = arith.xori %xor3A_292, %mul3A_275 : vector<16xi32>
          %xor3A_294 = arith.xori %add3A_278, %mul3A_272 : vector<16xi32>
          %xor3A_295 = arith.xori %xor3A_294, %add3A_284 : vector<16xi32>
          %xor3A_296 = arith.xori %add3A_278, %add3A_281 : vector<16xi32>
          %xor3A_297 = arith.xori %xor3A_296, %mul3A_275 : vector<16xi32>
          %xor3A_298 = arith.xori %add3A_278, %add3A_281 : vector<16xi32>
          %xor3A_299 = arith.xori %xor3A_298, %add3A_284 : vector<16xi32>
          %and3A = arith.constant 524287 : i32
          %and3A_300 = vector.broadcast %and3A : i32 to vector<16xi32>
          %and3A_301 = arith.andi %xor3A_285, %and3A_300 : vector<16xi32>
          %add3A_302 = arith.constant 0 : i32
          %add3A_303 = arith.addi %add3A_302, %mul3A_216 : i32
          %swap3A_304 = arith.index_cast %add3A_303 : i32 to index
          %swap3A_305 = tpu.vector_load %arg10[%swap3A_304] {strides = array<i32>} : memref<8192xi32, #tpu.memory_space<vmem>>, vector<16xi32>,
          %swap3A_306 = vector.shape_cast %swap3A_305 : vector<16xi32> to vector<16xi32>
          %swap3A_307 = vector.shape_cast %and3A_301 : vector<16xi32> to vector<16xi32>
          tpu.vector_store %arg10[%swap3A_304], %swap3A_307 {strides = array<i32>} : memref<8192xi32, #tpu.memory_space<vmem>>, vector<16xi32>,
          %add3A_308 = arith.constant 524288 : i32
          %add3A_309 = vector.broadcast %add3A_308 : i32 to vector<16xi32>
          %add3A_310 = arith.addi %and3A_301, %add3A_309 : vector<16xi32>
          %add3A_311 = arith.constant 4096 : i32
          %add3A_312 = arith.addi %add3A_311, %mul3A_216 : i32
          %swap3A_313 = arith.index_cast %add3A_312 : i32 to index
          %swap3A_314 = tpu.vector_load %arg10[%swap3A_313] {strides = array<i32>} : memref<8192xi32, #tpu.memory_space<vmem>>, vector<16xi32>,
          %swap3A_315 = vector.shape_cast %swap3A_314 : vector<16xi32> to vector<16xi32>
          %swap3A_316 = vector.shape_cast %add3A_310 : vector<16xi32> to vector<16xi32>
          tpu.vector_store %arg10[%swap3A_313], %swap3A_316 {strides = array<i32>} : memref<8192xi32, #tpu.memory_space<vmem>>, vector<16xi32>,
          %and3A_317 = arith.constant 524287 : i32
          %and3A_318 = vector.broadcast %and3A_317 : i32 to vector<16xi32>
          %and3A_319 = arith.andi %xor3A_287, %and3A_318 : vector<16xi32>
          %add3A_320 = arith.constant 512 : i32
          %add3A_321 = arith.addi %add3A_320, %mul3A_216 : i32
          %swap3A_322 = arith.index_cast %add3A_321 : i32 to index
          %swap3A_323 = tpu.vector_load %arg10[%swap3A_322] {strides = array<i32>} : memref<8192xi32, #tpu.memory_space<vmem>>, vector<16xi32>,
          %swap3A_324 = vector.shape_cast %swap3A_323 : vector<16xi32> to vector<16xi32>
          %swap3A_325 = vector.shape_cast %and3A_319 : vector<16xi32> to vector<16xi32>
          tpu.vector_store %arg10[%swap3A_322], %swap3A_325 {strides = array<i32>} : memref<8192xi32, #tpu.memory_space<vmem>>, vector<16xi32>,
          %add3A_326 = arith.constant 524288 : i32
          %add3A_327 = vector.broadcast %add3A_326 : i32 to vector<16xi32>
          %add3A_328 = arith.addi %and3A_319, %add3A_327 : vector<16xi32>
          %add3A_329 = arith.constant 4608 : i32
          %add3A_330 = arith.addi %add3A_329, %mul3A_216 : i32
          %swap3A_331 = arith.index_cast %add3A_330 : i32 to index
          %swap3A_332 = tpu.vector_load %arg10[%swap3A_331] {strides = array<i32>} : memref<8192xi32, #tpu.memory_space<vmem>>, vector<16xi32>,
          %swap3A_333 = vector.shape_cast %swap3A_332 : vector<16xi32> to vector<16xi32>
          %swap3A_334 = vector.shape_cast %add3A_328 : vector<16xi32> to vector<16xi32>
          tpu.vector_store %arg10[%swap3A_331], %swap3A_334 {strides = array<i32>} : memref<8192xi32, #tpu.memory_space<vmem>>, vector<16xi32>,
          %and3A_335 = arith.constant 524287 : i32
          %and3A_336 = vector.broadcast %and3A_335 : i32 to vector<16xi32>
          %and3A_337 = arith.andi %xor3A_289, %and3A_336 : vector<16xi32>
          %add3A_338 = arith.constant 1024 : i32
          %add3A_339 = arith.addi %add3A_338, %mul3A_216 : i32
          %swap3A_340 = arith.index_cast %add3A_339 : i32 to index
          %swap3A_341 = tpu.vector_load %arg10[%swap3A_340] {strides = array<i32>} : memref<8192xi32, #tpu.memory_space<vmem>>, vector<16xi32>,
          %swap3A_342 = vector.shape_cast %swap3A_341 : vector<16xi32> to vector<16xi32>
          %swap3A_343 = vector.shape_cast %and3A_337 : vector<16xi32> to vector<16xi32>
          tpu.vector_store %arg10[%swap3A_340], %swap3A_343 {strides = array<i32>} : memref<8192xi32, #tpu.memory_space<vmem>>, vector<16xi32>,
          %add3A_344 = arith.constant 524288 : i32
          %add3A_345 = vector.broadcast %add3A_344 : i32 to vector<16xi32>
          %add3A_346 = arith.addi %and3A_337, %add3A_345 : vector<16xi32>
          %add3A_347 = arith.constant 5120 : i32
          %add3A_348 = arith.addi %add3A_347, %mul3A_216 : i32
          %swap3A_349 = arith.index_cast %add3A_348 : i32 to index
          %swap3A_350 = tpu.vector_load %arg10[%swap3A_349] {strides = array<i32>} : memref<8192xi32, #tpu.memory_space<vmem>>, vector<16xi32>,
          %swap3A_351 = vector.shape_cast %swap3A_350 : vector<16xi32> to vector<16xi32>
          %swap3A_352 = vector.shape_cast %add3A_346 : vector<16xi32> to vector<16xi32>
          tpu.vector_store %arg10[%swap3A_349], %swap3A_352 {strides = array<i32>} : memref<8192xi32, #tpu.memory_space<vmem>>, vector<16xi32>,
          %and3A_353 = arith.constant 524287 : i32
          %and3A_354 = vector.broadcast %and3A_353 : i32 to vector<16xi32>
          %and3A_355 = arith.andi %xor3A_291, %and3A_354 : vector<16xi32>
          %add3A_356 = arith.constant 1536 : i32
          %add3A_357 = arith.addi %add3A_356, %mul3A_216 : i32
          %swap3A_358 = arith.index_cast %add3A_357 : i32 to index
          %swap3A_359 = tpu.vector_load %arg10[%swap3A_358] {strides = array<i32>} : memref<8192xi32, #tpu.memory_space<vmem>>, vector<16xi32>,
          %swap3A_360 = vector.shape_cast %swap3A_359 : vector<16xi32> to vector<16xi32>
          %swap3A_361 = vector.shape_cast %and3A_355 : vector<16xi32> to vector<16xi32>
          tpu.vector_store %arg10[%swap3A_358], %swap3A_361 {strides = array<i32>} : memref<8192xi32, #tpu.memory_space<vmem>>, vector<16xi32>,
          %add3A_362 = arith.constant 524288 : i32
          %add3A_363 = vector.broadcast %add3A_362 : i32 to vector<16xi32>
          %add3A_364 = arith.addi %and3A_355, %add3A_363 : vector<16xi32>
          %add3A_365 = arith.constant 5632 : i32
          %add3A_366 = arith.addi %add3A_365, %mul3A_216 : i32
          %swap3A_367 = arith.index_cast %add3A_366 : i32 to index
          %swap3A_368 = tpu.vector_load %arg10[%swap3A_367] {strides = array<i32>} : memref<8192xi32, #tpu.memory_space<vmem>>, vector<16xi32>,
          %swap3A_369 = vector.shape_cast %swap3A_368 : vector<16xi32> to vector<16xi32>
          %swap3A_370 = vector.shape_cast %add3A_364 : vector<16xi32> to vector<16xi32>
          tpu.vector_store %arg10[%swap3A_367], %swap3A_370 {strides = array<i32>} : memref<8192xi32, #tpu.memory_space<vmem>>, vector<16xi32>,
          %and3A_371 = arith.constant 524287 : i32
          %and3A_372 = vector.broadcast %and3A_371 : i32 to vector<16xi32>
          %and3A_373 = arith.andi %xor3A_293, %and3A_372 : vector<16xi32>
          %add3A_374 = arith.constant 2048 : i32
          %add3A_375 = arith.addi %add3A_374, %mul3A_216 : i32
          %swap3A_376 = arith.index_cast %add3A_375 : i32 to index
          %swap3A_377 = tpu.vector_load %arg10[%swap3A_376] {strides = array<i32>} : memref<8192xi32, #tpu.memory_space<vmem>>, vector<16xi32>,
          %swap3A_378 = vector.shape_cast %swap3A_377 : vector<16xi32> to vector<16xi32>
          %swap3A_379 = vector.shape_cast %and3A_373 : vector<16xi32> to vector<16xi32>
          tpu.vector_store %arg10[%swap3A_376], %swap3A_379 {strides = array<i32>} : memref<8192xi32, #tpu.memory_space<vmem>>, vector<16xi32>,
          %add3A_380 = arith.constant 524288 : i32
          %add3A_381 = vector.broadcast %add3A_380 : i32 to vector<16xi32>
          %add3A_382 = arith.addi %and3A_373, %add3A_381 : vector<16xi32>
          %add3A_383 = arith.constant 6144 : i32
          %add3A_384 = arith.addi %add3A_383, %mul3A_216 : i32
          %swap3A_385 = arith.index_cast %add3A_384 : i32 to index
          %swap3A_386 = tpu.vector_load %arg10[%swap3A_385] {strides = array<i32>} : memref<8192xi32, #tpu.memory_space<vmem>>, vector<16xi32>,
          %swap3A_387 = vector.shape_cast %swap3A_386 : vector<16xi32> to vector<16xi32>
          %swap3A_388 = vector.shape_cast %add3A_382 : vector<16xi32> to vector<16xi32>
          tpu.vector_store %arg10[%swap3A_385], %swap3A_388 {strides = array<i32>} : memref<8192xi32, #tpu.memory_space<vmem>>, vector<16xi32>,
          %and3A_389 = arith.constant 524287 : i32
          %and3A_390 = vector.broadcast %and3A_389 : i32 to vector<16xi32>
          %and3A_391 = arith.andi %xor3A_295, %and3A_390 : vector<16xi32>
          %add3A_392 = arith.constant 2560 : i32
          %add3A_393 = arith.addi %add3A_392, %mul3A_216 : i32
          %swap3A_394 = arith.index_cast %add3A_393 : i32 to index
          %swap3A_395 = tpu.vector_load %arg10[%swap3A_394] {strides = array<i32>} : memref<8192xi32, #tpu.memory_space<vmem>>, vector<16xi32>,
          %swap3A_396 = vector.shape_cast %swap3A_395 : vector<16xi32> to vector<16xi32>
          %swap3A_397 = vector.shape_cast %and3A_391 : vector<16xi32> to vector<16xi32>
          tpu.vector_store %arg10[%swap3A_394], %swap3A_397 {strides = array<i32>} : memref<8192xi32, #tpu.memory_space<vmem>>, vector<16xi32>,
          %add3A_398 = arith.constant 524288 : i32
          %add3A_399 = vector.broadcast %add3A_398 : i32 to vector<16xi32>
          %add3A_400 = arith.addi %and3A_391, %add3A_399 : vector<16xi32>
          %add3A_401 = arith.constant 6656 : i32
          %add3A_402 = arith.addi %add3A_401, %mul3A_216 : i32
          %swap3A_403 = arith.index_cast %add3A_402 : i32 to index
          %swap3A_404 = tpu.vector_load %arg10[%swap3A_403] {strides = array<i32>} : memref<8192xi32, #tpu.memory_space<vmem>>, vector<16xi32>,
          %swap3A_405 = vector.shape_cast %swap3A_404 : vector<16xi32> to vector<16xi32>
          %swap3A_406 = vector.shape_cast %add3A_400 : vector<16xi32> to vector<16xi32>
          tpu.vector_store %arg10[%swap3A_403], %swap3A_406 {strides = array<i32>} : memref<8192xi32, #tpu.memory_space<vmem>>, vector<16xi32>,
          %and3A_407 = arith.constant 524287 : i32
          %and3A_408 = vector.broadcast %and3A_407 : i32 to vector<16xi32>
          %and3A_409 = arith.andi %xor3A_297, %and3A_408 : vector<16xi32>
          %add3A_410 = arith.constant 3072 : i32
          %add3A_411 = arith.addi %add3A_410, %mul3A_216 : i32
          %swap3A_412 = arith.index_cast %add3A_411 : i32 to index
          %swap3A_413 = tpu.vector_load %arg10[%swap3A_412] {strides = array<i32>} : memref<8192xi32, #tpu.memory_space<vmem>>, vector<16xi32>,
          %swap3A_414 = vector.shape_cast %swap3A_413 : vector<16xi32> to vector<16xi32>
          %swap3A_415 = vector.shape_cast %and3A_409 : vector<16xi32> to vector<16xi32>
          tpu.vector_store %arg10[%swap3A_412], %swap3A_415 {strides = array<i32>} : memref<8192xi32, #tpu.memory_space<vmem>>, vector<16xi32>,
          %add3A_416 = arith.constant 524288 : i32
          %add3A_417 = vector.broadcast %add3A_416 : i32 to vector<16xi32>
          %add3A_418 = arith.addi %and3A_409, %add3A_417 : vector<16xi32>
          %add3A_419 = arith.constant 7168 : i32
          %add3A_420 = arith.addi %add3A_419, %mul3A_216 : i32
          %swap3A_421 = arith.index_cast %add3A_420 : i32 to index
          %swap3A_422 = tpu.vector_load %arg10[%swap3A_421] {strides = array<i32>} : memref<8192xi32, #tpu.memory_space<vmem>>, vector<16xi32>,
          %swap3A_423 = vector.shape_cast %swap3A_422 : vector<16xi32> to vector<16xi32>
          %swap3A_424 = vector.shape_cast %add3A_418 : vector<16xi32> to vector<16xi32>
          tpu.vector_store %arg10[%swap3A_421], %swap3A_424 {strides = array<i32>} : memref<8192xi32, #tpu.memory_space<vmem>>, vector<16xi32>,
          %and3A_425 = arith.constant 524287 : i32
          %and3A_426 = vector.broadcast %and3A_425 : i32 to vector<16xi32>
          %and3A_427 = arith.andi %xor3A_299, %and3A_426 : vector<16xi32>
          %add3A_428 = arith.constant 3584 : i32
          %add3A_429 = arith.addi %add3A_428, %mul3A_216 : i32
          %swap3A_430 = arith.index_cast %add3A_429 : i32 to index
          %swap3A_431 = tpu.vector_load %arg10[%swap3A_430] {strides = array<i32>} : memref<8192xi32, #tpu.memory_space<vmem>>, vector<16xi32>,
          %swap3A_432 = vector.shape_cast %swap3A_431 : vector<16xi32> to vector<16xi32>
          %swap3A_433 = vector.shape_cast %and3A_427 : vector<16xi32> to vector<16xi32>
          tpu.vector_store %arg10[%swap3A_430], %swap3A_433 {strides = array<i32>} : memref<8192xi32, #tpu.memory_space<vmem>>, vector<16xi32>,
          %add3A_434 = arith.constant 524288 : i32
          %add3A_435 = vector.broadcast %add3A_434 : i32 to vector<16xi32>
          %add3A_436 = arith.addi %and3A_427, %add3A_435 : vector<16xi32>
          %add3A_437 = arith.constant 7680 : i32
          %add3A_438 = arith.addi %add3A_437, %mul3A_216 : i32
          %swap3A_439 = arith.index_cast %add3A_438 : i32 to index
          %swap3A_440 = tpu.vector_load %arg10[%swap3A_439] {strides = array<i32>} : memref<8192xi32, #tpu.memory_space<vmem>>, vector<16xi32>,
          %swap3A_441 = vector.shape_cast %swap3A_440 : vector<16xi32> to vector<16xi32>
          %swap3A_442 = vector.shape_cast %add3A_436 : vector<16xi32> to vector<16xi32>
          tpu.vector_store %arg10[%swap3A_439], %swap3A_442 {strides = array<i32>} : memref<8192xi32, #tpu.memory_space<vmem>>, vector<16xi32>,
        }
        %scan3A_152 = arith.constant 32 : i32
        %dma_start3A_153 = arith.constant 0 : i32
        %dma_start3A_154 = tpu.memref_slice %arg17[%dma_start3A_153] : memref<1048576xf32, #tpu.memory_space<vmem_shared>> -> memref<1048576xf32, #tpu.memory_space<vmem_shared>>
        tpu.enqueue_indirect_dma source(%dma_start3A_154 : memref<1048576xf32, #tpu.memory_space<vmem_shared>>) target(%arg12 : memref<8192xf32, #tpu.memory_space<vmem>>) offsets(%arg10 : memref<8192xi32, #tpu.memory_space<vmem>>) semaphore(%arg18 : memref<!tpu.dma_semaphore, #tpu.memory_space<semaphore_mem>>)
        %dma_wait3A_155 = arith.constant 0 : i32
        %dma_wait3A_156 = tpu.memref_slice %arg17[%dma_wait3A_155] : memref<1048576xf32, #tpu.memory_space<vmem_shared>> -> memref<1048576xf32, #tpu.memory_space<vmem_shared>>
        tpu.wait_indirect_dma semaphore(%arg19 : memref<!tpu.dma_semaphore, #tpu.memory_space<semaphore_mem>>) src(%dma_wait3A_156 : memref<1048576xf32, #tpu.memory_space<vmem_shared>>) dst(%arg13 : memref<8192xf32, #tpu.memory_space<vmem>>)
        %scan3A_157 = arith.constant 0 : i32
        %scan3A_158 = arith.constant 32 : i32
        %scan3A_159 = arith.addi %scan3A_157, %scan3A_158 : i32
        %scan3A_160 = arith.constant 1 : i32
        scf.for %scan3A_210 = %scan3A_157 to %scan3A_159 step %scan3A_160  : i32 {
          %mul3A_211 = arith.constant 1 : i32
          %mul3A_212 = arith.muli %scan3A_210, %mul3A_211 : i32
          %add3A_213 = arith.constant 0 : i32
          %add3A_214 = arith.addi %add3A_213, %mul3A_212 : i32
          %mul3A_215 = arith.constant 16 : i32
          %mul3A_216 = arith.muli %add3A_214, %mul3A_215 : i32
          %get3A_217 = arith.index_cast %mul3A_216 : i32 to index
          %get3A_218 = tpu.vector_load %arg9[%get3A_217] {strides = array<i32>} : memref<1536xf32, #tpu.memory_space<vmem>>, vector<16xf32>,
          %get3A_219 = vector.shape_cast %get3A_218 : vector<16xf32> to vector<16xf32>
          %add3A_220 = arith.constant 512 : i32
          %add3A_221 = arith.addi %add3A_220, %mul3A_216 : i32
          %get3A_222 = arith.index_cast %add3A_221 : i32 to index
          %get3A_223 = tpu.vector_load %arg9[%get3A_222] {strides = array<i32>} : memref<1536xf32, #tpu.memory_space<vmem>>, vector<16xf32>,
          %get3A_224 = vector.shape_cast %get3A_223 : vector<16xf32> to vector<16xf32>
          %add3A_225 = arith.constant 1024 : i32
          %add3A_226 = arith.addi %add3A_225, %mul3A_216 : i32
          %get3A_227 = arith.index_cast %add3A_226 : i32 to index
          %get3A_228 = tpu.vector_load %arg9[%get3A_227] {strides = array<i32>} : memref<1536xf32, #tpu.memory_space<vmem>>, vector<16xf32>,
          %get3A_229 = vector.shape_cast %get3A_228 : vector<16xf32> to vector<16xf32>
          %sub3A = arith.constant 1.000000e+00 : f32
          %sub3A_230 = vector.broadcast %sub3A : f32 to vector<16xf32>
          %sub3A_231 = arith.subf %sub3A_230, %get3A_219 : vector<16xf32>
          %sub3A_232 = arith.constant 1.000000e+00 : f32
          %sub3A_233 = vector.broadcast %sub3A_232 : f32 to vector<16xf32>
          %sub3A_234 = arith.subf %sub3A_233, %get3A_224 : vector<16xf32>
          %sub3A_235 = arith.constant 1.000000e+00 : f32
          %sub3A_236 = vector.broadcast %sub3A_235 : f32 to vector<16xf32>
          %sub3A_237 = arith.subf %sub3A_236, %get3A_229 : vector<16xf32>
          %add3A_238 = arith.constant 0 : i32
          %add3A_239 = arith.addi %add3A_238, %mul3A_216 : i32
          %add3A_240 = arith.constant 0 : i32
          %add3A_241 = arith.addi %add3A_240, %add3A_239 : i32
          %get3A_242 = arith.index_cast %add3A_241 : i32 to index
          %get3A_243 = tpu.vector_load %arg13[%get3A_242] {strides = array<i32>} : memref<8192xf32, #tpu.memory_space<vmem>>, vector<16xf32>,
          %get3A_244 = vector.shape_cast %get3A_243 : vector<16xf32> to vector<16xf32>
          %add3A_245 = arith.constant 512 : i32
          %add3A_246 = arith.addi %add3A_245, %add3A_239 : i32
          %get3A_247 = arith.index_cast %add3A_246 : i32 to index
          %get3A_248 = tpu.vector_load %arg13[%get3A_247] {strides = array<i32>} : memref<8192xf32, #tpu.memory_space<vmem>>, vector<16xf32>,
          %get3A_249 = vector.shape_cast %get3A_248 : vector<16xf32> to vector<16xf32>
          %add3A_250 = arith.constant 1024 : i32
          %add3A_251 = arith.addi %add3A_250, %add3A_239 : i32
          %get3A_252 = arith.index_cast %add3A_251 : i32 to index
          %get3A_253 = tpu.vector_load %arg13[%get3A_252] {strides = array<i32>} : memref<8192xf32, #tpu.memory_space<vmem>>, vector<16xf32>,
          %get3A_254 = vector.shape_cast %get3A_253 : vector<16xf32> to vector<16xf32>
          %add3A_255 = arith.constant 1536 : i32
          %add3A_256 = arith.addi %add3A_255, %add3A_239 : i32
          %get3A_257 = arith.index_cast %add3A_256 : i32 to index
          %get3A_258 = tpu.vector_load %arg13[%get3A_257] {strides = array<i32>} : memref<8192xf32, #tpu.memory_space<vmem>>, vector<16xf32>,
          %get3A_259 = vector.shape_cast %get3A_258 : vector<16xf32> to vector<16xf32>
          %add3A_260 = arith.constant 2048 : i32
          %add3A_261 = arith.addi %add3A_260, %add3A_239 : i32
          %get3A_262 = arith.index_cast %add3A_261 : i32 to index
          %get3A_263 = tpu.vector_load %arg13[%get3A_262] {strides = array<i32>} : memref<8192xf32, #tpu.memory_space<vmem>>, vector<16xf32>,
          %get3A_264 = vector.shape_cast %get3A_263 : vector<16xf32> to vector<16xf32>
          %add3A_265 = arith.constant 2560 : i32
          %add3A_266 = arith.addi %add3A_265, %add3A_239 : i32
          %get3A_267 = arith.index_cast %add3A_266 : i32 to index
          %get3A_268 = tpu.vector_load %arg13[%get3A_267] {strides = array<i32>} : memref<8192xf32, #tpu.memory_space<vmem>>, vector<16xf32>,
          %get3A_269 = vector.shape_cast %get3A_268 : vector<16xf32> to vector<16xf32>
          %add3A_270 = arith.constant 3072 : i32
          %add3A_271 = arith.addi %add3A_270, %add3A_239 : i32
          %get3A_272 = arith.index_cast %add3A_271 : i32 to index
          %get3A_273 = tpu.vector_load %arg13[%get3A_272] {strides = array<i32>} : memref<8192xf32, #tpu.memory_space<vmem>>, vector<16xf32>,
          %get3A_274 = vector.shape_cast %get3A_273 : vector<16xf32> to vector<16xf32>
          %add3A_275 = arith.constant 3584 : i32
          %add3A_276 = arith.addi %add3A_275, %add3A_239 : i32
          %get3A_277 = arith.index_cast %add3A_276 : i32 to index
          %get3A_278 = tpu.vector_load %arg13[%get3A_277] {strides = array<i32>} : memref<8192xf32, #tpu.memory_space<vmem>>, vector<16xf32>,
          %get3A_279 = vector.shape_cast %get3A_278 : vector<16xf32> to vector<16xf32>
          %mul3A_280 = arith.mulf %get3A_244, %sub3A_231 : vector<16xf32>
          %mul3A_281 = arith.mulf %get3A_264, %get3A_219 : vector<16xf32>
          %add3A_282 = arith.addf %mul3A_280, %mul3A_281 : vector<16xf32>
          %mul3A_283 = arith.mulf %get3A_249, %sub3A_231 : vector<16xf32>
          %mul3A_284 = arith.mulf %get3A_269, %get3A_219 : vector<16xf32>
          %add3A_285 = arith.addf %mul3A_283, %mul3A_284 : vector<16xf32>
          %mul3A_286 = arith.mulf %get3A_254, %sub3A_231 : vector<16xf32>
          %mul3A_287 = arith.mulf %get3A_274, %get3A_219 : vector<16xf32>
          %add3A_288 = arith.addf %mul3A_286, %mul3A_287 : vector<16xf32>
          %mul3A_289 = arith.mulf %get3A_259, %sub3A_231 : vector<16xf32>
          %mul3A_290 = arith.mulf %get3A_279, %get3A_219 : vector<16xf32>
          %add3A_291 = arith.addf %mul3A_289, %mul3A_290 : vector<16xf32>
          %mul3A_292 = arith.mulf %add3A_282, %sub3A_234 : vector<16xf32>
          %mul3A_293 = arith.mulf %add3A_288, %get3A_224 : vector<16xf32>
          %add3A_294 = arith.addf %mul3A_292, %mul3A_293 : vector<16xf32>
          %mul3A_295 = arith.mulf %add3A_285, %sub3A_234 : vector<16xf32>
          %mul3A_296 = arith.mulf %add3A_291, %get3A_224 : vector<16xf32>
          %add3A_297 = arith.addf %mul3A_295, %mul3A_296 : vector<16xf32>
          %mul3A_298 = arith.mulf %add3A_294, %sub3A_237 : vector<16xf32>
          %mul3A_299 = arith.mulf %add3A_297, %get3A_229 : vector<16xf32>
          %add3A_300 = arith.addf %mul3A_298, %mul3A_299 : vector<16xf32>
          %add3A_301 = arith.constant 512 : i32
          %add3A_302 = arith.addi %add3A_301, %mul3A_216 : i32
          %swap3A = arith.index_cast %add3A_302 : i32 to index
          %swap3A_303 = tpu.vector_load %arg15[%swap3A] {strides = array<i32>} : memref<2048xf32, #tpu.memory_space<vmem>>, vector<16xf32>,
          %swap3A_304 = vector.shape_cast %swap3A_303 : vector<16xf32> to vector<16xf32>
          %swap3A_305 = vector.shape_cast %add3A_300 : vector<16xf32> to vector<16xf32>
          tpu.vector_store %arg15[%swap3A], %swap3A_305 {strides = array<i32>} : memref<2048xf32, #tpu.memory_space<vmem>>, vector<16xf32>,
          %add3A_306 = arith.constant 4096 : i32
          %add3A_307 = arith.addi %add3A_306, %mul3A_216 : i32
          %add3A_308 = arith.constant 0 : i32
          %add3A_309 = arith.addi %add3A_308, %add3A_307 : i32
          %get3A_310 = arith.index_cast %add3A_309 : i32 to index
          %get3A_311 = tpu.vector_load %arg13[%get3A_310] {strides = array<i32>} : memref<8192xf32, #tpu.memory_space<vmem>>, vector<16xf32>,
          %get3A_312 = vector.shape_cast %get3A_311 : vector<16xf32> to vector<16xf32>
          %add3A_313 = arith.constant 512 : i32
          %add3A_314 = arith.addi %add3A_313, %add3A_307 : i32
          %get3A_315 = arith.index_cast %add3A_314 : i32 to index
          %get3A_316 = tpu.vector_load %arg13[%get3A_315] {strides = array<i32>} : memref<8192xf32, #tpu.memory_space<vmem>>, vector<16xf32>,
          %get3A_317 = vector.shape_cast %get3A_316 : vector<16xf32> to vector<16xf32>
          %add3A_318 = arith.constant 1024 : i32
          %add3A_319 = arith.addi %add3A_318, %add3A_307 : i32
          %get3A_320 = arith.index_cast %add3A_319 : i32 to index
          %get3A_321 = tpu.vector_load %arg13[%get3A_320] {strides = array<i32>} : memref<8192xf32, #tpu.memory_space<vmem>>, vector<16xf32>,
          %get3A_322 = vector.shape_cast %get3A_321 : vector<16xf32> to vector<16xf32>
          %add3A_323 = arith.constant 1536 : i32
          %add3A_324 = arith.addi %add3A_323, %add3A_307 : i32
          %get3A_325 = arith.index_cast %add3A_324 : i32 to index
          %get3A_326 = tpu.vector_load %arg13[%get3A_325] {strides = array<i32>} : memref<8192xf32, #tpu.memory_space<vmem>>, vector<16xf32>,
          %get3A_327 = vector.shape_cast %get3A_326 : vector<16xf32> to vector<16xf32>
          %add3A_328 = arith.constant 2048 : i32
          %add3A_329 = arith.addi %add3A_328, %add3A_307 : i32
          %get3A_330 = arith.index_cast %add3A_329 : i32 to index
          %get3A_331 = tpu.vector_load %arg13[%get3A_330] {strides = array<i32>} : memref<8192xf32, #tpu.memory_space<vmem>>, vector<16xf32>,
          %get3A_332 = vector.shape_cast %get3A_331 : vector<16xf32> to vector<16xf32>
          %add3A_333 = arith.constant 2560 : i32
          %add3A_334 = arith.addi %add3A_333, %add3A_307 : i32
          %get3A_335 = arith.index_cast %add3A_334 : i32 to index
          %get3A_336 = tpu.vector_load %arg13[%get3A_335] {strides = array<i32>} : memref<8192xf32, #tpu.memory_space<vmem>>, vector<16xf32>,
          %get3A_337 = vector.shape_cast %get3A_336 : vector<16xf32> to vector<16xf32>
          %add3A_338 = arith.constant 3072 : i32
          %add3A_339 = arith.addi %add3A_338, %add3A_307 : i32
          %get3A_340 = arith.index_cast %add3A_339 : i32 to index
          %get3A_341 = tpu.vector_load %arg13[%get3A_340] {strides = array<i32>} : memref<8192xf32, #tpu.memory_space<vmem>>, vector<16xf32>,
          %get3A_342 = vector.shape_cast %get3A_341 : vector<16xf32> to vector<16xf32>
          %add3A_343 = arith.constant 3584 : i32
          %add3A_344 = arith.addi %add3A_343, %add3A_307 : i32
          %get3A_345 = arith.index_cast %add3A_344 : i32 to index
          %get3A_346 = tpu.vector_load %arg13[%get3A_345] {strides = array<i32>} : memref<8192xf32, #tpu.memory_space<vmem>>, vector<16xf32>,
          %get3A_347 = vector.shape_cast %get3A_346 : vector<16xf32> to vector<16xf32>
          %mul3A_348 = arith.mulf %get3A_312, %sub3A_231 : vector<16xf32>
          %mul3A_349 = arith.mulf %get3A_332, %get3A_219 : vector<16xf32>
          %add3A_350 = arith.addf %mul3A_348, %mul3A_349 : vector<16xf32>
          %mul3A_351 = arith.mulf %get3A_317, %sub3A_231 : vector<16xf32>
          %mul3A_352 = arith.mulf %get3A_337, %get3A_219 : vector<16xf32>
          %add3A_353 = arith.addf %mul3A_351, %mul3A_352 : vector<16xf32>
          %mul3A_354 = arith.mulf %get3A_322, %sub3A_231 : vector<16xf32>
          %mul3A_355 = arith.mulf %get3A_342, %get3A_219 : vector<16xf32>
          %add3A_356 = arith.addf %mul3A_354, %mul3A_355 : vector<16xf32>
          %mul3A_357 = arith.mulf %get3A_327, %sub3A_231 : vector<16xf32>
          %mul3A_358 = arith.mulf %get3A_347, %get3A_219 : vector<16xf32>
          %add3A_359 = arith.addf %mul3A_357, %mul3A_358 : vector<16xf32>
          %mul3A_360 = arith.mulf %add3A_350, %sub3A_234 : vector<16xf32>
          %mul3A_361 = arith.mulf %add3A_356, %get3A_224 : vector<16xf32>
          %add3A_362 = arith.addf %mul3A_360, %mul3A_361 : vector<16xf32>
          %mul3A_363 = arith.mulf %add3A_353, %sub3A_234 : vector<16xf32>
          %mul3A_364 = arith.mulf %add3A_359, %get3A_224 : vector<16xf32>
          %add3A_365 = arith.addf %mul3A_363, %mul3A_364 : vector<16xf32>
          %mul3A_366 = arith.mulf %add3A_362, %sub3A_237 : vector<16xf32>
          %mul3A_367 = arith.mulf %add3A_365, %get3A_229 : vector<16xf32>
          %add3A_368 = arith.addf %mul3A_366, %mul3A_367 : vector<16xf32>
          %add3A_369 = arith.constant 1536 : i32
          %add3A_370 = arith.addi %add3A_369, %mul3A_216 : i32
          %swap3A_371 = arith.index_cast %add3A_370 : i32 to index
          %swap3A_372 = tpu.vector_load %arg15[%swap3A_371] {strides = array<i32>} : memref<2048xf32, #tpu.memory_space<vmem>>, vector<16xf32>,
          %swap3A_373 = vector.shape_cast %swap3A_372 : vector<16xf32> to vector<16xf32>
          %swap3A_374 = vector.shape_cast %add3A_368 : vector<16xf32> to vector<16xf32>
          tpu.vector_store %arg15[%swap3A_371], %swap3A_374 {strides = array<i32>} : memref<2048xf32, #tpu.memory_space<vmem>>, vector<16xf32>,
        }
        %scan3A_161 = arith.constant 32 : i32
        %add3A_162 = arith.constant 1 : i32
        %add3A_163 = arith.addi %mul3A_56, %add3A_162 : i32
        %mul3A_164 = arith.constant 2 : i32
        %mul3A_165 = arith.muli %mul3A_164, %add3A_11 : i32
        %mul3A_166 = arith.constant 524288 : i32
        %mul3A_167 = arith.muli %mul3A_165, %mul3A_166 : i32
        %add3A_168 = arith.addi %mul3A_167, %mul3A_2 : i32
        %mul3A_169 = arith.constant 1024 : i32
        %mul3A_170 = arith.muli %add3A_163, %mul3A_169 : i32
        %add3A_171 = arith.addi %add3A_168, %mul3A_170 : i32
        %dma_start3A_172 = arith.constant 0 : i32
        %dma_start3A_173 = tpu.memref_slice %arg15[%dma_start3A_172] : memref<2048xf32, #tpu.memory_space<vmem>> -> memref<1024xf32, #tpu.memory_space<vmem>>
        %dma_start3A_174 = tpu.memref_slice %arg5[%add3A_171] : memref<16777216xf32, #tpu.memory_space<hbm>> -> memref<1024xf32, #tpu.memory_space<hbm>>
        %dma_start3A_175 = tpu.memref_slice %arg5[%add3A_171] : memref<16777216xf32, #tpu.memory_space<hbm>> -> memref<1024xf32, #tpu.memory_space<hbm>>
        %dma_start3A_176 = arith.constant 0 : i32
        %dma_start3A_177 = tpu.memref_slice %arg15[%dma_start3A_176] : memref<2048xf32, #tpu.memory_space<vmem>> -> memref<1024xf32, #tpu.memory_space<vmem>>
        tpu.enqueue_dma source(%dma_start3A_177 : memref<1024xf32, #tpu.memory_space<vmem>>) target(%dma_start3A_175 : memref<1024xf32, #tpu.memory_space<hbm>>) target_semaphore(%arg22 : memref<!tpu.dma_semaphore, #tpu.memory_space<semaphore_mem>>)
        %add3A_178 = arith.constant 524288 : i32
        %add3A_179 = arith.addi %add3A_171, %add3A_178 : i32
        %dma_start3A_180 = arith.constant 1024 : i32
        %dma_start3A_181 = tpu.memref_slice %arg15[%dma_start3A_180] : memref<2048xf32, #tpu.memory_space<vmem>> -> memref<1024xf32, #tpu.memory_space<vmem>>
        %dma_start3A_182 = tpu.memref_slice %arg5[%add3A_179] : memref<16777216xf32, #tpu.memory_space<hbm>> -> memref<1024xf32, #tpu.memory_space<hbm>>
        %dma_start3A_183 = tpu.memref_slice %arg5[%add3A_179] : memref<16777216xf32, #tpu.memory_space<hbm>> -> memref<1024xf32, #tpu.memory_space<hbm>>
        %dma_start3A_184 = arith.constant 1024 : i32
        %dma_start3A_185 = tpu.memref_slice %arg15[%dma_start3A_184] : memref<2048xf32, #tpu.memory_space<vmem>> -> memref<1024xf32, #tpu.memory_space<vmem>>
        tpu.enqueue_dma source(%dma_start3A_185 : memref<1024xf32, #tpu.memory_space<vmem>>) target(%dma_start3A_183 : memref<1024xf32, #tpu.memory_space<hbm>>) target_semaphore(%arg22 : memref<!tpu.dma_semaphore, #tpu.memory_space<semaphore_mem>>)
        %dma_wait3A_186 = arith.constant 0 : i32
        %dma_wait3A_187 = tpu.memref_slice %arg14[%dma_wait3A_186] : memref<2048xf32, #tpu.memory_space<vmem>> -> memref<1024xf32, #tpu.memory_space<vmem>>
        %dma_wait3A_188 = tpu.memref_slice %arg5[%add3A_108] : memref<16777216xf32, #tpu.memory_space<hbm>> -> memref<1024xf32, #tpu.memory_space<hbm>>
        %dma_wait3A_189 = tpu.memref_slice %arg5[%add3A_108] : memref<16777216xf32, #tpu.memory_space<hbm>> -> memref<1024xf32, #tpu.memory_space<hbm>>
        %dma_wait3A_190 = arith.constant 0 : i32
        %dma_wait3A_191 = tpu.memref_slice %arg14[%dma_wait3A_190] : memref<2048xf32, #tpu.memory_space<vmem>> -> memref<1024xf32, #tpu.memory_space<vmem>>
        tpu.wait_dma2 semaphore(%arg22 : memref<!tpu.dma_semaphore, #tpu.memory_space<semaphore_mem>>) src(%dma_wait3A_191 : memref<1024xf32, #tpu.memory_space<vmem>>) dst(%dma_wait3A_189 : memref<1024xf32, #tpu.memory_space<hbm>>)
        %dma_wait3A_192 = arith.constant 1024 : i32
        %dma_wait3A_193 = tpu.memref_slice %arg14[%dma_wait3A_192] : memref<2048xf32, #tpu.memory_space<vmem>> -> memref<1024xf32, #tpu.memory_space<vmem>>
        %dma_wait3A_194 = tpu.memref_slice %arg5[%add3A_116] : memref<16777216xf32, #tpu.memory_space<hbm>> -> memref<1024xf32, #tpu.memory_space<hbm>>
        %dma_wait3A_195 = tpu.memref_slice %arg5[%add3A_116] : memref<16777216xf32, #tpu.memory_space<hbm>> -> memref<1024xf32, #tpu.memory_space<hbm>>
        %dma_wait3A_196 = arith.constant 1024 : i32
        %dma_wait3A_197 = tpu.memref_slice %arg14[%dma_wait3A_196] : memref<2048xf32, #tpu.memory_space<vmem>> -> memref<1024xf32, #tpu.memory_space<vmem>>
        tpu.wait_dma2 semaphore(%arg22 : memref<!tpu.dma_semaphore, #tpu.memory_space<semaphore_mem>>) src(%dma_wait3A_197 : memref<1024xf32, #tpu.memory_space<vmem>>) dst(%dma_wait3A_195 : memref<1024xf32, #tpu.memory_space<hbm>>)
        %dma_wait3A_198 = arith.constant 0 : i32
        %dma_wait3A_199 = tpu.memref_slice %arg15[%dma_wait3A_198] : memref<2048xf32, #tpu.memory_space<vmem>> -> memref<1024xf32, #tpu.memory_space<vmem>>
        %dma_wait3A_200 = tpu.memref_slice %arg5[%add3A_171] : memref<16777216xf32, #tpu.memory_space<hbm>> -> memref<1024xf32, #tpu.memory_space<hbm>>
        %dma_wait3A_201 = tpu.memref_slice %arg5[%add3A_171] : memref<16777216xf32, #tpu.memory_space<hbm>> -> memref<1024xf32, #tpu.memory_space<hbm>>
        %dma_wait3A_202 = arith.constant 0 : i32
        %dma_wait3A_203 = tpu.memref_slice %arg15[%dma_wait3A_202] : memref<2048xf32, #tpu.memory_space<vmem>> -> memref<1024xf32, #tpu.memory_space<vmem>>
        tpu.wait_dma2 semaphore(%arg22 : memref<!tpu.dma_semaphore, #tpu.memory_space<semaphore_mem>>) src(%dma_wait3A_203 : memref<1024xf32, #tpu.memory_space<vmem>>) dst(%dma_wait3A_201 : memref<1024xf32, #tpu.memory_space<hbm>>)
        %dma_wait3A_204 = arith.constant 1024 : i32
        %dma_wait3A_205 = tpu.memref_slice %arg15[%dma_wait3A_204] : memref<2048xf32, #tpu.memory_space<vmem>> -> memref<1024xf32, #tpu.memory_space<vmem>>
        %dma_wait3A_206 = tpu.memref_slice %arg5[%add3A_179] : memref<16777216xf32, #tpu.memory_space<hbm>> -> memref<1024xf32, #tpu.memory_space<hbm>>
        %dma_wait3A_207 = tpu.memref_slice %arg5[%add3A_179] : memref<16777216xf32, #tpu.memory_space<hbm>> -> memref<1024xf32, #tpu.memory_space<hbm>>
        %dma_wait3A_208 = arith.constant 1024 : i32
        %dma_wait3A_209 = tpu.memref_slice %arg15[%dma_wait3A_208] : memref<2048xf32, #tpu.memory_space<vmem>> -> memref<1024xf32, #tpu.memory_space<vmem>>
        tpu.wait_dma2 semaphore(%arg22 : memref<!tpu.dma_semaphore, #tpu.memory_space<semaphore_mem>>) src(%dma_wait3A_209 : memref<1024xf32, #tpu.memory_space<vmem>>) dst(%dma_wait3A_207 : memref<1024xf32, #tpu.memory_space<hbm>>)
      }
      %scan3A_47 = arith.constant 8 : i32
      %dma_wait3A_48 = arith.constant 0 : i32
      %dma_wait3A_49 = tpu.memref_slice %arg17[%dma_wait3A_48] : memref<1048576xf32, #tpu.memory_space<vmem_shared>> -> memref<1048576xf32, #tpu.memory_space<vmem_shared>>
      tpu.wait_indirect_dma semaphore(%arg18 : memref<!tpu.dma_semaphore, #tpu.memory_space<semaphore_mem>>) src(%dma_wait3A_49 : memref<1048576xf32, #tpu.memory_space<vmem_shared>>) dst(%arg12 : memref<8192xf32, #tpu.memory_space<vmem>>)
    }
    %scan3A_6 = arith.constant 16 : i32
    return
  }
}

</mosaic_0001>

<sc_bundles>
// kernel: kernel.3.cloned.1.call-start
scs
__scs_entry_jumppad:
0x0: {  	(pc) =	sbr.rel $0x88, $3  }
0x1: {  	(tag) =	ssettag $0x0;
	lr =	simm.s32 $0x1  }
0x2: {  	[smem:$0x3F9F] =	sst lr;
	_ =	strace $0xD0000000  }
0x3: {  	_ = 	snop  }
0x4: {  	_ = 	snop  }
0x5: {  	_ = 	snop  }
0x6: {  	_ = 	snop  }
0x7: {  	_ = 	snop  }
__scs_overlays_trampoline_lowered:
0x8: {  	[smem:$0x3FAE] =	sst s0  }
0x9: {  	[smem:$0x3FAF] =	sst s1  }
0xa: {  	[smem:$0x3FB0] =	sst s2  }
0xb: {  	[smem:$0x3FB1] =	sst s3  }
0xc: {  	[smem:$0x3FB2] =	sst s4  }
0xd: {  	[smem:$0x3FB3] =	sst s5  }
0xe: {  	[smem:$0x3FB4] =	sst s6  }
0xf: {  	[smem:$0x3FB5] =	sst s7  }
0x10: {  	[smem:$0x3FB6] =	sst s8  }
0x11: {  	[smem:$0x3FB7] =	sst s9;
	s0 =	simm.s32 @!p0 $0x0  }
0x12: {  	s1 =	sld [smem:$0x3F9D];
	s0 =	simm.s32 @p0 $0x1  }
0x13: {  	[smem:$0x3FB8] =	sst s0;
	s0 =	simm.s32 @!p1 $0x0  }
0x14: {  	s2 =	sld [smem:$0x3F9C];
	s0 =	simm.s32 @p1 $0x1  }
0x15: {  	[smem:$0x3FB9] =	sst s0;
	s0 =	simm.s32 @!p2 $0x0  }
0x16: {  	s3 =	sld [smem:$0x3FDB];
	s0 =	simm.s32 @p2 $0x1  }
0x17: {  	s4 =	simm.s32 $0x1BF5;
	[smem:$0x3FBB] =	sst s0  }
0x18: {  	s0 =	sld [smem:$0x3F9E];
	_ =	swait.ge [sflag:s4], $0x0  }
0x19: {  	s7 =	sld [smem:$0x3F9F]  }
0x1a: {  	s8 =	sadd.s32 $0xFFFFE003, lr  }
0x1b: {  	s9 =	sadd.s32 $0xFFFFFEF7, lr;
	s5 =	simm.s32 $0xFFFFFFFF;
	p2 =	slt.u32 s8, $0xFFFFF086  }
0x1c: {  	p1 =	slt.u32 s9, $0xF7A;
	s5 =	simm.s32 @!p2 $0x0  }
0x1d: {  	s5 =	simm.s32 @p1 $0x1;
	p0 =	seq.s32 s7, s2  }
0x1e: {  	s7 =	smul.u32 @!p0 $0xF7A, s2;
	p2 =	seq.s32 @!p0 s5, $0x0  }
0x1f: {  	s9 =	smul.u32 $0xF7A, s1;
	s8 =	simm.s32 @!p0 $0x1BF5;
	p2 =	por !p2, p0  }
0x20: {  	[sflag:s8] =	ssyncset.s32 @!p0 $0xFFFFF086;
	s6 =	sadd.s32 @!p0 s3, s7;
	s7 =	simm.s32 @!p0 $0x108  }
0x21: {  	s3 =	sadd.s32 s3, s9;
	s6 =	sadd.s32 @!p0 $0x88, s6;
	s7 =	simm.s32 @p2 $0x1082  }
0x22: {  	[simem:s7], [sflag:s8] =	dma.local @!p0 [hbm:s6], $0xF7A  }
0x23: {  	s9 =	sor.u32 $0xD0000000, s2;
	s6 =	simm.s32 $0x108;
	_ =	swait.ge @!p0 [sflag:s8], $0x0  }
0x24: {  	s3 =	sadd.s32 $0x88, s3;
	s6 =	simm.s32 @!p1 $0x1082;
	[sflag:s4] =	ssyncset.s32 $0xFFFFF086  }
0x25: {  	[simem:s6], [sflag:s4] =	dma.local [hbm:s3], $0xF7A  }
0x26: {  	[smem:$0x3F9F] =	sst s1;
	(tag) =	ssettag s2;
	_ =	strace s9  }
0x27: {  	s1 =	sld [smem:$0x3FAF]  }
0x28: {  	s2 =	sld [smem:$0x3FB0]  }
0x29: {  	s4 =	sld [smem:$0x3FB2]  }
0x2a: {  	p0 =	seq.s32 s5, $0x0;
	s5 =	sld [smem:$0x3FB3]  }
0x2b: {  	s6 =	sld [smem:$0x3FB4]  }
0x2c: {  	s7 =	sld [smem:$0x3FB5]  }
0x2d: {  	s3 =	simm.s32 $0x108;
	s8 =	sld [smem:$0x3FB6]  }
0x2e: {  	s3 =	simm.s32 @!p0 $0x1082;
	s9 =	sld [smem:$0x3FB7]  }
0x2f: {  	lr =	sadd.s32 s0, s3;
	s0 =	sld [smem:$0x3FAE]  }
0x30: {  	s3 =	sld [smem:$0x3FB1]  }
0x31: {  	[smem:$0x3FBA] =	sst s10  }
0x32: {  	s10 =	sld [smem:$0x3FB8];
	_ =	sdelay $0x3  }
0x33: {  	p0 =	seq.s32 s10, $0x1;
	s10 =	sld [smem:$0x3FBA];
	_ =	sdelay $0x3  }
0x34: {  	[smem:$0x3FBA] =	sst s10  }
0x35: {  	s10 =	sld [smem:$0x3FB9];
	_ =	sdelay $0x3  }
0x36: {  	p1 =	seq.s32 s10, $0x1;
	s10 =	sld [smem:$0x3FBA];
	_ =	sdelay $0x3  }
0x37: {  	[smem:$0x3FBA] =	sst s10  }
0x38: {  	s10 =	sld [smem:$0x3FBB]  }
0x39: {  	_ = 	snop;
	(pc) =	sbr.ind lr, $3  }
0x3a: {  	_ = 	snop  }
0x3b: {  	_ = 	snop  }
0x3c: {  	p2 =	seq.s32 s10, $0x1;
	s10 =	sld [smem:$0x3FBA]  }
0x3d: {  	_ =	shalt  }
0x3e: {  	_ =	shalt  }
0x3f: {  	_ =	shalt  }
0x40: {  	_ =	shalt  }
0x41: {  	_ =	shalt  }
0x42: {  	_ =	shalt  }
0x43: {  	_ =	shalt  }
0x44: {  	_ =	shalt  }
0x45: {  	_ =	shalt  }
0x46: {  	_ =	shalt  }
0x47: {  	_ =	shalt  }
0x48: {  	_ =	shalt  }
0x49: {  	_ =	shalt  }
0x4a: {  	_ =	shalt  }
0x4b: {  	_ =	shalt  }
0x4c: {  	_ =	shalt  }
0x4d: {  	_ =	shalt  }
0x4e: {  	_ =	shalt  }
0x4f: {  	_ =	shalt  }
0x50: {  	_ =	shalt  }
0x51: {  	_ =	shalt  }
0x52: {  	_ =	shalt  }
0x53: {  	_ =	shalt  }
0x54: {  	_ =	shalt  }
0x55: {  	_ =	shalt  }
0x56: {  	_ =	shalt  }
0x57: {  	_ =	shalt  }
0x58: {  	_ =	shalt  }
0x59: {  	_ =	shalt  }
0x5a: {  	_ =	shalt  }
0x5b: {  	_ =	shalt  }
0x5c: {  	_ =	shalt  }
0x5d: {  	_ =	shalt  }
0x5e: {  	_ =	shalt  }
0x5f: {  	_ =	shalt  }
0x60: {  	_ =	shalt  }
0x61: {  	_ =	shalt  }
0x62: {  	_ =	shalt  }
0x63: {  	_ =	shalt  }
0x64: {  	_ =	shalt  }
0x65: {  	_ =	shalt  }
0x66: {  	_ =	shalt  }
0x67: {  	_ =	shalt  }
0x68: {  	_ =	shalt  }
0x69: {  	_ =	shalt  }
0x6a: {  	_ =	shalt  }
0x6b: {  	_ =	shalt  }
0x6c: {  	_ =	shalt  }
0x6d: {  	_ =	shalt  }
0x6e: {  	_ =	shalt  }
0x6f: {  	_ =	shalt  }
0x70: {  	_ =	shalt  }
0x71: {  	_ =	shalt  }
0x72: {  	_ =	shalt  }
0x73: {  	_ =	shalt  }
0x74: {  	_ =	shalt  }
0x75: {  	_ =	shalt  }
0x76: {  	_ =	shalt  }
0x77: {  	_ =	shalt  }
0x78: {  	_ =	shalt  }
0x79: {  	_ =	shalt  }
0x7a: {  	_ =	shalt  }
0x7b: {  	_ =	shalt  }
0x7c: {  	_ =	shalt  }
0x7d: {  	_ =	shalt  }
0x7e: {  	_ =	shalt  }
0x7f: {  	_ =	shalt  }
0x80: {  	_ =	shalt  }
0x81: {  	_ =	shalt  }
0x82: {  	_ =	shalt  }
0x83: {  	_ =	shalt  }
0x84: {  	_ =	shalt  }
0x85: {  	_ =	shalt  }
0x86: {  	_ =	shalt  }
0x87: {  	_ =	shalt  }
.Lfunc_end0:
.L_simem_size_0:
called_computation.1_lowered:
.L_overlay_start_0:
0x88: {  	s2 =	sld [smem:$0x3FD9]  }
0x89: {  	s3 =	sld [smem:$0x3FFE];
	_ =	sdelay $0x1  }
0x8a: {  	s1 =	srdreg.scid  }
0x8b: {  	s0 =	sand.u32 $0x1, s1  }
0x8c: {  	s17 =	sshll.u32 s0, $0xA;
	s2 =	sadd.s32 s3, s2  }
0x8d: {  	s2 =	sadd.s32 s2, s17  }
0x8e: {  	[smem:$0x3FC6] =	sst s2  }
0x8f: {  	_ = 	snop  }
0x90: {  	s2 =	sld [smem:$0x3FC9]  }
0x91: {  	s18 =	sld [smem:$0x3FD0];
	(tm) =	ssettm $0x1  }
0x92: {  	s4 =	sld [smem:$0x3FFB];
	_ =	sdelay $0x3  }
0x93: {  	_ =	strace s4  }
0x94: {  	s4 =	sld [smem:$0x3FFC];
	_ =	sdelay $0x3  }
0x95: {  	_ =	strace s4  }
0x96: {  	s4 =	sld [smem:$0x3FFD];
	_ =	sdelay $0x3  }
0x97: {  	_ =	strace s4  }
0x98: {  	_ =	strace $0x8FFFFFFF  }
0x99: {  	s19 =	sld [smem:$0x3FDB];
	_ =	sdelay $0x1  }
0x9a: {  	s5 =	simm.s32 $_scs_section_size  }
0x9b: {  	s6 =	simm.s32 $_size__tile_overlayer_lowered;
	s7 =	simm.s32 $_tile_overlayer_lowered  }
0x9c: {  	s22 =	simm.s32 $0x1BFF;
	s21 =	sshll.u32 s7, $0x1;
	s4 =	sadd.s32 s5, s19  }
0x9d: {  	s8 =	simm.s32 $0x0;
	s20 =	sshll.u32 s6, $0x1;
	s6 =	sadd.s32 s21, s4  }
0x9e: {  	[timem:s8], [sflag:s22] =	dma.local [hbm:s6], s20  }
0x9f: {  	_ =	swait.ge [sflag:s22], s20  }
0xa0: {  	s5 =	ssub.s32 $0x0, s20;
	[sflag:s22] =	ssyncset.done $0x0  }
0xa1: {  	[sflag:s22] =	ssyncadd.s32 s5;
	_ =	sdelay $0x1  }
0xa2: {  	s23 =	simm.s32 $0x1B8B  }
0xa3: {  	_ =	swait.ge [sflag:s23], $0x1  }
0xa4: {  	[sflag:s23] =	ssyncset.done $0x0  }
0xa5: {  	s25 =	simm.s32 $0x1B8E;
	s24 =	sld [smem:$0x3FFE];
	[sflag:s23] =	ssyncadd.s32 $0xFFFFFFFF  }
0xa6: {  	s26 =	simm.s32 $execute0_lowered;
	[smem:$0x3FD2] =	sst s25  }
0xa7: {  	s6 =	sshll.u32 s26, $0x1;
	_ =	strace $0x80000049;
	[dreg:$0x1] =	wrdreg $0xFFFFFFFF  }
0xa8: {  	s28 =	simm.s32 $_size_execute0_lowered;
	s4 =	sadd.s32 s4, s6;
	[dreg:$0x0] =	wrdreg $0x0  }
0xa9: {  	s6 =	sshll.u32 s28, $0x1;
	[dreg:$0x2] =	wrdreg s4  }
0xaa: {  	[dreg:$0x3] =	wrdreg s6  }
0xab: {  	[dreg:$0x4] =	wrdreg $0xC0  }
0xac: {  	_ =	task [dreg:s8], $0x5FFFF  }
0xad: {  	[dreg:$0x1] =	wrdreg $0xFFFFFFFF  }
0xae: {  	[dreg:$0x0] =	wrdreg $0x60  }
0xaf: {  	[dreg:$0x2] =	wrdreg s2  }
0xb0: {  	[dreg:$0x3] =	wrdreg s18  }
0xb1: {  	[dreg:$0x4] =	wrdreg s24  }
0xb2: {  	[dreg:$0x5] =	wrdreg $0xBC800  }
0xb3: {  	[dreg:$0x6] =	wrdreg $0x9  }
0xb4: {  	_ =	task.clear_ibuf [dreg:s8], $0x7FFFF;
	_ =	strace $0x90000049  }
0xb5: {  	s29 =	simm.s32 $0x9;
	_ =	strace $0x8000004B  }
0xb6: {  	_ =	swait.ge [sflag:s29], $0x1  }
0xb7: {  	[sflag:s29] =	ssyncadd.s32 $0xFFFFFFFF  }
0xb8: {  	_ =	strace $0x9000004B  }
0xb9: {  	_ =	sfence  }
0xba: {  	s30 =	sld [smem:$0x0];
	_ =	sdelay $0x2  }
0xbb: {  	s31 =	sshll.u32 s1, $0xD;
	s1 =	sshrl.u32 s1, $0x2  }
0xbc: {  	s3 =	sand.u32 $0x4000, s31;
	s1 =	sadd.s32 s1, s30  }
0xbd: {  	s0 =	sor.u32 s3, s0;
	s1 =	sshll.u32 s1, $0x11  }
0xbe: {  	s0 =	sor.u32 s1, s0  }
0xbf: {  	s0 =	sadd.s32 $0x8F2B, s0  }
0xc0: {  	[sflag:s0] =	ssyncadd.remote.s32 $0x1  }
0xc1: {  	_ =	sfence.sel $0xFFFF  }
0xc2: {  	[dreg:$0x0] =	wrdreg $0xFFFFFFFF;
	(pc) =	sbr.abs _section_cstart, $3  }
0xc3: {  	[dreg:$0x1] =	wrdreg $0xFFFFFFFF  }
0xc4: {  	_ =	task.clear_ibuf [dreg:s8], $0x2FFFF;
	_ =	strace $0x9FFFFFFF  }
0xc5: {  	(tm) =	ssettm $0x7FFFFFFF  }
tec
execute0_lowered:
.L_overlay_start_1:
0x0: {  	(tag) =	ssettag $0x1  }
0x1: {  	s1 =	rddreg [dreg:$0x0]  }
0x2: {  	s0 =	rddreg [dreg:$0x2]  }
0x3: {  	s3 =	rddreg [dreg:$0x3]  }
0x4: {  	s4 =	simm.s32 $0x0;
	s2 =	srdreg.scid;
	s9 =	stileid.u32  }
0x5: {  	s17 =	simm.s32 $0x3;
	s18 =	simm.s32 $0x2000;
	s19 =	simm.s32 $0x2C00  }
0x6: {  	s20 =	simm.s32 $0x6C00;
	s28 =	simm.s32 $0xAC00;
	s29 =	simm.s32 $0xB000  }
0x7: {  	s30 =	simm.s32 $0xB400;
	s31 =	simm.s32 $0xB800;
	[smem:$0x7FF] =	sst s4  }
0x8: {  	s5 =	sadd.s32 $0xA00, s0;
	s2 =	sand.u32 $0x1, s2;
	s7 =	sadd.s32 $0xC00, s0  }
0x9: {  	s6 =	sshll.u32 s9, $0xF;
	s23 =	sshll.u32 s9, $0x10;
	s25 =	sshll.u32 s9, $0x6  }
0xa: {  	_ =	strace $0x8000004A;
	[dreg:$0x5] =	wrdreg s5;
	s21 =	ssub.s32 $0x2, s2  }
0xb: {  	s2 =	sshll.u32 s2, $0xE;
	[dreg:$0x6] =	wrdreg s23;
	s22 =	sshrl.u32 s21, $0x1  }
0xc: {  	s8 =	sor.u32 s2, s6;
	s2 =	sadd.s32 s23, s3;
	s23 =	simm.s32 $0x8C00  }
0xd: {  	s0 =	ssub.s32 s21, s22;
	s24 =	sshrl.u32 s8, $0x1;
	s6 =	sshll.u32 s8, $0x2  }
0xe: {  	s26 =	sshrl.u32 s2, $0x3;
	s22 =	simm.s32 $0x4C00;
	s5 =	sadd.s32 s1, s24  }
0xf: {  	s11 =	sor.u32 $0x2000, s6;
	s0 =	smax.u32 s0, $0x1;
	[dreg:$0xa] =	wrdreg s26  }
0x10: {  	s24 =	simm.s32 $0x1;
	s26 =	simm.s32 $0x2;
	[dreg:$0x7] =	wrdreg s5  }
0x11: {  	[dreg:$0x8] =	wrdreg s0;
	s0 =	sor.u32 $0x1C06, s25;
	s25 =	simm.s32 $0x4  }
0x12: {  	s5 =	simm.s32 $0x0;
	[dreg:$0x9] =	wrdreg s0;
	s0 =	simm.s32 $0x5  }
.LBB2_1:
0x13: {  	[dreg:$0xb] =	wrdreg s5  }
0x14: {  	s2 =	rddreg [dreg:$0x5];
	s16 =	simm.s32 $0xBC00;
	s21 =	simm.s32 $0x6  }
0x15: {  	[tilespmem:s16], [sflag:$0x6] =	stream.linear.gather [hbm4b:s2+s4], $0x80, $0x38;
	[tilespmem:$0x1BC80] =	vst v63  }
0x16: {  	_ =	swait.ge [sflag:s21], $0x80  }
0x17: {  	[sflag:s21] =	ssyncset.done $0x0  }
0x18: {  	s10 =	simm.s32 $0x0;
	[sflag:s21] =	ssyncadd.s32 $0xFFFFFF80  }
.LBB2_2:
0x19: {  	s2 =	sshll.u32 s10, $0x14;
	s5 =	rddreg [dreg:$0x6];
	v0 =	vld [tilespmem:$0xBC00];
	[bflag:$0x0] =	sbarrier.arrive $0xFFFF  }
0x1a: {  	s5 =	sor.u32 s5, s2;
	s6 =	rddreg [dreg:$0x1]  }
0x1b: {  	s13 =	rddreg [dreg:$0x9];
	s5 =	sshrl.u32 s5, $0x3  }
0x1c: {  	s14 =	simm.s32 $0x6;
	s9 =	rddreg [dreg:$0xa];
	s5 =	sadd.s32 s6, s5  }
0x1d: {  	[spmem:s9], [sflag:s13] =	dma.local [hbm:s5], $0x2000  }
0x1e: {  	_ =	swait.ge [sflag:s14], $0x2000  }
0x1f: {  	[sflag:s14] =	ssyncset.done $0x0  }
0x20: {  	[dreg:$0xc] =	wrdreg s10;
	[sflag:s14] =	ssyncadd.s32 $0xFFFFE000  }
0x21: {  	[bflag:$0x0] =	sbarrier.arrive $0xFFFF  }
0x22: {  	v1 =	vmov s10;
	s5 =	simm.s32 $0x0;
	s15 =	rddreg [dreg:$0x7]  }
0x23: {  	v0 =	vperm.xlane v0, v1;
	[tilespmem:s5], [sflag:$0x3] =	stream.linear.gather [hbm4b:s15+s5], $0x1000, $0x38;
	[tilespmem:$0x1BC80] =	vst v63  }
0x24: {  	_ =	swait.ge [sflag:s17], $0x1000  }
0x25: {  	(erf) = vrcp.f32 v0;
	_ =	sdelay $0x2  }
0x26: {  	s16 =	sand.u32 $0x70, s5;
	s21 =	sand.u32 $0x600, s5;
	[sflag:s17] =	ssyncset.done $0x0  }
0x27: {  	s6 =	sor.u32 s16, s21;
	[sflag:s17] =	ssyncadd.s32 $0xFFFFF000  }
0x28: {  	v2 =	vld [tilespmem:s6+$0x100]  }
0x29: {  	v3 =	vld [tilespmem:s6+$0x80]  }
0x2a: {  	v4 =	vld [tilespmem:s6+$0x0];
	_ =	sdelay $0x1  }
0x2b: {  	v1 =	vpop (erf)  }
0x2c: {  	v5 =	vmul.f32 v2, v1  }
0x2d: {  	v6 =	vmul.f32 v3, v1  }
0x2e: {  	v7 =	vmul.f32 v4, v1;
	v5 =	vtrunc.f32 v5  }
0x2f: {  	v6 =	vtrunc.f32 v6;
	v5 =	vcvt.f32.s32 v5  }
0x30: {  	v7 =	vtrunc.f32 v7;
	v6 =	vcvt.f32.s32 v6  }
0x31: {  	v7 =	vcvt.f32.s32 v7;
	v8 =	vcvt.s32.f32 v5  }
0x32: {  	v9 =	vcvt.s32.f32 v6  }
0x33: {  	v10 =	vcvt.s32.f32 v7;
	v8 =	vmul.f32 v8, v0  }
0x34: {  	v9 =	vmul.f32 v9, v0  }
0x35: {  	v10 =	vmul.f32 v10, v0;
	v11 =	vadd.f32 v8, v0  }
0x36: {  	v12 =	vadd.f32 v9, v0  }
0x37: {  	v13 =	vadd.f32 v10, v0;
	v11 =	vsub.f32 v11, v8  }
0x38: {  	v12 =	vsub.f32 v12, v9  }
0x39: {  	v13 =	vsub.f32 v13, v10;
	(erf) = vrcp.f32 v11  }
0x3a: {  	(erf) = vrcp.f32 v12  }
0x3b: {  	(erf) = vrcp.f32 v13;
	_ =	sdelay $0x3  }
0x3c: {  	v6 =	vmul.u32 $0x9E3779B1, v6  }
0x3d: {  	v11 =	vmul.u32 $0x30025795, v5  }
0x3e: {  	v2 =	vsub.f32 v2, v8;
	v5 =	vxor.u32 v7, v6  }
0x3f: {  	v63 =	vadd.s32 $0x9E3779B1, v6;
	v3 =	vsub.f32 v3, v9;
	v8 =	vxor.u32 v11, v5;
	v9 =	vpop (erf)  }
0x40: {  	s12 =	simm.s32 $0x0;
	v4 =	vsub.f32 v4, v10;
	v8 =	vand.u32 $0x7FFFF, v8;
	v2 =	vmul.f32 v9, v2;
	v9 =	vpop (erf)  }
0x41: {  	v62 =	vadd.s32 $0x1, v7;
	v7 =	vxor.u32 v7, v63;
	[tilespmem:s12+$0x2C00] =	vst v8;
	v3 =	vmul.f32 v9, v3;
	v9 =	vpop (erf)  }
0x42: {  	v6 =	vxor.u32 v62, v6;
	v10 =	vadd.s32 $0x30025795, v11;
	v9 =	vmul.f32 v9, v4;
	[tilespmem:s12+$0x2400] =	vst v2  }
0x43: {  	v13 =	vxor.u32 v62, v63;
	v15 =	vxor.u32 v11, v7;
	v14 =	vxor.u32 v5, v10;
	[tilespmem:s12+$0x2200] =	vst v3  }
0x44: {  	s10 =	sand.u32 $0x1F0, s5;
	v5 =	vxor.u32 v10, v13;
	v4 =	vxor.u32 v11, v13;
	v3 =	vor.u32 $0x80000, v8;
	[tilespmem:s12+$0x2000] =	vst v9  }
0x45: {  	v2 =	vxor.u32 v10, v7;
	v7 =	vand.u32 $0x7FFFF, v15;
	v8 =	vand.u32 $0x7FFFF, v14;
	[tilespmem:s10+$0x3C00] =	vst v3  }
0x46: {  	s6 =	simm.s32 $0x10;
	v3 =	vxor.u32 v11, v6;
	v6 =	vxor.u32 v6, v10;
	[tilespmem:s12+$0x2E00] =	vst v8;
	v8 =	vor.u32 $0x80000, v8  }
.LBB2_3:
0x47: {  	p0 =	sne.s32 s6, $0x1F0  }
0x48: {  	[tilespmem:s10+$0x3E00] =	vst v8;
	s5 =	sadd.s32 $0x40, s5;
	s9 =	smov.u32 s6;
	s6 =	sadd.s32 $0x10, s6  }
0x49: {  	v5 =	vand.u32 $0x7FFFF, v5;
	[tilespmem:s12+$0x3000] =	vst v7;
	v7 =	vor.u32 $0x80000, v7  }
0x4a: {  	[tilespmem:s10+$0x4000] =	vst v7;
	v7 =	vor.u32 $0x80000, v5  }
0x4b: {  	v4 =	vand.u32 $0x7FFFF, v4;
	[tilespmem:s10+$0x4A00] =	vst v7  }
0x4c: {  	v7 =	vor.u32 $0x80000, v4;
	[tilespmem:s10+$0x3A00] =	vst v5  }
0x4d: {  	v5 =	vand.u32 $0x7FFFF, v6;
	[tilespmem:s10+$0x4800] =	vst v7  }
0x4e: {  	v6 =	vor.u32 $0x80000, v5;
	[tilespmem:s10+$0x3800] =	vst v4  }
0x4f: {  	v3 =	vand.u32 $0x7FFFF, v3;
	[tilespmem:s10+$0x4600] =	vst v6  }
0x50: {  	v4 =	vor.u32 $0x80000, v3;
	[tilespmem:s10+$0x3600] =	vst v5  }
0x51: {  	v2 =	vand.u32 $0x7FFFF, v2;
	[tilespmem:s10+$0x4400] =	vst v4  }
0x52: {  	v4 =	vor.u32 $0x80000, v2;
	[tilespmem:s10+$0x3400] =	vst v3  }
0x53: {  	s12 =	sand.u32 $0x70, s9;
	s13 =	sand.u32 $0x600, s5;
	[tilespmem:s10+$0x4200] =	vst v4  }
0x54: {  	s12 =	sor.u32 s12, s13;
	[tilespmem:s10+$0x3200] =	vst v2  }
0x55: {  	v2 =	vld [tilespmem:s12+$0x100]  }
0x56: {  	v3 =	vld [tilespmem:s12+$0x80]  }
0x57: {  	v4 =	vld [tilespmem:s12+$0x0];
	_ =	sdelay $0x2  }
0x58: {  	v5 =	vmul.f32 v2, v1  }
0x59: {  	v6 =	vmul.f32 v3, v1  }
0x5a: {  	v7 =	vmul.f32 v4, v1;
	v5 =	vtrunc.f32 v5  }
0x5b: {  	v6 =	vtrunc.f32 v6;
	v5 =	vcvt.f32.s32 v5  }
0x5c: {  	v7 =	vtrunc.f32 v7;
	v6 =	vcvt.f32.s32 v6  }
0x5d: {  	v7 =	vcvt.f32.s32 v7;
	v8 =	vcvt.s32.f32 v5  }
0x5e: {  	v9 =	vcvt.s32.f32 v6;
	v6 =	vmul.u32 $0x9E3779B1, v6  }
0x5f: {  	v10 =	vcvt.s32.f32 v7;
	v8 =	vmul.f32 v8, v0  }
0x60: {  	v11 =	vmul.u32 $0x30025795, v5;
	v9 =	vmul.f32 v9, v0;
	v5 =	vxor.u32 v7, v6  }
0x61: {  	v10 =	vmul.f32 v10, v0;
	v12 =	vsub.f32 v2, v8;
	v2 =	vadd.f32 v8, v0  }
0x62: {  	v14 =	vxor.u32 v11, v5;
	v13 =	vsub.f32 v3, v9;
	v3 =	vadd.f32 v9, v0  }
0x63: {  	v15 =	vadd.f32 v10, v0;
	v2 =	vsub.f32 v2, v8;
	v8 =	vand.u32 $0x7FFFF, v14  }
0x64: {  	v14 =	vsub.f32 v4, v10;
	v3 =	vsub.f32 v3, v9;
	v9 =	vadd.s32 $0x30025795, v11  }
0x65: {  	v4 =	vsub.f32 v15, v10;
	v10 =	vxor.u32 v5, v9;
	(erf) = vrcp.f32 v2  }
0x66: {  	v15 =	vadd.s32 $0x1, v7;
	v2 =	vadd.s32 $0x9E3779B1, v6;
	(erf) = vrcp.f32 v3  }
0x67: {  	v3 =	vxor.u32 v7, v2;
	v2 =	vxor.u32 v15, v2;
	(erf) = vrcp.f32 v4  }
0x68: {  	v7 =	vxor.u32 v11, v3;
	v4 =	vxor.u32 v11, v2;
	v5 =	vxor.u32 v9, v2  }
0x69: {  	v6 =	vxor.u32 v15, v6;
	v2 =	vxor.u32 v9, v3;
	v7 =	vand.u32 $0x7FFFF, v7  }
0x6a: {  	v3 =	vxor.u32 v11, v6;
	v6 =	vxor.u32 v6, v9;
	_ =	sdelay $0x3  }
0x6b: {  	v9 =	vpop (erf)  }
0x6c: {  	s12 =	sshra.s32 s5, $0x2;
	v9 =	vmul.f32 v9, v12;
	v11 =	vpop (erf)  }
0x6d: {  	v11 =	vmul.f32 v11, v13;
	[tilespmem:s12+$0x2C00] =	vst v8;
	v12 =	vpop (erf)  }
.Ltmp0:
0x6e: {  	v12 =	vmul.f32 v12, v14;
	[tilespmem:s12+$0x2400] =	vst v9;
	(pc) =	sbr.rel @p0 .LBB2_3-.Ltmp0, $4  }
0x6f: {  	[tilespmem:s12+$0x2200] =	vst v11  }
0x70: {  	s10 =	sand.u32 $0x1F0, s9;
	v8 =	vor.u32 $0x80000, v8;
	[tilespmem:s12+$0x2000] =	vst v12  }
0x71: {  	[tilespmem:s10+$0x3C00] =	vst v8;
	v8 =	vand.u32 $0x7FFFF, v10  }
0x72: {  	[tilespmem:s12+$0x2E00] =	vst v8;
	v8 =	vor.u32 $0x80000, v8  }
0x73: {  	[tilespmem:s10+$0x3E00] =	vst v8  }
0x74: {  	v58 =	vor.u32 $0x80000, v7;
	v5 =	vand.u32 $0x7FFFF, v5;
	[tilespmem:s12+$0x3000] =	vst v7  }
0x75: {  	v59 =	vor.u32 $0x80000, v5;
	[tilespmem:s10+$0x4000] =	vst v58  }
0x76: {  	v4 =	vand.u32 $0x7FFFF, v4;
	[tilespmem:s10+$0x4A00] =	vst v59  }
0x77: {  	v60 =	vor.u32 $0x80000, v4;
	[tilespmem:s10+$0x3A00] =	vst v5  }
0x78: {  	v61 =	vand.u32 $0x7FFFF, v6;
	[tilespmem:s10+$0x4800] =	vst v60  }
0x79: {  	v6 =	vor.u32 $0x80000, v61;
	[tilespmem:s10+$0x3800] =	vst v4  }
0x7a: {  	v3 =	vand.u32 $0x7FFFF, v3;
	[tilespmem:s10+$0x4600] =	vst v6  }
0x7b: {  	v62 =	vor.u32 $0x80000, v3;
	[tilespmem:s10+$0x3600] =	vst v61  }
0x7c: {  	v2 =	vand.u32 $0x7FFFF, v2;
	[tilespmem:s10+$0x4400] =	vst v62  }
0x7d: {  	v63 =	vor.u32 $0x80000, v2;
	[tilespmem:s10+$0x3400] =	vst v3  }
0x7e: {  	[tilespmem:s10+$0x4200] =	vst v63  }
0x7f: {  	s6 =	sor.u32 s8, s2;
	s5 =	simm.s32 $0x0;
	s12 =	simm.s32 $0x0;
	[tilespmem:s10+$0x3200] =	vst v2  }
0x80: {  	[tilespmem:s20], [sflag:$0x1] =	stream.indirect.gather [spmem:s3], $0x1, s19, s18, $0xb8;
	[tilespmem:$0x1BC80] =	vst v63  }
.LBB2_5:
0x81: {  	s9 =	sshll.u32 s5, $0xB  }
0x82: {  	s2 =	sor.u32 $0x400, s9  }
0x83: {  	s10 =	sor.u32 s8, s2  }
0x84: {  	s10 =	sshrl.u32 s10, $0x1  }
0x85: {  	s13 =	simm.s32 $0x1000;
	s16 =	simm.s32 $0x800;
	s10 =	sadd.s32 s1, s10  }
0x86: {  	[tilespmem:s13], [sflag:$0x4] =	stream.linear.gather [hbm4b:s10+s12], $0x1000, $0x38;
	[tilespmem:$0x1BC80] =	vst v63  }
0x87: {  	s21 =	sand.u32 $0x70, s12;
	s10 =	sand.u32 $0xE00, s16  }
0x88: {  	s10 =	sor.u32 s21, s10  }
0x89: {  	v2 =	vld [tilespmem:s10+$0x100]  }
0x8a: {  	v3 =	vld [tilespmem:s10+$0x80]  }
0x8b: {  	v4 =	vld [tilespmem:s10+$0x0];
	_ =	sdelay $0x2  }
0x8c: {  	v5 =	vmul.f32 v2, v1  }
0x8d: {  	v6 =	vmul.f32 v3, v1  }
0x8e: {  	v7 =	vmul.f32 v4, v1;
	v5 =	vtrunc.f32 v5  }
0x8f: {  	v6 =	vtrunc.f32 v6;
	v5 =	vcvt.f32.s32 v5  }
0x90: {  	v7 =	vtrunc.f32 v7;
	v6 =	vcvt.f32.s32 v6  }
0x91: {  	v7 =	vcvt.f32.s32 v7;
	v8 =	vcvt.s32.f32 v5  }
0x92: {  	v9 =	vcvt.s32.f32 v6  }
0x93: {  	v10 =	vcvt.s32.f32 v7;
	v8 =	vmul.f32 v8, v0  }
0x94: {  	v9 =	vmul.f32 v9, v0  }
0x95: {  	v10 =	vmul.f32 v10, v0;
	v11 =	vadd.f32 v8, v0  }
0x96: {  	v12 =	vadd.f32 v9, v0  }
0x97: {  	v13 =	vadd.f32 v10, v0;
	v11 =	vsub.f32 v11, v8  }
0x98: {  	v12 =	vsub.f32 v12, v9  }
0x99: {  	v13 =	vsub.f32 v13, v10;
	(erf) = vrcp.f32 v11  }
0x9a: {  	(erf) = vrcp.f32 v12  }
0x9b: {  	(erf) = vrcp.f32 v13;
	_ =	sdelay $0x3  }
0x9c: {  	v6 =	vmul.u32 $0x9E3779B1, v6  }
0x9d: {  	v11 =	vmul.u32 $0x30025795, v5  }
0x9e: {  	v2 =	vsub.f32 v2, v8;
	v5 =	vxor.u32 v7, v6  }
0x9f: {  	v63 =	vadd.s32 $0x9E3779B1, v6;
	v3 =	vsub.f32 v3, v9;
	v8 =	vxor.u32 v11, v5;
	v9 =	vpop (erf)  }
0xa0: {  	s16 =	simm.s32 $0x200;
	v4 =	vsub.f32 v4, v10;
	v8 =	vand.u32 $0x7FFFF, v8;
	v2 =	vmul.f32 v9, v2;
	v9 =	vpop (erf)  }
0xa1: {  	v62 =	vadd.s32 $0x1, v7;
	v7 =	vxor.u32 v7, v63;
	[tilespmem:s16+$0x4A00] =	vst v8;
	v3 =	vmul.f32 v9, v3;
	v9 =	vpop (erf)  }
0xa2: {  	v6 =	vxor.u32 v62, v6;
	v10 =	vadd.s32 $0x30025795, v11;
	v9 =	vmul.f32 v9, v4;
	[tilespmem:s16+$0x2800] =	vst v2  }
0xa3: {  	v13 =	vxor.u32 v62, v63;
	v15 =	vxor.u32 v11, v7;
	v14 =	vxor.u32 v5, v10;
	[tilespmem:s16+$0x2600] =	vst v3  }
0xa4: {  	s14 =	sand.u32 $0x1F0, s12;
	v5 =	vxor.u32 v10, v13;
	v4 =	vxor.u32 v11, v13;
	v3 =	vor.u32 $0x80000, v8;
	[tilespmem:s16+$0x2400] =	vst v9  }
0xa5: {  	v2 =	vxor.u32 v10, v7;
	v7 =	vand.u32 $0x7FFFF, v15;
	v8 =	vand.u32 $0x7FFFF, v14;
	[tilespmem:s14+$0x5C00] =	vst v3  }
0xa6: {  	s15 =	simm.s32 $0x0;
	s10 =	simm.s32 $0x840;
	v3 =	vxor.u32 v11, v6;
	v6 =	vxor.u32 v6, v10;
	[tilespmem:s16+$0x4C00] =	vst v8;
	v8 =	vor.u32 $0x80000, v8  }
.LBB2_6:
0xa7: {  	p0 =	sne.s32 s10, $0xFC0  }
0xa8: {  	[tilespmem:s14+$0x5E00] =	vst v8;
	s15 =	sadd.s32 $0x10, s15;
	s13 =	smov.u32 s10;
	s10 =	sadd.s32 $0x40, s10  }
0xa9: {  	v5 =	vand.u32 $0x7FFFF, v5;
	[tilespmem:s16+$0x4E00] =	vst v7;
	v7 =	vor.u32 $0x80000, v7  }
0xaa: {  	[tilespmem:s14+$0x6000] =	vst v7;
	v7 =	vor.u32 $0x80000, v5  }
0xab: {  	v4 =	vand.u32 $0x7FFFF, v4;
	[tilespmem:s14+$0x6A00] =	vst v7  }
0xac: {  	v7 =	vor.u32 $0x80000, v4;
	[tilespmem:s14+$0x5A00] =	vst v5  }
0xad: {  	v5 =	vand.u32 $0x7FFFF, v6;
	[tilespmem:s14+$0x6800] =	vst v7  }
0xae: {  	v6 =	vor.u32 $0x80000, v5;
	[tilespmem:s14+$0x5800] =	vst v4  }
0xaf: {  	v3 =	vand.u32 $0x7FFFF, v3;
	[tilespmem:s14+$0x6600] =	vst v6  }
0xb0: {  	v4 =	vor.u32 $0x80000, v3;
	[tilespmem:s14+$0x5600] =	vst v5  }
0xb1: {  	v2 =	vand.u32 $0x7FFFF, v2;
	[tilespmem:s14+$0x6400] =	vst v4  }
0xb2: {  	v4 =	vor.u32 $0x80000, v2;
	[tilespmem:s14+$0x5400] =	vst v3  }
0xb3: {  	s16 =	sand.u32 $0x70, s15;
	s21 =	sand.u32 $0xE00, s13;
	[tilespmem:s14+$0x6200] =	vst v4  }
0xb4: {  	s16 =	sor.u32 s16, s21;
	[tilespmem:s14+$0x5200] =	vst v2  }
0xb5: {  	v2 =	vld [tilespmem:s16+$0x100]  }
0xb6: {  	v3 =	vld [tilespmem:s16+$0x80]  }
0xb7: {  	v4 =	vld [tilespmem:s16+$0x0];
	_ =	sdelay $0x2  }
0xb8: {  	v5 =	vmul.f32 v2, v1  }
0xb9: {  	v6 =	vmul.f32 v3, v1  }
0xba: {  	v7 =	vmul.f32 v4, v1;
	v5 =	vtrunc.f32 v5  }
0xbb: {  	v6 =	vtrunc.f32 v6;
	v5 =	vcvt.f32.s32 v5  }
0xbc: {  	v7 =	vtrunc.f32 v7;
	v6 =	vcvt.f32.s32 v6  }
0xbd: {  	v7 =	vcvt.f32.s32 v7;
	v8 =	vcvt.s32.f32 v5  }
0xbe: {  	v9 =	vcvt.s32.f32 v6;
	v6 =	vmul.u32 $0x9E3779B1, v6  }
0xbf: {  	v10 =	vcvt.s32.f32 v7;
	v8 =	vmul.f32 v8, v0  }
0xc0: {  	v11 =	vmul.u32 $0x30025795, v5;
	v9 =	vmul.f32 v9, v0;
	v5 =	vxor.u32 v7, v6  }
0xc1: {  	v10 =	vmul.f32 v10, v0;
	v12 =	vsub.f32 v2, v8;
	v2 =	vadd.f32 v8, v0  }
0xc2: {  	v14 =	vxor.u32 v11, v5;
	v13 =	vsub.f32 v3, v9;
	v3 =	vadd.f32 v9, v0  }
0xc3: {  	v15 =	vadd.f32 v10, v0;
	v2 =	vsub.f32 v2, v8;
	v8 =	vand.u32 $0x7FFFF, v14  }
0xc4: {  	v14 =	vsub.f32 v4, v10;
	v3 =	vsub.f32 v3, v9;
	v9 =	vadd.s32 $0x30025795, v11  }
0xc5: {  	v4 =	vsub.f32 v15, v10;
	v10 =	vxor.u32 v5, v9;
	(erf) = vrcp.f32 v2  }
0xc6: {  	v15 =	vadd.s32 $0x1, v7;
	v2 =	vadd.s32 $0x9E3779B1, v6;
	(erf) = vrcp.f32 v3  }
0xc7: {  	v3 =	vxor.u32 v7, v2;
	v2 =	vxor.u32 v15, v2;
	(erf) = vrcp.f32 v4  }
0xc8: {  	v7 =	vxor.u32 v11, v3;
	v4 =	vxor.u32 v11, v2;
	v5 =	vxor.u32 v9, v2  }
0xc9: {  	v6 =	vxor.u32 v15, v6;
	v2 =	vxor.u32 v9, v3;
	v7 =	vand.u32 $0x7FFFF, v7  }
0xca: {  	v3 =	vxor.u32 v11, v6;
	v6 =	vxor.u32 v6, v9;
	_ =	sdelay $0x3  }
0xcb: {  	v9 =	vpop (erf)  }
0xcc: {  	s16 =	sshra.s32 s13, $0x2;
	v9 =	vmul.f32 v9, v12;
	v11 =	vpop (erf)  }
0xcd: {  	v11 =	vmul.f32 v11, v13;
	[tilespmem:s16+$0x4A00] =	vst v8;
	v12 =	vpop (erf)  }
.Ltmp1:
0xce: {  	v12 =	vmul.f32 v12, v14;
	[tilespmem:s16+$0x2800] =	vst v9;
	(pc) =	sbr.rel @p0 .LBB2_6-.Ltmp1, $4  }
0xcf: {  	[tilespmem:s16+$0x2600] =	vst v11  }
0xd0: {  	s14 =	sand.u32 $0x1F0, s15;
	v8 =	vor.u32 $0x80000, v8;
	[tilespmem:s16+$0x2400] =	vst v12  }
0xd1: {  	[tilespmem:s14+$0x5C00] =	vst v8;
	v8 =	vand.u32 $0x7FFFF, v10  }
0xd2: {  	[tilespmem:s16+$0x4C00] =	vst v8;
	v8 =	vor.u32 $0x80000, v8  }
0xd3: {  	[tilespmem:s14+$0x5E00] =	vst v8  }
0xd4: {  	[tilespmem:s16+$0x4E00] =	vst v7;
	v7 =	vor.u32 $0x80000, v7  }
0xd5: {  	v5 =	vand.u32 $0x7FFFF, v5;
	[tilespmem:s14+$0x6000] =	vst v7  }
0xd6: {  	v4 =	vand.u32 $0x7FFFF, v4;
	[tilespmem:s14+$0x5A00] =	vst v5  }
0xd7: {  	v3 =	vand.u32 $0x7FFFF, v3;
	[tilespmem:s14+$0x5800] =	vst v4  }
0xd8: {  	v2 =	vand.u32 $0x7FFFF, v2;
	[tilespmem:s14+$0x5400] =	vst v3  }
0xd9: {  	v7 =	vor.u32 $0x80000, v5;
	[tilespmem:s14+$0x5200] =	vst v2  }
0xda: {  	v5 =	vand.u32 $0x7FFFF, v6;
	[tilespmem:s14+$0x6A00] =	vst v7  }
0xdb: {  	v7 =	vor.u32 $0x80000, v4;
	[tilespmem:s14+$0x5600] =	vst v5  }
0xdc: {  	v6 =	vor.u32 $0x80000, v5;
	[tilespmem:s14+$0x6800] =	vst v7  }
0xdd: {  	v4 =	vor.u32 $0x80000, v3;
	[tilespmem:s14+$0x6600] =	vst v6  }
0xde: {  	[tilespmem:s14+$0x6400] =	vst v4;
	v4 =	vor.u32 $0x80000, v2  }
0xdf: {  	[tilespmem:s14+$0x6200] =	vst v4  }
0xe0: {  	[tilespmem:s23], [sflag:$0x2] =	stream.indirect.gather [spmem:s3], $0x1, s22, s18, $0xb8;
	[tilespmem:$0x1BC80] =	vst v63  }
0xe1: {  	_ =	swait.ge [sflag:s24], $0x2000  }
0xe2: {  	[sflag:s24] =	ssyncset.done $0x0  }
0xe3: {  	s13 =	simm.s32 $0x0;
	s10 =	simm.s32 $0x6E00;
	[sflag:s24] =	ssyncadd.s32 $0xFFFFE000  }
0xe4: {  	s13 =	sand.u32 $0x1F0, s13;
	v3 =	vld [tilespmem:s10+$0x200]  }
0xe5: {  	v4 =	vld [tilespmem:s13+$0x7200]  }
0xe6: {  	v5 =	vld [tilespmem:s13+$0x7800]  }
0xe7: {  	v6 =	vld [tilespmem:s13+$0x7A00]  }
0xe8: {  	s15 =	simm.s32 $0x2200;
	v7 =	vld [tilespmem:s13+$0x7600]  }
0xe9: {  	v8 =	vld [tilespmem:s15+$0xFFFFFE00]  }
0xea: {  	v9 =	vld [tilespmem:s13+$0x7400]  }
0xeb: {  	v10 =	vld [tilespmem:s10+$0xFFFFFE00]  }
0xec: {  	v11 =	vld [tilespmem:s10+$0x0]  }
0xed: {  	v2 =	vld [tilespmem:s15+$0x0];
	_ =	sdelay $0x1  }
0xee: {  	v12 =	vsub.f32 $1.000000000e+00, v8;
	v7 =	vmul.f32 v7, v8;
	v6 =	vmul.f32 v6, v8  }
0xef: {  	v9 =	vmul.f32 v9, v8;
	v5 =	vmul.f32 v5, v8  }
0xf0: {  	v10 =	vmul.f32 v10, v12;
	v13 =	vmul.f32 v3, v12  }
0xf1: {  	v14 =	vmul.f32 v4, v12;
	v11 =	vmul.f32 v11, v12;
	v3 =	vld [tilespmem:s15+$0x200];
	v4 =	vsub.f32 $1.000000000e+00, v2  }
0xf2: {  	v9 =	vadd.f32 v9, v10;
	v5 =	vadd.f32 v5, v13  }
0xf3: {  	v7 =	vadd.f32 v7, v11;
	v6 =	vadd.f32 v6, v14  }
0xf4: {  	v9 =	vmul.f32 v9, v4;
	v10 =	vmul.f32 v5, v2  }
0xf5: {  	v7 =	vmul.f32 v7, v4;
	v6 =	vmul.f32 v6, v2  }
0xf6: {  	v5 =	vsub.f32 $1.000000000e+00, v3  }
0xf7: {  	v9 =	vadd.f32 v10, v9;
	v6 =	vadd.f32 v6, v7;
	_ =	sdelay $0x1  }
0xf8: {  	v7 =	vmul.f32 v9, v5;
	v6 =	vmul.f32 v6, v3;
	_ =	sdelay $0x1  }
0xf9: {  	v6 =	vadd.f32 v6, v7  }
0xfa: {  	s16 =	simm.s32 $0xB000  }
0xfb: {  	[tilespmem:s16+$0xFFFFFC00] =	vst v6  }
0xfc: {  	v6 =	vld [tilespmem:s13+$0x7C00]  }
0xfd: {  	v7 =	vld [tilespmem:s13+$0x8200]  }
0xfe: {  	v9 =	vld [tilespmem:s13+$0x8800]  }
0xff: {  	v10 =	vld [tilespmem:s13+$0x8400]  }
0x100: {  	v11 =	vld [tilespmem:s13+$0x7E00]  }
0x101: {  	v62 =	vld [tilespmem:s13+$0x8A00]  }
0x102: {  	v63 =	vld [tilespmem:s13+$0x8600]  }
0x103: {  	v15 =	vld [tilespmem:s13+$0x8000];
	_ =	sdelay $0x1  }
0x104: {  	v6 =	vmul.f32 v6, v12;
	v10 =	vmul.f32 v10, v8  }
0x105: {  	v7 =	vmul.f32 v7, v12;
	v13 =	vmul.f32 v62, v8  }
0x106: {  	v9 =	vmul.f32 v9, v8;
	v8 =	vmul.f32 v63, v8;
	v6 =	vadd.f32 v10, v6  }
0x107: {  	v10 =	vmul.f32 v11, v12;
	v11 =	vmul.f32 v15, v12;
	v7 =	vadd.f32 v13, v7  }
0x108: {  	v6 =	vmul.f32 v6, v4  }
0x109: {  	s14 =	simm.s32 $0xB000;
	s13 =	simm.s32 $0x10;
	v8 =	vadd.f32 v8, v10;
	v9 =	vadd.f32 v9, v11;
	v7 =	vmul.f32 v7, v2  }
.LBB2_8:
0x10a: {  	s16 =	sadd.s32 $0x10, s16;
	s15 =	sadd.s32 $0x10, s15;
	s10 =	sadd.s32 $0x10, s10  }
0x10b: {  	p0 =	sne.s32 s13, $0x1F0;
	s21 =	smov.u32 s13;
	s13 =	sadd.s32 $0x10, s13;
	v2 =	vmul.f32 v9, v2;
	v4 =	vmul.f32 v8, v4  }
0x10c: {  	_ = 	snop  }
0x10d: {  	v2 =	vadd.f32 v2, v6;
	v4 =	vadd.f32 v7, v4;
	_ =	sdelay $0x1  }
0x10e: {  	v2 =	vmul.f32 v2, v5;
	v3 =	vmul.f32 v4, v3;
	_ =	sdelay $0x1  }
0x10f: {  	v2 =	vadd.f32 v3, v2;
	_ =	sdelay $0x1  }
0x110: {  	[tilespmem:s14+$0x0] =	vst v2;
	s14 =	smov.u32 s16  }
0x111: {  	s21 =	sand.u32 $0x1F0, s21;
	v3 =	vld [tilespmem:s10+$0x200]  }
0x112: {  	v4 =	vld [tilespmem:s21+$0x7200]  }
0x113: {  	v5 =	vld [tilespmem:s21+$0x7800]  }
0x114: {  	v6 =	vld [tilespmem:s21+$0x7A00]  }
0x115: {  	v7 =	vld [tilespmem:s21+$0x7600]  }
0x116: {  	v8 =	vld [tilespmem:s15+$0xFFFFFE00]  }
0x117: {  	v9 =	vld [tilespmem:s21+$0x7400]  }
0x118: {  	v10 =	vld [tilespmem:s10+$0xFFFFFE00]  }
0x119: {  	v11 =	vld [tilespmem:s10+$0x0]  }
0x11a: {  	v2 =	vld [tilespmem:s15+$0x0]  }
0x11b: {  	v12 =	vsub.f32 $1.000000000e+00, v8;
	v7 =	vmul.f32 v7, v8;
	v6 =	vmul.f32 v6, v8  }
0x11c: {  	v5 =	vmul.f32 v5, v8;
	v9 =	vmul.f32 v9, v8  }
0x11d: {  	v10 =	vmul.f32 v10, v12;
	v13 =	vmul.f32 v4, v12  }
0x11e: {  	v14 =	vmul.f32 v3, v12;
	v11 =	vmul.f32 v11, v12  }
0x11f: {  	v3 =	vld [tilespmem:s15+$0x200];
	v4 =	vsub.f32 $1.000000000e+00, v2;
	v9 =	vadd.f32 v9, v10  }
0x120: {  	v5 =	vadd.f32 v5, v14;
	v7 =	vadd.f32 v7, v11  }
0x121: {  	v6 =	vadd.f32 v6, v13;
	v9 =	vmul.f32 v9, v4  }
0x122: {  	v10 =	vmul.f32 v5, v2;
	v7 =	vmul.f32 v7, v4  }
0x123: {  	v6 =	vmul.f32 v6, v2  }
0x124: {  	v9 =	vadd.f32 v10, v9;
	v5 =	vsub.f32 $1.000000000e+00, v3  }
0x125: {  	v6 =	vadd.f32 v6, v7  }
0x126: {  	v7 =	vmul.f32 v9, v5  }
0x127: {  	v6 =	vmul.f32 v6, v3;
	_ =	sdelay $0x1  }
0x128: {  	v6 =	vadd.f32 v6, v7;
	_ =	sdelay $0x1  }
0x129: {  	[tilespmem:s16+$0xFFFFFC00] =	vst v6  }
0x12a: {  	v6 =	vld [tilespmem:s21+$0x7C00]  }
0x12b: {  	v7 =	vld [tilespmem:s21+$0x8200]  }
0x12c: {  	v9 =	vld [tilespmem:s21+$0x8800]  }
0x12d: {  	v10 =	vld [tilespmem:s21+$0x8400]  }
0x12e: {  	v11 =	vld [tilespmem:s21+$0x7E00]  }
0x12f: {  	v13 =	vld [tilespmem:s21+$0x8A00];
	v6 =	vmul.f32 v6, v12  }
0x130: {  	v14 =	vld [tilespmem:s21+$0x8600];
	v7 =	vmul.f32 v7, v12  }
0x131: {  	v15 =	vld [tilespmem:s21+$0x8000];
	v9 =	vmul.f32 v9, v8  }
0x132: {  	v10 =	vmul.f32 v10, v8;
	_ =	sdelay $0x1  }
.Ltmp2:
0x133: {  	v6 =	vadd.f32 v10, v6;
	v10 =	vmul.f32 v13, v8;
	(pc) =	sbr.rel @p0 .LBB2_8-.Ltmp2, $4  }
0x134: {  	v8 =	vmul.f32 v14, v8  }
0x135: {  	v11 =	vmul.f32 v11, v12;
	v12 =	vmul.f32 v15, v12;
	v7 =	vadd.f32 v10, v7  }
0x136: {  	v6 =	vmul.f32 v6, v4  }
0x137: {  	v8 =	vadd.f32 v8, v11;
	v9 =	vadd.f32 v9, v12;
	v7 =	vmul.f32 v7, v2  }
0x138: {  	_ = 	snop  }
0x139: {  	v2 =	vmul.f32 v9, v2;
	v4 =	vmul.f32 v8, v4;
	_ =	sdelay $0x1  }
0x13a: {  	v2 =	vadd.f32 v2, v6;
	v4 =	vadd.f32 v7, v4;
	_ =	sdelay $0x1  }
0x13b: {  	v2 =	vmul.f32 v2, v5;
	v3 =	vmul.f32 v4, v3;
	_ =	sdelay $0x1  }
0x13c: {  	v2 =	vadd.f32 v3, v2;
	_ =	sdelay $0x1  }
0x13d: {  	[tilespmem:s14+$0x0] =	vst v2  }
0x13e: {  	s10 =	simm.s32 $0x0;
	_ =	swait.ge [sflag:s25], $0x1000  }
0x13f: {  	s13 =	sand.u32 $0x70, s10;
	s21 =	sand.u32 $0x600, s10;
	[sflag:s25] =	ssyncset.done $0x0  }
0x140: {  	s13 =	sor.u32 s13, s21;
	[sflag:s25] =	ssyncadd.s32 $0xFFFFF000  }
0x141: {  	v2 =	vld [tilespmem:s13+$0x1100]  }
0x142: {  	v3 =	vld [tilespmem:s13+$0x1080]  }
0x143: {  	v4 =	vld [tilespmem:s13+$0x1000];
	_ =	sdelay $0x2  }
0x144: {  	v5 =	vmul.f32 v2, v1  }
0x145: {  	v6 =	vmul.f32 v3, v1  }
0x146: {  	v7 =	vmul.f32 v4, v1;
	v5 =	vtrunc.f32 v5  }
0x147: {  	v6 =	vtrunc.f32 v6;
	v5 =	vcvt.f32.s32 v5  }
0x148: {  	v7 =	vtrunc.f32 v7;
	v6 =	vcvt.f32.s32 v6  }
0x149: {  	v7 =	vcvt.f32.s32 v7;
	v8 =	vcvt.s32.f32 v5  }
0x14a: {  	v9 =	vcvt.s32.f32 v6  }
0x14b: {  	v10 =	vcvt.s32.f32 v7;
	v8 =	vmul.f32 v8, v0  }
0x14c: {  	v9 =	vmul.f32 v9, v0  }
0x14d: {  	v10 =	vmul.f32 v10, v0;
	v11 =	vadd.f32 v8, v0  }
0x14e: {  	v12 =	vadd.f32 v9, v0  }
0x14f: {  	v13 =	vadd.f32 v10, v0;
	v11 =	vsub.f32 v11, v8  }
0x150: {  	v12 =	vsub.f32 v12, v9  }
0x151: {  	v13 =	vsub.f32 v13, v10;
	(erf) = vrcp.f32 v11  }
0x152: {  	(erf) = vrcp.f32 v12  }
0x153: {  	(erf) = vrcp.f32 v13;
	_ =	sdelay $0x3  }
0x154: {  	v6 =	vmul.u32 $0x9E3779B1, v6  }
0x155: {  	v11 =	vmul.u32 $0x30025795, v5  }
0x156: {  	v2 =	vsub.f32 v2, v8;
	v5 =	vxor.u32 v7, v6  }
0x157: {  	v63 =	vadd.s32 $0x9E3779B1, v6;
	v3 =	vsub.f32 v3, v9;
	v8 =	vxor.u32 v11, v5;
	v9 =	vpop (erf)  }
0x158: {  	s16 =	simm.s32 $0x0;
	v4 =	vsub.f32 v4, v10;
	v8 =	vand.u32 $0x7FFFF, v8;
	v2 =	vmul.f32 v9, v2;
	v9 =	vpop (erf)  }
0x159: {  	v62 =	vadd.s32 $0x1, v7;
	v7 =	vxor.u32 v7, v63;
	[tilespmem:s16+$0x2C00] =	vst v8;
	v3 =	vmul.f32 v9, v3;
	v9 =	vpop (erf)  }
0x15a: {  	v6 =	vxor.u32 v62, v6;
	v10 =	vadd.s32 $0x30025795, v11;
	v9 =	vmul.f32 v9, v4;
	[tilespmem:s16+$0x2400] =	vst v2  }
0x15b: {  	v13 =	vxor.u32 v62, v63;
	v15 =	vxor.u32 v11, v7;
	v14 =	vxor.u32 v5, v10;
	[tilespmem:s16+$0x2200] =	vst v3  }
0x15c: {  	s13 =	sand.u32 $0x1F0, s10;
	v5 =	vxor.u32 v10, v13;
	v4 =	vxor.u32 v11, v13;
	v3 =	vor.u32 $0x80000, v8;
	[tilespmem:s16+$0x2000] =	vst v9  }
0x15d: {  	v2 =	vxor.u32 v10, v7;
	v7 =	vand.u32 $0x7FFFF, v15;
	v8 =	vand.u32 $0x7FFFF, v14;
	[tilespmem:s13+$0x3C00] =	vst v3  }
0x15e: {  	s15 =	simm.s32 $0x10;
	v3 =	vxor.u32 v11, v6;
	v6 =	vxor.u32 v6, v10;
	[tilespmem:s16+$0x2E00] =	vst v8;
	v8 =	vor.u32 $0x80000, v8  }
.LBB2_10:
0x15f: {  	p0 =	sne.s32 s15, $0x1F0  }
0x160: {  	[tilespmem:s13+$0x3E00] =	vst v8;
	s10 =	sadd.s32 $0x40, s10;
	s14 =	smov.u32 s15;
	s15 =	sadd.s32 $0x10, s15  }
0x161: {  	v5 =	vand.u32 $0x7FFFF, v5;
	[tilespmem:s16+$0x3000] =	vst v7;
	v7 =	vor.u32 $0x80000, v7  }
0x162: {  	[tilespmem:s13+$0x4000] =	vst v7;
	v7 =	vor.u32 $0x80000, v5  }
0x163: {  	v4 =	vand.u32 $0x7FFFF, v4;
	[tilespmem:s13+$0x4A00] =	vst v7  }
0x164: {  	v7 =	vor.u32 $0x80000, v4;
	[tilespmem:s13+$0x3A00] =	vst v5  }
0x165: {  	v5 =	vand.u32 $0x7FFFF, v6;
	[tilespmem:s13+$0x4800] =	vst v7  }
0x166: {  	v6 =	vor.u32 $0x80000, v5;
	[tilespmem:s13+$0x3800] =	vst v4  }
0x167: {  	v3 =	vand.u32 $0x7FFFF, v3;
	[tilespmem:s13+$0x4600] =	vst v6  }
0x168: {  	v4 =	vor.u32 $0x80000, v3;
	[tilespmem:s13+$0x3600] =	vst v5  }
0x169: {  	v2 =	vand.u32 $0x7FFFF, v2;
	[tilespmem:s13+$0x4400] =	vst v4  }
0x16a: {  	v4 =	vor.u32 $0x80000, v2;
	[tilespmem:s13+$0x3400] =	vst v3  }
0x16b: {  	s16 =	sand.u32 $0x70, s14;
	s21 =	sand.u32 $0x600, s10;
	[tilespmem:s13+$0x4200] =	vst v4  }
0x16c: {  	s16 =	sor.u32 s16, s21;
	[tilespmem:s13+$0x3200] =	vst v2  }
0x16d: {  	v2 =	vld [tilespmem:s16+$0x1100]  }
0x16e: {  	v3 =	vld [tilespmem:s16+$0x1080]  }
0x16f: {  	v4 =	vld [tilespmem:s16+$0x1000];
	_ =	sdelay $0x2  }
0x170: {  	v5 =	vmul.f32 v2, v1  }
0x171: {  	v6 =	vmul.f32 v3, v1  }
0x172: {  	v7 =	vmul.f32 v4, v1;
	v5 =	vtrunc.f32 v5  }
0x173: {  	v6 =	vtrunc.f32 v6;
	v5 =	vcvt.f32.s32 v5  }
0x174: {  	v7 =	vtrunc.f32 v7;
	v6 =	vcvt.f32.s32 v6  }
0x175: {  	v7 =	vcvt.f32.s32 v7;
	v8 =	vcvt.s32.f32 v5  }
0x176: {  	v9 =	vcvt.s32.f32 v6;
	v6 =	vmul.u32 $0x9E3779B1, v6  }
0x177: {  	v10 =	vcvt.s32.f32 v7;
	v8 =	vmul.f32 v8, v0  }
0x178: {  	v11 =	vmul.u32 $0x30025795, v5;
	v9 =	vmul.f32 v9, v0;
	v5 =	vxor.u32 v7, v6  }
0x179: {  	v10 =	vmul.f32 v10, v0;
	v12 =	vsub.f32 v2, v8;
	v2 =	vadd.f32 v8, v0  }
0x17a: {  	v14 =	vxor.u32 v11, v5;
	v13 =	vsub.f32 v3, v9;
	v3 =	vadd.f32 v9, v0  }
0x17b: {  	v15 =	vadd.f32 v10, v0;
	v2 =	vsub.f32 v2, v8;
	v8 =	vand.u32 $0x7FFFF, v14  }
0x17c: {  	v14 =	vsub.f32 v4, v10;
	v3 =	vsub.f32 v3, v9;
	v9 =	vadd.s32 $0x30025795, v11  }
0x17d: {  	v4 =	vsub.f32 v15, v10;
	v10 =	vxor.u32 v5, v9;
	(erf) = vrcp.f32 v2  }
0x17e: {  	v15 =	vadd.s32 $0x1, v7;
	v2 =	vadd.s32 $0x9E3779B1, v6;
	(erf) = vrcp.f32 v3  }
0x17f: {  	v3 =	vxor.u32 v7, v2;
	v2 =	vxor.u32 v15, v2;
	(erf) = vrcp.f32 v4  }
0x180: {  	v7 =	vxor.u32 v11, v3;
	v4 =	vxor.u32 v11, v2;
	v5 =	vxor.u32 v9, v2  }
0x181: {  	v6 =	vxor.u32 v15, v6;
	v2 =	vxor.u32 v9, v3;
	v7 =	vand.u32 $0x7FFFF, v7  }
0x182: {  	v3 =	vxor.u32 v11, v6;
	v6 =	vxor.u32 v6, v9;
	_ =	sdelay $0x3  }
0x183: {  	v9 =	vpop (erf)  }
0x184: {  	s16 =	sshra.s32 s10, $0x2;
	v9 =	vmul.f32 v9, v12;
	v11 =	vpop (erf)  }
0x185: {  	v11 =	vmul.f32 v11, v13;
	[tilespmem:s16+$0x2C00] =	vst v8;
	v12 =	vpop (erf)  }
.Ltmp3:
0x186: {  	v12 =	vmul.f32 v12, v14;
	[tilespmem:s16+$0x2400] =	vst v9;
	(pc) =	sbr.rel @p0 .LBB2_10-.Ltmp3, $4  }
0x187: {  	[tilespmem:s16+$0x2200] =	vst v11  }
0x188: {  	s13 =	sand.u32 $0x1F0, s14;
	v8 =	vor.u32 $0x80000, v8;
	[tilespmem:s16+$0x2000] =	vst v12  }
0x189: {  	[tilespmem:s13+$0x3C00] =	vst v8;
	v8 =	vand.u32 $0x7FFFF, v10  }
0x18a: {  	[tilespmem:s16+$0x2E00] =	vst v8;
	v8 =	vor.u32 $0x80000, v8  }
0x18b: {  	[tilespmem:s13+$0x3E00] =	vst v8  }
0x18c: {  	[tilespmem:s16+$0x3000] =	vst v7;
	v7 =	vor.u32 $0x80000, v7  }
0x18d: {  	v5 =	vand.u32 $0x7FFFF, v5;
	[tilespmem:s13+$0x4000] =	vst v7  }
0x18e: {  	v4 =	vand.u32 $0x7FFFF, v4;
	[tilespmem:s13+$0x3A00] =	vst v5  }
0x18f: {  	v3 =	vand.u32 $0x7FFFF, v3;
	[tilespmem:s13+$0x3800] =	vst v4  }
0x190: {  	v2 =	vand.u32 $0x7FFFF, v2;
	[tilespmem:s13+$0x3400] =	vst v3  }
0x191: {  	v7 =	vor.u32 $0x80000, v5;
	[tilespmem:s13+$0x3200] =	vst v2  }
0x192: {  	v5 =	vand.u32 $0x7FFFF, v6;
	[tilespmem:s13+$0x4A00] =	vst v7  }
0x193: {  	v7 =	vor.u32 $0x80000, v4;
	[tilespmem:s13+$0x3600] =	vst v5  }
0x194: {  	v6 =	vor.u32 $0x80000, v5;
	[tilespmem:s13+$0x4800] =	vst v7  }
0x195: {  	v4 =	vor.u32 $0x80000, v3;
	[tilespmem:s13+$0x4600] =	vst v6  }
0x196: {  	[tilespmem:s13+$0x4400] =	vst v4;
	v4 =	vor.u32 $0x80000, v2  }
0x197: {  	[tilespmem:s13+$0x4200] =	vst v4  }
0x198: {  	[tilespmem:s20], [sflag:$0x1] =	stream.indirect.gather [spmem:s3], $0x1, s19, s18, $0xb8;
	[tilespmem:$0x1BC80] =	vst v63  }
0x199: {  	_ =	swait.ge [sflag:s26], $0x2000  }
0x19a: {  	[sflag:s26] =	ssyncset.done $0x0  }
0x19b: {  	s10 =	simm.s32 $0x9000;
	[sflag:s26] =	ssyncadd.s32 $0xFFFFE000  }
0x19c: {  	s21 =	simm.s32 $0x0;
	v3 =	vld [tilespmem:s10+$0x0]  }
0x19d: {  	s13 =	sand.u32 $0x1F0, s21;
	v4 =	vld [tilespmem:s10+$0x200]  }
0x19e: {  	v5 =	vld [tilespmem:s13+$0x9800]  }
0x19f: {  	v6 =	vld [tilespmem:s13+$0x9A00]  }
0x1a0: {  	s15 =	simm.s32 $0x2800;
	v7 =	vld [tilespmem:s13+$0x9600]  }
0x1a1: {  	v8 =	vld [tilespmem:s15+$0xFFFFFE00]  }
0x1a2: {  	v9 =	vld [tilespmem:s13+$0x9400]  }
0x1a3: {  	v10 =	vld [tilespmem:s10+$0xFFFFFC00]  }
0x1a4: {  	v11 =	vld [tilespmem:s10+$0xFFFFFE00]  }
0x1a5: {  	v2 =	vld [tilespmem:s15+$0x0];
	_ =	sdelay $0x1  }
0x1a6: {  	v12 =	vsub.f32 $1.000000000e+00, v8;
	v7 =	vmul.f32 v7, v8;
	v6 =	vmul.f32 v6, v8  }
0x1a7: {  	v9 =	vmul.f32 v9, v8;
	v5 =	vmul.f32 v5, v8  }
0x1a8: {  	v10 =	vmul.f32 v10, v12;
	v13 =	vmul.f32 v3, v12  }
0x1a9: {  	v14 =	vmul.f32 v4, v12;
	v11 =	vmul.f32 v11, v12;
	v3 =	vld [tilespmem:s15+$0x200];
	v4 =	vsub.f32 $1.000000000e+00, v2  }
0x1aa: {  	v9 =	vadd.f32 v9, v10;
	v5 =	vadd.f32 v5, v13  }
0x1ab: {  	v7 =	vadd.f32 v7, v11;
	v6 =	vadd.f32 v6, v14  }
0x1ac: {  	v9 =	vmul.f32 v9, v4;
	v10 =	vmul.f32 v5, v2  }
0x1ad: {  	v7 =	vmul.f32 v7, v4;
	v6 =	vmul.f32 v6, v2  }
0x1ae: {  	v5 =	vsub.f32 $1.000000000e+00, v3  }
0x1af: {  	v9 =	vadd.f32 v10, v9;
	v6 =	vadd.f32 v6, v7;
	_ =	sdelay $0x1  }
0x1b0: {  	v7 =	vmul.f32 v9, v5;
	v6 =	vmul.f32 v6, v3;
	_ =	sdelay $0x1  }
0x1b1: {  	v6 =	vadd.f32 v6, v7  }
0x1b2: {  	s16 =	simm.s32 $0xB200  }
0x1b3: {  	[tilespmem:s16+$0xFFFFFC00] =	vst v6  }
0x1b4: {  	v6 =	vld [tilespmem:s13+$0x9C00]  }
0x1b5: {  	v7 =	vld [tilespmem:s13+$0xA200]  }
0x1b6: {  	v9 =	vld [tilespmem:s13+$0xA800]  }
0x1b7: {  	v10 =	vld [tilespmem:s13+$0xA400]  }
0x1b8: {  	v11 =	vld [tilespmem:s13+$0x9E00]  }
0x1b9: {  	v62 =	vld [tilespmem:s13+$0xAA00]  }
0x1ba: {  	v63 =	vld [tilespmem:s13+$0xA600]  }
0x1bb: {  	v15 =	vld [tilespmem:s13+$0xA000];
	_ =	sdelay $0x1  }
0x1bc: {  	v6 =	vmul.f32 v6, v12;
	v10 =	vmul.f32 v10, v8  }
0x1bd: {  	v7 =	vmul.f32 v7, v12;
	v13 =	vmul.f32 v62, v8  }
0x1be: {  	v9 =	vmul.f32 v9, v8;
	v8 =	vmul.f32 v63, v8;
	v6 =	vadd.f32 v10, v6  }
0x1bf: {  	v10 =	vmul.f32 v11, v12;
	v11 =	vmul.f32 v15, v12;
	v7 =	vadd.f32 v13, v7  }
0x1c0: {  	v6 =	vmul.f32 v6, v4  }
0x1c1: {  	s14 =	simm.s32 $0xB200;
	s13 =	simm.s32 $0x10;
	v8 =	vadd.f32 v8, v10;
	v9 =	vadd.f32 v9, v11;
	v7 =	vmul.f32 v7, v2  }
.LBB2_12:
0x1c2: {  	s16 =	sadd.s32 $0x10, s16;
	s10 =	sadd.s32 $0x10, s10;
	s15 =	sadd.s32 $0x10, s15  }
0x1c3: {  	p0 =	sne.s32 s13, $0x1F0;
	s21 =	smov.u32 s13;
	s13 =	sadd.s32 $0x10, s13;
	v2 =	vmul.f32 v9, v2;
	v4 =	vmul.f32 v8, v4  }
0x1c4: {  	_ = 	snop  }
0x1c5: {  	v2 =	vadd.f32 v2, v6;
	v4 =	vadd.f32 v7, v4;
	_ =	sdelay $0x1  }
0x1c6: {  	v2 =	vmul.f32 v2, v5;
	v3 =	vmul.f32 v4, v3;
	_ =	sdelay $0x1  }
0x1c7: {  	v2 =	vadd.f32 v3, v2;
	_ =	sdelay $0x1  }
0x1c8: {  	[tilespmem:s14+$0x0] =	vst v2;
	s14 =	smov.u32 s16  }
0x1c9: {  	v3 =	vld [tilespmem:s10+$0x0]  }
0x1ca: {  	s21 =	sand.u32 $0x1F0, s21;
	v4 =	vld [tilespmem:s10+$0x200]  }
0x1cb: {  	v5 =	vld [tilespmem:s21+$0x9800]  }
0x1cc: {  	v6 =	vld [tilespmem:s21+$0x9A00]  }
0x1cd: {  	v7 =	vld [tilespmem:s21+$0x9600]  }
0x1ce: {  	v8 =	vld [tilespmem:s15+$0xFFFFFE00]  }
0x1cf: {  	v9 =	vld [tilespmem:s21+$0x9400]  }
0x1d0: {  	v10 =	vld [tilespmem:s10+$0xFFFFFC00]  }
0x1d1: {  	v11 =	vld [tilespmem:s10+$0xFFFFFE00]  }
0x1d2: {  	v2 =	vld [tilespmem:s15+$0x0]  }
0x1d3: {  	v12 =	vsub.f32 $1.000000000e+00, v8;
	v7 =	vmul.f32 v7, v8;
	v6 =	vmul.f32 v6, v8  }
0x1d4: {  	v5 =	vmul.f32 v5, v8;
	v9 =	vmul.f32 v9, v8  }
0x1d5: {  	v10 =	vmul.f32 v10, v12;
	v13 =	vmul.f32 v4, v12  }
0x1d6: {  	v14 =	vmul.f32 v3, v12;
	v11 =	vmul.f32 v11, v12  }
0x1d7: {  	v3 =	vld [tilespmem:s15+$0x200];
	v4 =	vsub.f32 $1.000000000e+00, v2;
	v9 =	vadd.f32 v9, v10  }
0x1d8: {  	v5 =	vadd.f32 v5, v14;
	v7 =	vadd.f32 v7, v11  }
0x1d9: {  	v6 =	vadd.f32 v6, v13;
	v9 =	vmul.f32 v9, v4  }
0x1da: {  	v10 =	vmul.f32 v5, v2;
	v7 =	vmul.f32 v7, v4  }
0x1db: {  	v6 =	vmul.f32 v6, v2  }
0x1dc: {  	v9 =	vadd.f32 v10, v9;
	v5 =	vsub.f32 $1.000000000e+00, v3  }
0x1dd: {  	v6 =	vadd.f32 v6, v7  }
0x1de: {  	v7 =	vmul.f32 v9, v5  }
0x1df: {  	v6 =	vmul.f32 v6, v3;
	_ =	sdelay $0x1  }
0x1e0: {  	v6 =	vadd.f32 v6, v7;
	_ =	sdelay $0x1  }
0x1e1: {  	[tilespmem:s16+$0xFFFFFC00] =	vst v6  }
0x1e2: {  	v6 =	vld [tilespmem:s21+$0x9C00]  }
0x1e3: {  	v7 =	vld [tilespmem:s21+$0xA200]  }
0x1e4: {  	v9 =	vld [tilespmem:s21+$0xA800]  }
0x1e5: {  	v10 =	vld [tilespmem:s21+$0xA400]  }
0x1e6: {  	v11 =	vld [tilespmem:s21+$0x9E00]  }
0x1e7: {  	v13 =	vld [tilespmem:s21+$0xAA00];
	v6 =	vmul.f32 v6, v12  }
0x1e8: {  	v14 =	vld [tilespmem:s21+$0xA600];
	v7 =	vmul.f32 v7, v12  }
0x1e9: {  	v15 =	vld [tilespmem:s21+$0xA000];
	v9 =	vmul.f32 v9, v8  }
0x1ea: {  	v10 =	vmul.f32 v10, v8;
	_ =	sdelay $0x1  }
.Ltmp4:
0x1eb: {  	v6 =	vadd.f32 v10, v6;
	v10 =	vmul.f32 v13, v8;
	(pc) =	sbr.rel @p0 .LBB2_12-.Ltmp4, $4  }
0x1ec: {  	v8 =	vmul.f32 v14, v8  }
0x1ed: {  	v11 =	vmul.f32 v11, v12;
	v12 =	vmul.f32 v15, v12;
	v7 =	vadd.f32 v10, v7  }
0x1ee: {  	v6 =	vmul.f32 v6, v4  }
0x1ef: {  	v8 =	vadd.f32 v8, v11;
	v9 =	vadd.f32 v9, v12;
	v7 =	vmul.f32 v7, v2  }
0x1f0: {  	_ = 	snop  }
0x1f1: {  	v2 =	vmul.f32 v9, v2;
	v4 =	vmul.f32 v8, v4;
	_ =	sdelay $0x1  }
0x1f2: {  	v2 =	vadd.f32 v2, v6;
	v4 =	vadd.f32 v7, v4;
	_ =	sdelay $0x1  }
0x1f3: {  	v2 =	vmul.f32 v2, v5;
	v3 =	vmul.f32 v4, v3;
	_ =	sdelay $0x1  }
0x1f4: {  	s9 =	sor.u32 s6, s9;
	v2 =	vadd.f32 v3, v2  }
0x1f5: {  	s10 =	sshrl.u32 s9, $0x3  }
0x1f6: {  	s9 =	simm.s32 $0x0;
	s13 =	sadd.s32 s7, s10;
	[tilespmem:s14+$0x0] =	vst v2;
	s14 =	sshll.u32 s5, $0x1  }
0x1f7: {  	[hbm4b:s13+s9] =	stream.linear.scatter [tilespmem:s28], [sflag:$0x5], $0x400, $0x38;
	[tilespmem:$0x1BC80] =	vst v63  }
0x1f8: {  	s10 =	sor.u32 $0x10000, s10;
	s13 =	smin.u32 s14, $0xD  }
0x1f9: {  	s10 =	sadd.s32 s7, s10;
	s15 =	sshll.u32 s13, $0xC  }
0x1fa: {  	[hbm4b:s10+s9] =	stream.linear.scatter [tilespmem:s29], [sflag:$0x5], $0x400, $0x38;
	[tilespmem:$0x1BC80] =	vst v63  }
0x1fb: {  	s10 =	sadd.s32 s15, s11  }
0x1fc: {  	s10 =	sshrl.u32 s10, $0x3  }
0x1fd: {  	s16 =	simm.s32 $0x800;
	s10 =	sadd.s32 s1, s10  }
0x1fe: {  	[tilespmem:s9], [sflag:$0x3] =	stream.linear.gather [hbm4b:s10+s9], $0x1000, $0x38;
	[tilespmem:$0x1BC80] =	vst v63  }
0x1ff: {  	s21 =	sand.u32 $0x70, s9;
	s10 =	sand.u32 $0xE00, s16  }
0x200: {  	s10 =	sor.u32 s21, s10  }
0x201: {  	v2 =	vld [tilespmem:s10+$0x1100]  }
0x202: {  	v3 =	vld [tilespmem:s10+$0x1080]  }
0x203: {  	v4 =	vld [tilespmem:s10+$0x1000];
	_ =	sdelay $0x2  }
0x204: {  	v5 =	vmul.f32 v2, v1  }
0x205: {  	v6 =	vmul.f32 v3, v1  }
0x206: {  	v7 =	vmul.f32 v4, v1;
	v5 =	vtrunc.f32 v5  }
0x207: {  	v6 =	vtrunc.f32 v6;
	v5 =	vcvt.f32.s32 v5  }
0x208: {  	v7 =	vtrunc.f32 v7;
	v6 =	vcvt.f32.s32 v6  }
0x209: {  	v7 =	vcvt.f32.s32 v7;
	v8 =	vcvt.s32.f32 v5  }
0x20a: {  	v9 =	vcvt.s32.f32 v6  }
0x20b: {  	v10 =	vcvt.s32.f32 v7;
	v8 =	vmul.f32 v8, v0  }
0x20c: {  	v9 =	vmul.f32 v9, v0  }
0x20d: {  	v10 =	vmul.f32 v10, v0;
	v11 =	vadd.f32 v8, v0  }
0x20e: {  	v12 =	vadd.f32 v9, v0  }
0x20f: {  	v13 =	vadd.f32 v10, v0;
	v11 =	vsub.f32 v11, v8  }
0x210: {  	v12 =	vsub.f32 v12, v9  }
0x211: {  	v13 =	vsub.f32 v13, v10;
	(erf) = vrcp.f32 v11  }
0x212: {  	(erf) = vrcp.f32 v12  }
0x213: {  	(erf) = vrcp.f32 v13;
	_ =	sdelay $0x3  }
0x214: {  	v6 =	vmul.u32 $0x9E3779B1, v6  }
0x215: {  	v11 =	vmul.u32 $0x30025795, v5  }
0x216: {  	v2 =	vsub.f32 v2, v8;
	v5 =	vxor.u32 v7, v6  }
0x217: {  	v63 =	vadd.s32 $0x9E3779B1, v6;
	v3 =	vsub.f32 v3, v9;
	v8 =	vxor.u32 v11, v5;
	v9 =	vpop (erf)  }
0x218: {  	s15 =	simm.s32 $0x200;
	v4 =	vsub.f32 v4, v10;
	v8 =	vand.u32 $0x7FFFF, v8;
	v2 =	vmul.f32 v9, v2;
	v9 =	vpop (erf)  }
0x219: {  	v62 =	vadd.s32 $0x1, v7;
	v7 =	vxor.u32 v7, v63;
	[tilespmem:s15+$0x4A00] =	vst v8;
	v3 =	vmul.f32 v9, v3;
	v9 =	vpop (erf)  }
0x21a: {  	v6 =	vxor.u32 v62, v6;
	v10 =	vadd.s32 $0x30025795, v11;
	v9 =	vmul.f32 v9, v4;
	[tilespmem:s15+$0x2800] =	vst v2  }
0x21b: {  	v13 =	vxor.u32 v62, v63;
	v15 =	vxor.u32 v11, v7;
	v14 =	vxor.u32 v5, v10;
	[tilespmem:s15+$0x2600] =	vst v3  }
0x21c: {  	s14 =	sand.u32 $0x1F0, s9;
	v5 =	vxor.u32 v10, v13;
	v4 =	vxor.u32 v11, v13;
	v3 =	vor.u32 $0x80000, v8;
	[tilespmem:s15+$0x2400] =	vst v9  }
0x21d: {  	v2 =	vxor.u32 v10, v7;
	v7 =	vand.u32 $0x7FFFF, v15;
	v8 =	vand.u32 $0x7FFFF, v14;
	[tilespmem:s14+$0x5C00] =	vst v3  }
0x21e: {  	s10 =	simm.s32 $0x840;
	v3 =	vxor.u32 v11, v6;
	v6 =	vxor.u32 v6, v10;
	[tilespmem:s15+$0x4C00] =	vst v8;
	v8 =	vor.u32 $0x80000, v8  }
.LBB2_14:
0x21f: {  	p0 =	sne.s32 s10, $0xFC0  }
0x220: {  	[tilespmem:s14+$0x5E00] =	vst v8;
	s9 =	sadd.s32 $0x10, s9;
	s13 =	smov.u32 s10;
	s10 =	sadd.s32 $0x40, s10  }
0x221: {  	v5 =	vand.u32 $0x7FFFF, v5;
	[tilespmem:s15+$0x4E00] =	vst v7;
	v7 =	vor.u32 $0x80000, v7  }
0x222: {  	[tilespmem:s14+$0x6000] =	vst v7;
	v7 =	vor.u32 $0x80000, v5  }
0x223: {  	v4 =	vand.u32 $0x7FFFF, v4;
	[tilespmem:s14+$0x6A00] =	vst v7  }
0x224: {  	v7 =	vor.u32 $0x80000, v4;
	[tilespmem:s14+$0x5A00] =	vst v5  }
0x225: {  	v5 =	vand.u32 $0x7FFFF, v6;
	[tilespmem:s14+$0x6800] =	vst v7  }
0x226: {  	v6 =	vor.u32 $0x80000, v5;
	[tilespmem:s14+$0x5800] =	vst v4  }
0x227: {  	v3 =	vand.u32 $0x7FFFF, v3;
	[tilespmem:s14+$0x6600] =	vst v6  }
0x228: {  	v4 =	vor.u32 $0x80000, v3;
	[tilespmem:s14+$0x5600] =	vst v5  }
0x229: {  	v2 =	vand.u32 $0x7FFFF, v2;
	[tilespmem:s14+$0x6400] =	vst v4  }
0x22a: {  	v4 =	vor.u32 $0x80000, v2;
	[tilespmem:s14+$0x5400] =	vst v3  }
0x22b: {  	s15 =	sand.u32 $0x70, s9;
	s16 =	sand.u32 $0xE00, s13;
	[tilespmem:s14+$0x6200] =	vst v4  }
0x22c: {  	s15 =	sor.u32 s15, s16;
	[tilespmem:s14+$0x5200] =	vst v2  }
0x22d: {  	v2 =	vld [tilespmem:s15+$0x1100]  }
0x22e: {  	v3 =	vld [tilespmem:s15+$0x1080]  }
0x22f: {  	v4 =	vld [tilespmem:s15+$0x1000];
	_ =	sdelay $0x2  }
0x230: {  	v5 =	vmul.f32 v2, v1  }
0x231: {  	v6 =	vmul.f32 v3, v1  }
0x232: {  	v7 =	vmul.f32 v4, v1;
	v5 =	vtrunc.f32 v5  }
0x233: {  	v6 =	vtrunc.f32 v6;
	v5 =	vcvt.f32.s32 v5  }
0x234: {  	v7 =	vtrunc.f32 v7;
	v6 =	vcvt.f32.s32 v6  }
0x235: {  	v7 =	vcvt.f32.s32 v7;
	v8 =	vcvt.s32.f32 v5  }
0x236: {  	v9 =	vcvt.s32.f32 v6;
	v6 =	vmul.u32 $0x9E3779B1, v6  }
0x237: {  	v10 =	vcvt.s32.f32 v7;
	v8 =	vmul.f32 v8, v0  }
0x238: {  	v11 =	vmul.u32 $0x30025795, v5;
	v9 =	vmul.f32 v9, v0;
	v5 =	vxor.u32 v7, v6  }
0x239: {  	v10 =	vmul.f32 v10, v0;
	v12 =	vsub.f32 v2, v8;
	v2 =	vadd.f32 v8, v0  }
0x23a: {  	v14 =	vxor.u32 v11, v5;
	v13 =	vsub.f32 v3, v9;
	v3 =	vadd.f32 v9, v0  }
0x23b: {  	v15 =	vadd.f32 v10, v0;
	v2 =	vsub.f32 v2, v8;
	v8 =	vand.u32 $0x7FFFF, v14  }
0x23c: {  	v14 =	vsub.f32 v4, v10;
	v3 =	vsub.f32 v3, v9;
	v9 =	vadd.s32 $0x30025795, v11  }
0x23d: {  	v4 =	vsub.f32 v15, v10;
	v10 =	vxor.u32 v5, v9;
	(erf) = vrcp.f32 v2  }
0x23e: {  	v15 =	vadd.s32 $0x1, v7;
	v2 =	vadd.s32 $0x9E3779B1, v6;
	(erf) = vrcp.f32 v3  }
0x23f: {  	v3 =	vxor.u32 v7, v2;
	v2 =	vxor.u32 v15, v2;
	(erf) = vrcp.f32 v4  }
0x240: {  	v7 =	vxor.u32 v11, v3;
	v4 =	vxor.u32 v11, v2;
	v5 =	vxor.u32 v9, v2  }
0x241: {  	v6 =	vxor.u32 v15, v6;
	v2 =	vxor.u32 v9, v3;
	v7 =	vand.u32 $0x7FFFF, v7  }
0x242: {  	v3 =	vxor.u32 v11, v6;
	v6 =	vxor.u32 v6, v9;
	_ =	sdelay $0x3  }
0x243: {  	v9 =	vpop (erf)  }
0x244: {  	s15 =	sshra.s32 s13, $0x2;
	v9 =	vmul.f32 v9, v12;
	v11 =	vpop (erf)  }
0x245: {  	v11 =	vmul.f32 v11, v13;
	[tilespmem:s15+$0x4A00] =	vst v8;
	v12 =	vpop (erf)  }
.Ltmp5:
0x246: {  	v12 =	vmul.f32 v12, v14;
	[tilespmem:s15+$0x2800] =	vst v9;
	(pc) =	sbr.rel @p0 .LBB2_14-.Ltmp5, $4  }
0x247: {  	[tilespmem:s15+$0x2600] =	vst v11  }
0x248: {  	s14 =	sand.u32 $0x1F0, s9;
	v8 =	vor.u32 $0x80000, v8;
	[tilespmem:s15+$0x2400] =	vst v12  }
0x249: {  	[tilespmem:s14+$0x5C00] =	vst v8;
	v8 =	vand.u32 $0x7FFFF, v10  }
0x24a: {  	[tilespmem:s15+$0x4C00] =	vst v8;
	v8 =	vor.u32 $0x80000, v8  }
0x24b: {  	[tilespmem:s14+$0x5E00] =	vst v8  }
0x24c: {  	[tilespmem:s15+$0x4E00] =	vst v7;
	v7 =	vor.u32 $0x80000, v7  }
0x24d: {  	v5 =	vand.u32 $0x7FFFF, v5;
	[tilespmem:s14+$0x6000] =	vst v7  }
0x24e: {  	v4 =	vand.u32 $0x7FFFF, v4;
	[tilespmem:s14+$0x5A00] =	vst v5  }
0x24f: {  	v3 =	vand.u32 $0x7FFFF, v3;
	[tilespmem:s14+$0x5800] =	vst v4  }
0x250: {  	v2 =	vand.u32 $0x7FFFF, v2;
	[tilespmem:s14+$0x5400] =	vst v3  }
0x251: {  	v7 =	vor.u32 $0x80000, v5;
	[tilespmem:s14+$0x5200] =	vst v2  }
0x252: {  	v5 =	vand.u32 $0x7FFFF, v6;
	[tilespmem:s14+$0x6A00] =	vst v7  }
0x253: {  	v7 =	vor.u32 $0x80000, v4;
	[tilespmem:s14+$0x5600] =	vst v5  }
0x254: {  	v6 =	vor.u32 $0x80000, v5;
	[tilespmem:s14+$0x6800] =	vst v7  }
0x255: {  	v4 =	vor.u32 $0x80000, v3;
	[tilespmem:s14+$0x6600] =	vst v6  }
0x256: {  	[tilespmem:s14+$0x6400] =	vst v4;
	v4 =	vor.u32 $0x80000, v2  }
0x257: {  	[tilespmem:s14+$0x6200] =	vst v4  }
0x258: {  	[tilespmem:s23], [sflag:$0x2] =	stream.indirect.gather [spmem:s3], $0x1, s22, s18, $0xb8;
	[tilespmem:$0x1BC80] =	vst v63  }
0x259: {  	_ =	swait.ge [sflag:s24], $0x2000  }
0x25a: {  	[sflag:s24] =	ssyncset.done $0x0  }
0x25b: {  	s10 =	simm.s32 $0x0;
	s9 =	simm.s32 $0x6E00;
	[sflag:s24] =	ssyncadd.s32 $0xFFFFE000  }
0x25c: {  	s13 =	sand.u32 $0x1F0, s10;
	v3 =	vld [tilespmem:s9+$0x200]  }
0x25d: {  	v4 =	vld [tilespmem:s13+$0x7200]  }
0x25e: {  	v5 =	vld [tilespmem:s13+$0x7800]  }
0x25f: {  	v6 =	vld [tilespmem:s13+$0x7A00]  }
0x260: {  	s10 =	simm.s32 $0x2200;
	v7 =	vld [tilespmem:s13+$0x7600]  }
0x261: {  	v8 =	vld [tilespmem:s10+$0xFFFFFE00]  }
0x262: {  	v9 =	vld [tilespmem:s13+$0x7400]  }
0x263: {  	v10 =	vld [tilespmem:s9+$0xFFFFFE00]  }
0x264: {  	v11 =	vld [tilespmem:s9+$0x0]  }
0x265: {  	v2 =	vld [tilespmem:s10+$0x0];
	_ =	sdelay $0x1  }
0x266: {  	v12 =	vsub.f32 $1.000000000e+00, v8;
	v7 =	vmul.f32 v7, v8;
	v6 =	vmul.f32 v6, v8  }
0x267: {  	v9 =	vmul.f32 v9, v8;
	v5 =	vmul.f32 v5, v8  }
0x268: {  	v10 =	vmul.f32 v10, v12;
	v13 =	vmul.f32 v3, v12  }
0x269: {  	v14 =	vmul.f32 v4, v12;
	v11 =	vmul.f32 v11, v12;
	v3 =	vld [tilespmem:s10+$0x200];
	v4 =	vsub.f32 $1.000000000e+00, v2  }
0x26a: {  	v9 =	vadd.f32 v9, v10;
	v5 =	vadd.f32 v5, v13  }
0x26b: {  	v7 =	vadd.f32 v7, v11;
	v6 =	vadd.f32 v6, v14  }
0x26c: {  	v9 =	vmul.f32 v9, v4;
	v10 =	vmul.f32 v5, v2  }
0x26d: {  	v7 =	vmul.f32 v7, v4;
	v6 =	vmul.f32 v6, v2  }
0x26e: {  	v5 =	vsub.f32 $1.000000000e+00, v3  }
0x26f: {  	v9 =	vadd.f32 v10, v9;
	v6 =	vadd.f32 v6, v7;
	_ =	sdelay $0x1  }
0x270: {  	v7 =	vmul.f32 v9, v5;
	v6 =	vmul.f32 v6, v3;
	_ =	sdelay $0x1  }
0x271: {  	v6 =	vadd.f32 v6, v7  }
0x272: {  	s15 =	simm.s32 $0xB800  }
0x273: {  	[tilespmem:s15+$0xFFFFFC00] =	vst v6  }
0x274: {  	v6 =	vld [tilespmem:s13+$0x7C00]  }
0x275: {  	v7 =	vld [tilespmem:s13+$0x8200]  }
0x276: {  	v9 =	vld [tilespmem:s13+$0x8800]  }
0x277: {  	v10 =	vld [tilespmem:s13+$0x8400]  }
0x278: {  	v11 =	vld [tilespmem:s13+$0x7E00]  }
0x279: {  	v62 =	vld [tilespmem:s13+$0x8A00]  }
0x27a: {  	v63 =	vld [tilespmem:s13+$0x8600]  }
0x27b: {  	v15 =	vld [tilespmem:s13+$0x8000];
	_ =	sdelay $0x1  }
0x27c: {  	v6 =	vmul.f32 v6, v12;
	v10 =	vmul.f32 v10, v8  }
0x27d: {  	v7 =	vmul.f32 v7, v12;
	v13 =	vmul.f32 v62, v8  }
0x27e: {  	v9 =	vmul.f32 v9, v8;
	v8 =	vmul.f32 v63, v8;
	v6 =	vadd.f32 v10, v6  }
0x27f: {  	v10 =	vmul.f32 v11, v12;
	v11 =	vmul.f32 v15, v12;
	v7 =	vadd.f32 v13, v7  }
0x280: {  	v6 =	vmul.f32 v6, v4  }
0x281: {  	s14 =	simm.s32 $0xB800;
	s13 =	simm.s32 $0x10;
	v8 =	vadd.f32 v8, v10;
	v9 =	vadd.f32 v9, v11;
	v7 =	vmul.f32 v7, v2  }
.LBB2_16:
0x282: {  	s15 =	sadd.s32 $0x10, s15;
	s10 =	sadd.s32 $0x10, s10;
	s9 =	sadd.s32 $0x10, s9  }
0x283: {  	p0 =	sne.s32 s13, $0x1F0;
	s16 =	smov.u32 s13;
	s13 =	sadd.s32 $0x10, s13;
	v2 =	vmul.f32 v9, v2;
	v4 =	vmul.f32 v8, v4  }
0x284: {  	_ = 	snop  }
0x285: {  	v2 =	vadd.f32 v2, v6;
	v4 =	vadd.f32 v7, v4;
	_ =	sdelay $0x1  }
0x286: {  	v2 =	vmul.f32 v2, v5;
	v3 =	vmul.f32 v4, v3;
	_ =	sdelay $0x1  }
0x287: {  	v2 =	vadd.f32 v3, v2;
	_ =	sdelay $0x1  }
0x288: {  	[tilespmem:s14+$0x0] =	vst v2;
	s14 =	smov.u32 s15  }
0x289: {  	s16 =	sand.u32 $0x1F0, s16;
	v3 =	vld [tilespmem:s9+$0x200]  }
0x28a: {  	v4 =	vld [tilespmem:s16+$0x7200]  }
0x28b: {  	v5 =	vld [tilespmem:s16+$0x7800]  }
0x28c: {  	v6 =	vld [tilespmem:s16+$0x7A00]  }
0x28d: {  	v7 =	vld [tilespmem:s16+$0x7600]  }
0x28e: {  	v8 =	vld [tilespmem:s10+$0xFFFFFE00]  }
0x28f: {  	v9 =	vld [tilespmem:s16+$0x7400]  }
0x290: {  	v10 =	vld [tilespmem:s9+$0xFFFFFE00]  }
0x291: {  	v11 =	vld [tilespmem:s9+$0x0]  }
0x292: {  	v2 =	vld [tilespmem:s10+$0x0]  }
0x293: {  	v12 =	vsub.f32 $1.000000000e+00, v8;
	v7 =	vmul.f32 v7, v8;
	v6 =	vmul.f32 v6, v8  }
0x294: {  	v5 =	vmul.f32 v5, v8;
	v9 =	vmul.f32 v9, v8  }
0x295: {  	v10 =	vmul.f32 v10, v12;
	v13 =	vmul.f32 v4, v12  }
0x296: {  	v14 =	vmul.f32 v3, v12;
	v11 =	vmul.f32 v11, v12  }
0x297: {  	v3 =	vld [tilespmem:s10+$0x200];
	v4 =	vsub.f32 $1.000000000e+00, v2;
	v9 =	vadd.f32 v9, v10  }
0x298: {  	v5 =	vadd.f32 v5, v14;
	v7 =	vadd.f32 v7, v11  }
0x299: {  	v6 =	vadd.f32 v6, v13;
	v9 =	vmul.f32 v9, v4  }
0x29a: {  	v10 =	vmul.f32 v5, v2;
	v7 =	vmul.f32 v7, v4  }
0x29b: {  	v6 =	vmul.f32 v6, v2  }
0x29c: {  	v9 =	vadd.f32 v10, v9;
	v5 =	vsub.f32 $1.000000000e+00, v3  }
0x29d: {  	v6 =	vadd.f32 v6, v7  }
0x29e: {  	v7 =	vmul.f32 v9, v5  }
0x29f: {  	v6 =	vmul.f32 v6, v3;
	_ =	sdelay $0x1  }
0x2a0: {  	v6 =	vadd.f32 v6, v7;
	_ =	sdelay $0x1  }
0x2a1: {  	[tilespmem:s15+$0xFFFFFC00] =	vst v6  }
0x2a2: {  	v6 =	vld [tilespmem:s16+$0x7C00]  }
0x2a3: {  	v7 =	vld [tilespmem:s16+$0x8200]  }
0x2a4: {  	v9 =	vld [tilespmem:s16+$0x8800]  }
0x2a5: {  	v10 =	vld [tilespmem:s16+$0x8400]  }
0x2a6: {  	v11 =	vld [tilespmem:s16+$0x7E00]  }
0x2a7: {  	v13 =	vld [tilespmem:s16+$0x8A00];
	v6 =	vmul.f32 v6, v12  }
0x2a8: {  	v14 =	vld [tilespmem:s16+$0x8600];
	v7 =	vmul.f32 v7, v12  }
0x2a9: {  	v15 =	vld [tilespmem:s16+$0x8000];
	v9 =	vmul.f32 v9, v8  }
0x2aa: {  	v10 =	vmul.f32 v10, v8;
	_ =	sdelay $0x1  }
.Ltmp6:
0x2ab: {  	v6 =	vadd.f32 v10, v6;
	v10 =	vmul.f32 v13, v8;
	(pc) =	sbr.rel @p0 .LBB2_16-.Ltmp6, $4  }
0x2ac: {  	v8 =	vmul.f32 v14, v8  }
0x2ad: {  	v11 =	vmul.f32 v11, v12;
	v12 =	vmul.f32 v15, v12;
	v7 =	vadd.f32 v10, v7  }
0x2ae: {  	v6 =	vmul.f32 v6, v4  }
0x2af: {  	v8 =	vadd.f32 v8, v11;
	v9 =	vadd.f32 v9, v12;
	v7 =	vmul.f32 v7, v2  }
0x2b0: {  	_ = 	snop  }
0x2b1: {  	v2 =	vmul.f32 v9, v2;
	v4 =	vmul.f32 v8, v4;
	_ =	sdelay $0x1  }
0x2b2: {  	v2 =	vadd.f32 v2, v6;
	v4 =	vadd.f32 v7, v4;
	_ =	sdelay $0x1  }
0x2b3: {  	v2 =	vmul.f32 v2, v5;
	v3 =	vmul.f32 v4, v3;
	_ =	sdelay $0x1  }
0x2b4: {  	v2 =	vadd.f32 v3, v2;
	_ =	sdelay $0x1  }
0x2b5: {  	[tilespmem:s14+$0x0] =	vst v2  }
0x2b6: {  	s9 =	simm.s32 $0x0;
	_ =	swait.ge [sflag:s17], $0x1000  }
0x2b7: {  	s10 =	sand.u32 $0x70, s9;
	s13 =	sand.u32 $0x600, s9;
	[sflag:s17] =	ssyncset.done $0x0  }
0x2b8: {  	s10 =	sor.u32 s10, s13;
	[sflag:s17] =	ssyncadd.s32 $0xFFFFF000  }
0x2b9: {  	v2 =	vld [tilespmem:s10+$0x100]  }
0x2ba: {  	v3 =	vld [tilespmem:s10+$0x80]  }
0x2bb: {  	v4 =	vld [tilespmem:s10+$0x0];
	_ =	sdelay $0x2  }
0x2bc: {  	v5 =	vmul.f32 v2, v1  }
0x2bd: {  	v6 =	vmul.f32 v3, v1  }
0x2be: {  	v7 =	vmul.f32 v4, v1;
	v5 =	vtrunc.f32 v5  }
0x2bf: {  	v6 =	vtrunc.f32 v6;
	v5 =	vcvt.f32.s32 v5  }
0x2c0: {  	v7 =	vtrunc.f32 v7;
	v6 =	vcvt.f32.s32 v6  }
0x2c1: {  	v7 =	vcvt.f32.s32 v7;
	v8 =	vcvt.s32.f32 v5  }
0x2c2: {  	v9 =	vcvt.s32.f32 v6  }
0x2c3: {  	v10 =	vcvt.s32.f32 v7;
	v8 =	vmul.f32 v8, v0  }
0x2c4: {  	v9 =	vmul.f32 v9, v0  }
0x2c5: {  	v10 =	vmul.f32 v10, v0;
	v11 =	vadd.f32 v8, v0  }
0x2c6: {  	v12 =	vadd.f32 v9, v0  }
0x2c7: {  	v13 =	vadd.f32 v10, v0;
	v11 =	vsub.f32 v11, v8  }
0x2c8: {  	v12 =	vsub.f32 v12, v9  }
0x2c9: {  	v13 =	vsub.f32 v13, v10;
	(erf) = vrcp.f32 v11  }
0x2ca: {  	(erf) = vrcp.f32 v12  }
0x2cb: {  	(erf) = vrcp.f32 v13;
	_ =	sdelay $0x3  }
0x2cc: {  	v6 =	vmul.u32 $0x9E3779B1, v6  }
0x2cd: {  	v11 =	vmul.u32 $0x30025795, v5  }
0x2ce: {  	v2 =	vsub.f32 v2, v8;
	v5 =	vxor.u32 v7, v6  }
0x2cf: {  	v63 =	vadd.s32 $0x9E3779B1, v6;
	v3 =	vsub.f32 v3, v9;
	v8 =	vxor.u32 v11, v5;
	v9 =	vpop (erf)  }
0x2d0: {  	s15 =	simm.s32 $0x0;
	v4 =	vsub.f32 v4, v10;
	v8 =	vand.u32 $0x7FFFF, v8;
	v2 =	vmul.f32 v9, v2;
	v9 =	vpop (erf)  }
0x2d1: {  	v62 =	vadd.s32 $0x1, v7;
	v7 =	vxor.u32 v7, v63;
	[tilespmem:s15+$0x2C00] =	vst v8;
	v3 =	vmul.f32 v9, v3;
	v9 =	vpop (erf)  }
0x2d2: {  	v6 =	vxor.u32 v62, v6;
	v10 =	vadd.s32 $0x30025795, v11;
	v9 =	vmul.f32 v9, v4;
	[tilespmem:s15+$0x2400] =	vst v2  }
0x2d3: {  	v13 =	vxor.u32 v62, v63;
	v15 =	vxor.u32 v11, v7;
	v14 =	vxor.u32 v5, v10;
	[tilespmem:s15+$0x2200] =	vst v3  }
0x2d4: {  	s13 =	sand.u32 $0x1F0, s9;
	v5 =	vxor.u32 v10, v13;
	v4 =	vxor.u32 v11, v13;
	v3 =	vor.u32 $0x80000, v8;
	[tilespmem:s15+$0x2000] =	vst v9  }
0x2d5: {  	v2 =	vxor.u32 v10, v7;
	v7 =	vand.u32 $0x7FFFF, v15;
	v8 =	vand.u32 $0x7FFFF, v14;
	[tilespmem:s13+$0x3C00] =	vst v3  }
0x2d6: {  	s10 =	simm.s32 $0x10;
	v3 =	vxor.u32 v11, v6;
	v6 =	vxor.u32 v6, v10;
	[tilespmem:s15+$0x2E00] =	vst v8;
	v8 =	vor.u32 $0x80000, v8  }
.LBB2_18:
0x2d7: {  	p0 =	sne.s32 s10, $0x1F0  }
0x2d8: {  	[tilespmem:s13+$0x3E00] =	vst v8;
	s9 =	sadd.s32 $0x40, s9;
	s14 =	smov.u32 s10;
	s10 =	sadd.s32 $0x10, s10  }
0x2d9: {  	v5 =	vand.u32 $0x7FFFF, v5;
	[tilespmem:s15+$0x3000] =	vst v7;
	v7 =	vor.u32 $0x80000, v7  }
0x2da: {  	[tilespmem:s13+$0x4000] =	vst v7;
	v7 =	vor.u32 $0x80000, v5  }
0x2db: {  	v4 =	vand.u32 $0x7FFFF, v4;
	[tilespmem:s13+$0x4A00] =	vst v7  }
0x2dc: {  	v7 =	vor.u32 $0x80000, v4;
	[tilespmem:s13+$0x3A00] =	vst v5  }
0x2dd: {  	v5 =	vand.u32 $0x7FFFF, v6;
	[tilespmem:s13+$0x4800] =	vst v7  }
0x2de: {  	v6 =	vor.u32 $0x80000, v5;
	[tilespmem:s13+$0x3800] =	vst v4  }
0x2df: {  	v3 =	vand.u32 $0x7FFFF, v3;
	[tilespmem:s13+$0x4600] =	vst v6  }
0x2e0: {  	v4 =	vor.u32 $0x80000, v3;
	[tilespmem:s13+$0x3600] =	vst v5  }
0x2e1: {  	v2 =	vand.u32 $0x7FFFF, v2;
	[tilespmem:s13+$0x4400] =	vst v4  }
0x2e2: {  	v4 =	vor.u32 $0x80000, v2;
	[tilespmem:s13+$0x3400] =	vst v3  }
0x2e3: {  	s15 =	sand.u32 $0x70, s14;
	s16 =	sand.u32 $0x600, s9;
	[tilespmem:s13+$0x4200] =	vst v4  }
0x2e4: {  	s15 =	sor.u32 s15, s16;
	[tilespmem:s13+$0x3200] =	vst v2  }
0x2e5: {  	v2 =	vld [tilespmem:s15+$0x100]  }
0x2e6: {  	v3 =	vld [tilespmem:s15+$0x80]  }
0x2e7: {  	v4 =	vld [tilespmem:s15+$0x0];
	_ =	sdelay $0x2  }
0x2e8: {  	v5 =	vmul.f32 v2, v1  }
0x2e9: {  	v6 =	vmul.f32 v3, v1  }
0x2ea: {  	v7 =	vmul.f32 v4, v1;
	v5 =	vtrunc.f32 v5  }
0x2eb: {  	v6 =	vtrunc.f32 v6;
	v5 =	vcvt.f32.s32 v5  }
0x2ec: {  	v7 =	vtrunc.f32 v7;
	v6 =	vcvt.f32.s32 v6  }
0x2ed: {  	v7 =	vcvt.f32.s32 v7;
	v8 =	vcvt.s32.f32 v5  }
0x2ee: {  	v9 =	vcvt.s32.f32 v6;
	v6 =	vmul.u32 $0x9E3779B1, v6  }
0x2ef: {  	v10 =	vcvt.s32.f32 v7;
	v8 =	vmul.f32 v8, v0  }
0x2f0: {  	v11 =	vmul.u32 $0x30025795, v5;
	v9 =	vmul.f32 v9, v0;
	v5 =	vxor.u32 v7, v6  }
0x2f1: {  	v10 =	vmul.f32 v10, v0;
	v12 =	vsub.f32 v2, v8;
	v2 =	vadd.f32 v8, v0  }
0x2f2: {  	v14 =	vxor.u32 v11, v5;
	v13 =	vsub.f32 v3, v9;
	v3 =	vadd.f32 v9, v0  }
0x2f3: {  	v15 =	vadd.f32 v10, v0;
	v2 =	vsub.f32 v2, v8;
	v8 =	vand.u32 $0x7FFFF, v14  }
0x2f4: {  	v14 =	vsub.f32 v4, v10;
	v3 =	vsub.f32 v3, v9;
	v9 =	vadd.s32 $0x30025795, v11  }
0x2f5: {  	v4 =	vsub.f32 v15, v10;
	v10 =	vxor.u32 v5, v9;
	(erf) = vrcp.f32 v2  }
0x2f6: {  	v15 =	vadd.s32 $0x1, v7;
	v2 =	vadd.s32 $0x9E3779B1, v6;
	(erf) = vrcp.f32 v3  }
0x2f7: {  	v3 =	vxor.u32 v7, v2;
	v2 =	vxor.u32 v15, v2;
	(erf) = vrcp.f32 v4  }
0x2f8: {  	v7 =	vxor.u32 v11, v3;
	v4 =	vxor.u32 v11, v2;
	v5 =	vxor.u32 v9, v2  }
0x2f9: {  	v6 =	vxor.u32 v15, v6;
	v2 =	vxor.u32 v9, v3;
	v7 =	vand.u32 $0x7FFFF, v7  }
0x2fa: {  	v3 =	vxor.u32 v11, v6;
	v6 =	vxor.u32 v6, v9;
	_ =	sdelay $0x3  }
0x2fb: {  	v9 =	vpop (erf)  }
0x2fc: {  	s15 =	sshra.s32 s9, $0x2;
	v9 =	vmul.f32 v9, v12;
	v11 =	vpop (erf)  }
0x2fd: {  	v11 =	vmul.f32 v11, v13;
	[tilespmem:s15+$0x2C00] =	vst v8;
	v12 =	vpop (erf)  }
.Ltmp7:
0x2fe: {  	v12 =	vmul.f32 v12, v14;
	[tilespmem:s15+$0x2400] =	vst v9;
	(pc) =	sbr.rel @p0 .LBB2_18-.Ltmp7, $4  }
0x2ff: {  	[tilespmem:s15+$0x2200] =	vst v11  }
0x300: {  	s13 =	sand.u32 $0x1F0, s14;
	v8 =	vor.u32 $0x80000, v8;
	[tilespmem:s15+$0x2000] =	vst v12  }
0x301: {  	[tilespmem:s13+$0x3C00] =	vst v8;
	v8 =	vand.u32 $0x7FFFF, v10  }
0x302: {  	[tilespmem:s15+$0x2E00] =	vst v8;
	v8 =	vor.u32 $0x80000, v8  }
0x303: {  	[tilespmem:s13+$0x3E00] =	vst v8  }
0x304: {  	[tilespmem:s15+$0x3000] =	vst v7;
	v7 =	vor.u32 $0x80000, v7  }
0x305: {  	v5 =	vand.u32 $0x7FFFF, v5;
	[tilespmem:s13+$0x4000] =	vst v7  }
0x306: {  	v4 =	vand.u32 $0x7FFFF, v4;
	[tilespmem:s13+$0x3A00] =	vst v5  }
0x307: {  	v3 =	vand.u32 $0x7FFFF, v3;
	[tilespmem:s13+$0x3800] =	vst v4  }
0x308: {  	v2 =	vand.u32 $0x7FFFF, v2;
	[tilespmem:s13+$0x3400] =	vst v3  }
0x309: {  	v7 =	vor.u32 $0x80000, v5;
	[tilespmem:s13+$0x3200] =	vst v2  }
0x30a: {  	v5 =	vand.u32 $0x7FFFF, v6;
	[tilespmem:s13+$0x4A00] =	vst v7  }
0x30b: {  	v7 =	vor.u32 $0x80000, v4;
	[tilespmem:s13+$0x3600] =	vst v5  }
0x30c: {  	v6 =	vor.u32 $0x80000, v5;
	[tilespmem:s13+$0x4800] =	vst v7  }
0x30d: {  	v4 =	vor.u32 $0x80000, v3;
	[tilespmem:s13+$0x4600] =	vst v6  }
0x30e: {  	[tilespmem:s13+$0x4400] =	vst v4;
	v4 =	vor.u32 $0x80000, v2  }
0x30f: {  	[tilespmem:s13+$0x4200] =	vst v4  }
0x310: {  	[tilespmem:s20], [sflag:$0x1] =	stream.indirect.gather [spmem:s3], $0x1, s19, s18, $0xb8;
	[tilespmem:$0x1BC80] =	vst v63  }
0x311: {  	_ =	swait.ge [sflag:s26], $0x2000  }
0x312: {  	[sflag:s26] =	ssyncset.done $0x0  }
0x313: {  	s9 =	simm.s32 $0x9000;
	[sflag:s26] =	ssyncadd.s32 $0xFFFFE000  }
0x314: {  	s10 =	simm.s32 $0x0;
	v3 =	vld [tilespmem:s9+$0x0]  }
0x315: {  	s21 =	sand.u32 $0x1F0, s10;
	v4 =	vld [tilespmem:s9+$0x200]  }
0x316: {  	v5 =	vld [tilespmem:s21+$0x9800]  }
0x317: {  	v6 =	vld [tilespmem:s21+$0x9A00]  }
0x318: {  	s10 =	simm.s32 $0x2800;
	v7 =	vld [tilespmem:s21+$0x9600]  }
0x319: {  	v8 =	vld [tilespmem:s10+$0xFFFFFE00]  }
0x31a: {  	v9 =	vld [tilespmem:s21+$0x9400]  }
0x31b: {  	v10 =	vld [tilespmem:s9+$0xFFFFFC00]  }
0x31c: {  	v11 =	vld [tilespmem:s9+$0xFFFFFE00]  }
0x31d: {  	v2 =	vld [tilespmem:s10+$0x0];
	_ =	sdelay $0x1  }
0x31e: {  	v12 =	vsub.f32 $1.000000000e+00, v8;
	v7 =	vmul.f32 v7, v8;
	v6 =	vmul.f32 v6, v8  }
0x31f: {  	v9 =	vmul.f32 v9, v8;
	v5 =	vmul.f32 v5, v8  }
0x320: {  	v10 =	vmul.f32 v10, v12;
	v13 =	vmul.f32 v3, v12  }
0x321: {  	v14 =	vmul.f32 v4, v12;
	v11 =	vmul.f32 v11, v12;
	v3 =	vld [tilespmem:s10+$0x200];
	v4 =	vsub.f32 $1.000000000e+00, v2  }
0x322: {  	v9 =	vadd.f32 v9, v10;
	v5 =	vadd.f32 v5, v13  }
0x323: {  	v7 =	vadd.f32 v7, v11;
	v6 =	vadd.f32 v6, v14  }
0x324: {  	v9 =	vmul.f32 v9, v4;
	v10 =	vmul.f32 v5, v2  }
0x325: {  	v7 =	vmul.f32 v7, v4;
	v6 =	vmul.f32 v6, v2  }
0x326: {  	v5 =	vsub.f32 $1.000000000e+00, v3  }
0x327: {  	v9 =	vadd.f32 v10, v9;
	v6 =	vadd.f32 v6, v7;
	_ =	sdelay $0x1  }
0x328: {  	v7 =	vmul.f32 v9, v5;
	v6 =	vmul.f32 v6, v3;
	_ =	sdelay $0x1  }
0x329: {  	v6 =	vadd.f32 v6, v7  }
0x32a: {  	s15 =	simm.s32 $0xBA00  }
0x32b: {  	[tilespmem:s15+$0xFFFFFC00] =	vst v6  }
0x32c: {  	v6 =	vld [tilespmem:s21+$0x9C00]  }
0x32d: {  	v7 =	vld [tilespmem:s21+$0xA200]  }
0x32e: {  	v9 =	vld [tilespmem:s21+$0xA800]  }
0x32f: {  	v10 =	vld [tilespmem:s21+$0xA400]  }
0x330: {  	v11 =	vld [tilespmem:s21+$0x9E00]  }
0x331: {  	v62 =	vld [tilespmem:s21+$0xAA00]  }
0x332: {  	v63 =	vld [tilespmem:s21+$0xA600]  }
0x333: {  	v15 =	vld [tilespmem:s21+$0xA000];
	_ =	sdelay $0x1  }
0x334: {  	v6 =	vmul.f32 v6, v12;
	v10 =	vmul.f32 v10, v8  }
0x335: {  	v7 =	vmul.f32 v7, v12;
	v13 =	vmul.f32 v62, v8  }
0x336: {  	v9 =	vmul.f32 v9, v8;
	v8 =	vmul.f32 v63, v8;
	v6 =	vadd.f32 v10, v6  }
0x337: {  	v10 =	vmul.f32 v11, v12;
	v11 =	vmul.f32 v15, v12;
	v7 =	vadd.f32 v13, v7  }
0x338: {  	v6 =	vmul.f32 v6, v4  }
0x339: {  	s14 =	simm.s32 $0xBA00;
	s13 =	simm.s32 $0x10;
	v8 =	vadd.f32 v8, v10;
	v9 =	vadd.f32 v9, v11;
	v7 =	vmul.f32 v7, v2  }
.LBB2_20:
0x33a: {  	s15 =	sadd.s32 $0x10, s15;
	s9 =	sadd.s32 $0x10, s9;
	s10 =	sadd.s32 $0x10, s10  }
0x33b: {  	p0 =	sne.s32 s13, $0x1F0;
	s16 =	smov.u32 s13;
	s13 =	sadd.s32 $0x10, s13;
	v2 =	vmul.f32 v9, v2;
	v4 =	vmul.f32 v8, v4  }
0x33c: {  	_ = 	snop  }
0x33d: {  	v2 =	vadd.f32 v2, v6;
	v4 =	vadd.f32 v7, v4;
	_ =	sdelay $0x1  }
0x33e: {  	v2 =	vmul.f32 v2, v5;
	v3 =	vmul.f32 v4, v3;
	_ =	sdelay $0x1  }
0x33f: {  	v2 =	vadd.f32 v3, v2;
	_ =	sdelay $0x1  }
0x340: {  	[tilespmem:s14+$0x0] =	vst v2;
	s14 =	smov.u32 s15  }
0x341: {  	v3 =	vld [tilespmem:s9+$0x0]  }
0x342: {  	s16 =	sand.u32 $0x1F0, s16;
	v4 =	vld [tilespmem:s9+$0x200]  }
0x343: {  	v5 =	vld [tilespmem:s16+$0x9800]  }
0x344: {  	v6 =	vld [tilespmem:s16+$0x9A00]  }
0x345: {  	v7 =	vld [tilespmem:s16+$0x9600]  }
0x346: {  	v8 =	vld [tilespmem:s10+$0xFFFFFE00]  }
0x347: {  	v9 =	vld [tilespmem:s16+$0x9400]  }
0x348: {  	v10 =	vld [tilespmem:s9+$0xFFFFFC00]  }
0x349: {  	v11 =	vld [tilespmem:s9+$0xFFFFFE00]  }
0x34a: {  	v2 =	vld [tilespmem:s10+$0x0]  }
0x34b: {  	v12 =	vsub.f32 $1.000000000e+00, v8;
	v7 =	vmul.f32 v7, v8;
	v6 =	vmul.f32 v6, v8  }
0x34c: {  	v5 =	vmul.f32 v5, v8;
	v9 =	vmul.f32 v9, v8  }
0x34d: {  	v10 =	vmul.f32 v10, v12;
	v13 =	vmul.f32 v4, v12  }
0x34e: {  	v14 =	vmul.f32 v3, v12;
	v11 =	vmul.f32 v11, v12  }
0x34f: {  	v3 =	vld [tilespmem:s10+$0x200];
	v4 =	vsub.f32 $1.000000000e+00, v2;
	v9 =	vadd.f32 v9, v10  }
0x350: {  	v5 =	vadd.f32 v5, v14;
	v7 =	vadd.f32 v7, v11  }
0x351: {  	v6 =	vadd.f32 v6, v13;
	v9 =	vmul.f32 v9, v4  }
0x352: {  	v10 =	vmul.f32 v5, v2;
	v7 =	vmul.f32 v7, v4  }
0x353: {  	v6 =	vmul.f32 v6, v2  }
0x354: {  	v9 =	vadd.f32 v10, v9;
	v5 =	vsub.f32 $1.000000000e+00, v3  }
0x355: {  	v6 =	vadd.f32 v6, v7  }
0x356: {  	v7 =	vmul.f32 v9, v5  }
0x357: {  	v6 =	vmul.f32 v6, v3;
	_ =	sdelay $0x1  }
0x358: {  	v6 =	vadd.f32 v6, v7;
	_ =	sdelay $0x1  }
0x359: {  	[tilespmem:s15+$0xFFFFFC00] =	vst v6  }
0x35a: {  	v6 =	vld [tilespmem:s16+$0x9C00]  }
0x35b: {  	v7 =	vld [tilespmem:s16+$0xA200]  }
0x35c: {  	v9 =	vld [tilespmem:s16+$0xA800]  }
0x35d: {  	v10 =	vld [tilespmem:s16+$0xA400]  }
0x35e: {  	v11 =	vld [tilespmem:s16+$0x9E00]  }
0x35f: {  	v13 =	vld [tilespmem:s16+$0xAA00];
	v6 =	vmul.f32 v6, v12  }
0x360: {  	v14 =	vld [tilespmem:s16+$0xA600];
	v7 =	vmul.f32 v7, v12  }
0x361: {  	v15 =	vld [tilespmem:s16+$0xA000];
	v9 =	vmul.f32 v9, v8  }
0x362: {  	v10 =	vmul.f32 v10, v8;
	_ =	sdelay $0x1  }
.Ltmp8:
0x363: {  	v6 =	vadd.f32 v10, v6;
	v10 =	vmul.f32 v13, v8;
	(pc) =	sbr.rel @p0 .LBB2_20-.Ltmp8, $4  }
0x364: {  	v8 =	vmul.f32 v14, v8  }
0x365: {  	v11 =	vmul.f32 v11, v12;
	v12 =	vmul.f32 v15, v12;
	v7 =	vadd.f32 v10, v7  }
0x366: {  	v6 =	vmul.f32 v6, v4  }
0x367: {  	v8 =	vadd.f32 v8, v11;
	v9 =	vadd.f32 v9, v12;
	v7 =	vmul.f32 v7, v2  }
0x368: {  	_ = 	snop  }
0x369: {  	v2 =	vmul.f32 v9, v2;
	v4 =	vmul.f32 v8, v4;
	_ =	sdelay $0x1  }
0x36a: {  	v2 =	vadd.f32 v2, v6;
	v4 =	vadd.f32 v7, v4;
	_ =	sdelay $0x1  }
0x36b: {  	v2 =	vmul.f32 v2, v5;
	v3 =	vmul.f32 v4, v3;
	_ =	sdelay $0x1  }
0x36c: {  	s2 =	sor.u32 s6, s2;
	v2 =	vadd.f32 v3, v2  }
0x36d: {  	s2 =	sshrl.u32 s2, $0x3  }
0x36e: {  	s9 =	sadd.s32 s7, s2;
	s2 =	sor.u32 $0x10000, s2;
	[tilespmem:s14+$0x0] =	vst v2  }
0x36f: {  	[hbm4b:s9+s4] =	stream.linear.scatter [tilespmem:s30], [sflag:$0x5], $0x400, $0x38;
	[tilespmem:$0x1BC80] =	vst v63  }
0x370: {  	s2 =	sadd.s32 s7, s2  }
0x371: {  	[hbm4b:s2+s4] =	stream.linear.scatter [tilespmem:s31], [sflag:$0x5], $0x400, $0x38;
	[tilespmem:$0x1BC80] =	vst v63  }
0x372: {  	_ =	swait.ge [sflag:s0], $0x400  }
0x373: {  	[sflag:s0] =	ssyncset.done $0x0  }
0x374: {  	[sflag:s0] =	ssyncadd.s32 $0xFFFFFC00  }
0x375: {  	_ =	swait.ge [sflag:s0], $0x400  }
0x376: {  	[sflag:s0] =	ssyncset.done $0x0  }
0x377: {  	s5 =	sadd.s32 $0x1, s5;
	[sflag:s0] =	ssyncadd.s32 $0xFFFFFC00  }
0x378: {  	p0 =	sne.s32 s5, $0x8;
	_ =	swait.ge [sflag:s0], $0x400  }
.Ltmp9:
0x379: {  	[sflag:s0] =	ssyncset.done $0x0;
	(pc) =	sbr.rel @p0 .LBB2_5-.Ltmp9, $4  }
0x37a: {  	[sflag:s0] =	ssyncadd.s32 $0xFFFFFC00  }
0x37b: {  	_ =	swait.ge [sflag:s0], $0x400  }
0x37c: {  	[sflag:s0] =	ssyncset.done $0x0  }
0x37d: {  	[sflag:s0] =	ssyncadd.s32 $0xFFFFFC00  }
0x37e: {  	_ =	swait.ge [sflag:s24], $0x2000  }
0x37f: {  	s10 =	rddreg [dreg:$0xc]  }
0x380: {  	s10 =	sadd.s32 $0x1, s10  }
0x381: {  	p0 =	sne.s32 s10, $0x10  }
.Ltmp10:
0x382: {  	_ = 	snop;
	(pc) =	sbr.rel @p0 .LBB2_2-.Ltmp10, $3  }
0x383: {  	_ =	sdelay $0x1  }
0x384: {  	[sflag:s24] =	ssyncset.done $0x0  }
0x385: {  	[sflag:s24] =	ssyncadd.s32 $0xFFFFE000  }
0x386: {  	s5 =	rddreg [dreg:$0xb]  }
0x387: {  	s2 =	rddreg [dreg:$0x8];
	s5 =	sadd.s32 $0x1, s5  }
0x388: {  	p0 =	sne.s32 s5, s2  }
.Ltmp11:
0x389: {  	_ = 	snop;
	(pc) =	sbr.rel @p0 .LBB2_1-.Ltmp11, $1  }
0x38a: {  	_ =	sdelay $0x3  }
0x38b: {  	_ =	sfence.sel $0x180000  }
0x38c: {  	[bflag:$0x0] =	sbarrier.arrive $0xFFFF  }
0x38d: {  	_ =	strace $0x9000004A  }
0x38e: {  	s0 =	stileid.u32;
	[bflag:$0x2] =	sbarrier.arrive $0xFFFF  }
0x38f: {  	p0 =	sne.s32 s0, $0x0;
	s0 =	rddreg [dreg:$0x4]  }
0x390: {  	s0 =	sadd.s32 @!p0 $0x100000, s0  }
0x391: {  	[sflag:s0] =	ssyncadd.tile.s32 @!p0 $0x1;
	_ =	shalt  }
.Lfunc_end2:
_tile_overlayer_lowered:
.L_overlay_start_2:
0x392: {  	(tag) =	ssettag $0x2  }
0x393: {  	s0 =	rddreg [dreg:$0x0];
	s2 =	stileid.u32  }
0x394: {  	s1 =	rddreg [dreg:$0x1];
	p0 =	sne.s32 s2, $0x0  }
0x395: {  	s3 =	rddreg [dreg:$0x2];
	[bflag:$0x3] =	sbarrier.arrive $0xFFFF;
	s2 =	simm.s32 @!p0 $0x1C06  }
0x396: {  	[timem:s3], [sflag:s2] =	dma.local @!p0 [hbm:s0], s1  }
0x397: {  	s0 =	simm.s32 @!p0 $0x6  }
0x398: {  	_ =	swait.ge @!p0 [sflag:s0], s1  }
0x399: {  	s1 =	ssub.s32 @!p0 $0x0, s1;
	[sflag:s0] =	ssyncset.done @!p0 $0x0  }
0x39a: {  	[sflag:s0] =	ssyncadd.s32 @!p0 s1  }
0x39b: {  	[bflag:$0x3] =	sbarrier.arrive $0xFFFF  }
0x39c: {  	_ =	shalt  }

// kernel: sparse-core-data-format-call.cloned.1.call-start
scs
called_computation_lowered:
.L_overlay_start_0:
0x0: {  	s2 =	sld [smem:$0x3FD9]  }
0x1: {  	s3 =	sld [smem:$0x3FFE];
	_ =	sdelay $0x1  }
0x2: {  	s1 =	srdreg.scid  }
0x3: {  	s0 =	sand.u32 $0x1, s1  }
0x4: {  	s19 =	sshll.u32 s0, $0xA;
	s2 =	sadd.s32 s3, s2  }
0x5: {  	s2 =	sadd.s32 s2, s19  }
0x6: {  	[smem:$0x3FC6] =	sst s2  }
0x7: {  	_ = 	snop  }
0x8: {  	s2 =	sld [smem:$0x3FC8]  }
0x9: {  	s20 =	sld [smem:$0x3FD0];
	(tm) =	ssettm $0x1  }
0xa: {  	s4 =	sld [smem:$0x3FFB];
	_ =	sdelay $0x3  }
0xb: {  	_ =	strace s4  }
0xc: {  	s4 =	sld [smem:$0x3FFC];
	_ =	sdelay $0x3  }
0xd: {  	_ =	strace s4  }
0xe: {  	s4 =	sld [smem:$0x3FFD];
	_ =	sdelay $0x3  }
0xf: {  	_ =	strace s4  }
0x10: {  	_ =	strace $0x8FFFFFFF  }
0x11: {  	s21 =	sld [smem:$0x3FDB];
	_ =	sdelay $0x1  }
0x12: {  	s5 =	simm.s32 $_scs_section_size  }
0x13: {  	s6 =	simm.s32 $_size__tile_overlayer_lowered;
	s7 =	simm.s32 $_tile_overlayer_lowered  }
0x14: {  	s24 =	simm.s32 $0x1BFF;
	s23 =	sshll.u32 s7, $0x1;
	s4 =	sadd.s32 s5, s21  }
0x15: {  	s8 =	simm.s32 $0x0;
	s22 =	sshll.u32 s6, $0x1;
	s6 =	sadd.s32 s23, s4  }
0x16: {  	[timem:s8], [sflag:s24] =	dma.local [hbm:s6], s22  }
0x17: {  	_ =	swait.ge [sflag:s24], s22  }
0x18: {  	s5 =	ssub.s32 $0x0, s22;
	[sflag:s24] =	ssyncset.done $0x0  }
0x19: {  	[sflag:s24] =	ssyncadd.s32 s5;
	_ =	sdelay $0x1  }
0x1a: {  	s25 =	simm.s32 $0x1B8B  }
0x1b: {  	_ =	swait.ge [sflag:s25], $0x1  }
0x1c: {  	[sflag:s25] =	ssyncset.done $0x0  }
0x1d: {  	s26 =	simm.s32 $0x1B8E;
	[sflag:s25] =	ssyncadd.s32 $0xFFFFFFFF  }
0x1e: {  	s27 =	simm.s32 $execute0_lowered;
	[smem:$0x3FD2] =	sst s26  }
0x1f: {  	s5 =	sshll.u32 s27, $0x1;
	_ =	strace $0x80000046;
	[dreg:$0x1] =	wrdreg $0xFFFFFFFF  }
0x20: {  	s28 =	simm.s32 $_size_execute0_lowered;
	s4 =	sadd.s32 s4, s5;
	[dreg:$0x0] =	wrdreg $0x0  }
0x21: {  	s5 =	sshll.u32 s28, $0x1;
	[dreg:$0x2] =	wrdreg s4  }
0x22: {  	[dreg:$0x3] =	wrdreg s5  }
0x23: {  	[dreg:$0x4] =	wrdreg $0xC0  }
0x24: {  	_ =	task [dreg:s8], $0x5FFFF  }
0x25: {  	[dreg:$0x1] =	wrdreg $0xFFFFFFFF  }
0x26: {  	[dreg:$0x0] =	wrdreg $0x60  }
0x27: {  	[dreg:$0x2] =	wrdreg s2  }
0x28: {  	[dreg:$0x3] =	wrdreg s20  }
0x29: {  	[dreg:$0x4] =	wrdreg $0x9  }
0x2a: {  	_ =	task.clear_ibuf [dreg:s8], $0x5FFFF;
	_ =	strace $0x90000046  }
0x2b: {  	s29 =	simm.s32 $0x9;
	_ =	strace $0x80000048  }
0x2c: {  	_ =	swait.ge [sflag:s29], $0x1  }
0x2d: {  	[sflag:s29] =	ssyncadd.s32 $0xFFFFFFFF  }
0x2e: {  	_ =	strace $0x90000048  }
0x2f: {  	_ =	sfence  }
0x30: {  	s30 =	sld [smem:$0x0];
	_ =	sdelay $0x2  }
0x31: {  	s31 =	sshll.u32 s1, $0xD;
	s1 =	sshrl.u32 s1, $0x2  }
0x32: {  	s3 =	sand.u32 $0x4000, s31;
	s1 =	sadd.s32 s1, s30  }
0x33: {  	s0 =	sor.u32 s3, s0;
	s1 =	sshll.u32 s1, $0x11  }
0x34: {  	s0 =	sor.u32 s1, s0  }
0x35: {  	s0 =	sadd.s32 $0x8F2B, s0  }
0x36: {  	[sflag:s0] =	ssyncadd.remote.s32 $0x1  }
0x37: {  	_ =	sfence.sel $0xFFFF  }
0x38: {  	[dreg:$0x0] =	wrdreg $0xFFFFFFFF;
	(pc) =	sbr.abs _section_cstart, $3  }
0x39: {  	[dreg:$0x1] =	wrdreg $0xFFFFFFFF  }
0x3a: {  	_ =	task.clear_ibuf [dreg:s8], $0x2FFFF;
	_ =	strace $0x9FFFFFFF  }
0x3b: {  	(tm) =	ssettm $0x7FFFFFFF  }
tec
execute0_lowered:
.L_overlay_start_1:
0x0: {  	(tag) =	ssettag $0x1  }
0x1: {  	s0 =	srdreg.scid;
	s1 =	rddreg [dreg:$0x0]  }
0x2: {  	s2 =	rddreg [dreg:$0x1];
	s5 =	simm.s32 $0x1;
	s7 =	simm.s32 $0x2  }
0x3: {  	s13 =	simm.s32 $0x0;
	s8 =	simm.s32 $0x2000;
	s0 =	sshll.u32 s0, $0x6  }
0x4: {  	s9 =	simm.s32 $0x80000;
	s14 =	simm.s32 $0x0;
	s3 =	sand.u32 $0x40, s0  }
.Ltmp0:
0x5: {  	s11 =	stileid.u32;
	s4 =	ssub.s32 $0x1000, s3;
	(pc) =	sbr.rel .LBB1_1-.Ltmp0, $4  }
0x6: {  	s12 =	simm.s32 $0x0;
	s0 =	rddreg [dreg:$0x2];
	s6 =	sshrl.u32 s4, $0x6  }
0x7: {  	_ =	strace $0x80000047;
	s4 =	sshrl.u32 s4, $0x7;
	s6 =	sand.u32 $0x1, s6  }
0x8: {  	[sflag:s5] =	ssyncpa.u1 $0x0;
	s10 =	smov.u32 s3;
	s6 =	sadd.s32 s4, s6  }
0x9: {  	[sflag:s7] =	ssyncpa.u1 $0x0;
	s4 =	stileid.u32;
	s7 =	sadd.s32 $0x1, s6  }
.LBB1_7:
0xa: {  	s15 =	sadd.s32 $0x80, s10  }
0xb: {  	s13 =	sadd.s32 $0x10, s11;
	s17 =	smov.u32 s11;
	p1 =	sgt.s32 s15, $0xFFF  }
0xc: {  	s17 =	smov.u32 @p1 s13  }
0xd: {  	s15 =	smov.u32 @p1 s3;
	p1 =	sgt.s32 s17, $0xF  }
0xe: {  	s17 =	smov.u32 @p1 s4;
	p1 =	sne.s32 s12, s7  }
.Ltmp1:
0xf: {  	p0 =	slt.u32 s12, $0x2;
	(pc) =	sbr.rel @!p1 .LBB1_8-.Ltmp1, $4  }
0x10: {  	s16 =	simm.s32 @!p0 $0x2  }
0x11: {  	s14 =	smov.u32 s11;
	_ =	swait.ge @!p0 [sflag:s16], $0x4000  }
0x12: {  	s13 =	smov.u32 s10;
	[sflag:s16] =	ssyncset.done @!p0 $0x0;
	s10 =	smov.u32 s15  }
0x13: {  	s12 =	sadd.s32 $0x1, s12;
	[sflag:s16] =	ssyncadd.s32 @!p0 $0xFFFFC000;
	s11 =	smov.u32 s17  }
.LBB1_1:
0x14: {  	p0 =	sge.u32 s12, s6  }
0x15: {  	s31 =	sadd.s32 $0xFFFFFFFF, s12;
	s15 =	sxor.u32 @!p0 $0xFFFFFFFF, s12;
	s16 =	sshll.u32 @!p0 s11, $0x11  }
0x16: {  	s17 =	sshll.u32 @!p0 s10, $0x5;
	s15 =	sshll.u32 @!p0 s15, $0xE;
	s16 =	sadd.s32 @!p0 s1, s16  }
0x17: {  	s15 =	sand.u32 @!p0 $0x4000, s15;
	s16 =	sadd.s32 @!p0 s17, s16;
	s17 =	simm.s32 @!p0 $0x0  }
0x18: {  	[tilespmem:s15], [sflag:$0x1] =	stream.linear.gather @!p0 [hbm4b:s16+s17], $0x4000, $0x38;
	[tilespmem:$0x10000] =	vst v63  }
0x19: {  	p0 =	sge.u32 s31, s6  }
.Ltmp2:
0x1a: {  	_ = 	snop;
	(pc) =	sbr.rel @p0 .LBB1_7-.Ltmp2, $1  }
0x1b: {  	_ =	sdelay $0x3  }
0x1c: {  	_ =	swait.ge [sflag:s5], $0x4000;
	s15 =	sshll.u32 s12, $0xE  }
0x1d: {  	[sflag:s5] =	ssyncset.done $0x0;
	s16 =	sand.u32 $0x4000, s15  }
0x1e: {  	s17 =	simm.s32 $0x0;
	[sflag:s5] =	ssyncadd.s32 $0xFFFFC000;
	s15 =	sor.u32 $0x8000, s16  }
.LBB1_3:
0x1f: {  	s18 =	sshll.u32 s17, $0x8  }
0x20: {  	s18 =	sand.u32 $0x3FFFFF00, s18  }
0x21: {  	s19 =	sshll.u32 s17, $0x7;
	s18 =	sadd.s32 s18, s16  }
0x22: {  	s19 =	sand.u32 $0x3FFFFF80, s19;
	v0 =	vmov s18  }
0x23: {  	s19 =	sadd.s32 s19, s15  }
0x24: {  	p0 =	por $0x1, $0x1;
	v1 =	vmov s19;
	s18 =	simm.s32 $0x0  }
.LBB1_4:
0x25: {  	s19 =	sshll.u32 s18, $0x7  }
0x26: {  	s19 =	sand.u32 $0x3FFFFF80, s19  }
0x27: {  	v2 =	vld.idx.msk [tilespmem:v0+s19+$0x0 ss:$0x1], $0xffff  }
0x28: {  	v3 =	vld.idx.msk [tilespmem:v0+s19+$0x10 ss:$0x1], $0xffff  }
0x29: {  	v4 =	vld.idx.msk [tilespmem:v0+s19+$0x20 ss:$0x1], $0xffff  }
0x2a: {  	s31 =	sshll.u32 s18, $0xD;
	v5 =	vld.idx.msk [tilespmem:v0+s19+$0x30 ss:$0x1], $0xffff  }
0x2b: {  	s18 =	sand.u32 $0x3FFFE000, s31;
	v6 =	vld.idx.msk [tilespmem:v0+s19+$0x40 ss:$0x1], $0xffff  }
0x2c: {  	v63 =	vld.idx.msk [tilespmem:v0+s19+$0x70 ss:$0x1], $0xffff;
	[tilespmem:v1+s18+$0x0 ss:$0x1] =	vst.idx.msk $0xffff, v2  }
0x2d: {  	v2 =	vld.idx.msk [tilespmem:v0+s19+$0x50 ss:$0x1], $0xffff;
	[tilespmem:v1+s18+$0x10 ss:$0x1] =	vst.idx.msk $0xffff, v3  }
0x2e: {  	p1 =	por p0, p0;
	v3 =	vld.idx.msk [tilespmem:v0+s19+$0x60 ss:$0x1], $0xffff;
	[tilespmem:v1+s18+$0x20 ss:$0x1] =	vst.idx.msk $0xffff, v4  }
.Ltmp3:
0x2f: {  	[tilespmem:v1+s18+$0x30 ss:$0x1] =	vst.idx.msk $0xffff, v5;
	(pc) =	sbr.rel @p1 .LBB1_4-.Ltmp3, $4  }
0x30: {  	[tilespmem:v1+s18+$0x40 ss:$0x1] =	vst.idx.msk $0xffff, v6  }
0x31: {  	[tilespmem:v1+s18+$0x70 ss:$0x1] =	vst.idx.msk $0xffff, v63  }
0x32: {  	[tilespmem:v1+s18+$0x50 ss:$0x1] =	vst.idx.msk $0xffff, v2  }
0x33: {  	p0 =	por $0x0, $0x0;
	[tilespmem:v1+s18+$0x60 ss:$0x1] =	vst.idx.msk $0xffff, v3;
	s18 =	simm.s32 $0x1  }
0x34: {  	s17 =	sadd.s32 $0x1, s17  }
0x35: {  	p0 =	sne.s32 s17, $0x40  }
.Ltmp4:
0x36: {  	_ = 	snop;
	(pc) =	sbr.rel @p0 .LBB1_3-.Ltmp4, $1  }
0x37: {  	_ =	sdelay $0x3  }
.Ltmp5:
0x38: {  	(pc) =	sbr.rel .LBB1_7-.Ltmp5, $4  }
0x39: {  	s14 =	sshll.u32 s14, $0x11;
	s13 =	sshll.u32 s13, $0x4  }
0x3a: {  	s13 =	sand.u32 $0xFFF0, s13;
	s14 =	sadd.s32 s2, s14  }
0x3b: {  	s13 =	sadd.s32 s13, s14  }
0x3c: {  	[hbm4b:s13+s8] =	stream.strided.scatter [tilespmem:s15], [sflag:$0x2], $0x4000, s9, s8, $0x38;
	[tilespmem:$0x10000] =	vst v63  }
.LBB1_8:
0x3d: {  	_ =	sfence.sel $0x180000  }
0x3e: {  	s1 =	simm.s32 $0x1;
	[bflag:$0x0] =	sbarrier.arrive $0xFFFF  }
0x3f: {  	s31 =	simm.s32 $0x2;
	[sflag:s1] =	ssyncpa.u1 $0x1  }
0x40: {  	[sflag:s31] =	ssyncpa.u1 $0x1  }
0x41: {  	p0 =	sne.s32 s4, $0x0;
	_ =	strace $0x90000047  }
0x42: {  	s0 =	sadd.s32 @!p0 $0x100000, s0;
	[bflag:$0x2] =	sbarrier.arrive $0xFFFF  }
0x43: {  	[sflag:s0] =	ssyncadd.tile.s32 @!p0 $0x1;
	_ =	shalt  }
.Lfunc_end1:
_tile_overlayer_lowered:
.L_overlay_start_2:
0x44: {  	(tag) =	ssettag $0x2  }
0x45: {  	s0 =	rddreg [dreg:$0x0];
	s2 =	stileid.u32  }
0x46: {  	s1 =	rddreg [dreg:$0x1];
	p0 =	sne.s32 s2, $0x0  }
0x47: {  	s3 =	rddreg [dreg:$0x2];
	[bflag:$0x3] =	sbarrier.arrive $0xFFFF;
	s2 =	simm.s32 @!p0 $0x1C01  }
0x48: {  	[timem:s3], [sflag:s2] =	dma.local @!p0 [hbm:s0], s1  }
0x49: {  	s0 =	simm.s32 @!p0 $0x1  }
0x4a: {  	_ =	swait.ge @!p0 [sflag:s0], s1  }
0x4b: {  	s1 =	ssub.s32 @!p0 $0x0, s1;
	[sflag:s0] =	ssyncset.done @!p0 $0x0  }
0x4c: {  	[sflag:s0] =	ssyncadd.s32 @!p0 s1  }
0x4d: {  	[bflag:$0x3] =	sbarrier.arrive $0xFFFF  }
0x4e: {  	_ =	shalt  }

</sc_bundles>
